<compile_context>
chip_gen: v7x
topology: tpu7x:2x2x1
jax: 0.10.2.dev20260603
libtpu: 0.0.44.dev20260713+nightly
codegen_flags: <defaults>
</compile_context>

<pallas_src>
import functools

import jax
import jax.numpy as jnp
from jax import lax
from jax.experimental import pallas as pl
from jax.experimental.pallas import tpu as pltpu
from jax.experimental.pallas import tpu_sc as plsc

_N, _T, _F = 1024, 512, 256
_B = 8
_S = 384

_NC, _NS = 2, 16
_NW = _NC * _NS
_SC_NODES_PER_W = _S // _NW
_CH = 64
_NV = _F // 16

_NB = 64
_TB = 64
_NT = _T // _TB
_TC_N = _N - _S
_GRP_OFF = _S // _NB


def _sc_body(x_hbm, meta_hbm, q_hbm, out_hbm, xb0, xb1, qv, ov, mv,
             sem0, sem1):
    wid = lax.axis_index("s") * _NC + lax.axis_index("c")
    pltpu.sync_copy(meta_hbm, mv)
    pltpu.sync_copy(q_hbm, qv)
    lane = lax.iota(jnp.int32, 16)
    dnums = lax.GatherDimensionNumbers(
        offset_dims=(), collapsed_slice_dims=(0,), start_index_map=(0,))

    def per_node(i, carry):
        node = i * _NW + wid
        ptrv = mv[pl.ds(0, 16)]
        lenv = mv[pl.ds(16, 16)]
        gv = jnp.where((lane >= 1) & (lane <= _B - 1) & (ptrv <= node), 1, 0)
        g = jnp.sum(gv)
        node_len = jnp.sum(jnp.where(lane == g, lenv, 0))
        nch = (node_len + _CH - 1) // _CH

        pltpu.async_copy(x_hbm.at[node, pl.ds(0, _CH), :], xb0, sem0)

        @pl.when(nch > 1)
        def _prime1():
            pltpu.async_copy(x_hbm.at[node, pl.ds(_CH, _CH), :], xb1, sem1)

        zero = jnp.zeros((16,), jnp.float32)
        for j in range(_NV):
            ov[pl.ds(16 * j, 16)] = zero

        def outer(k, qs):
            for b, (buf, sem) in enumerate(((xb0, sem0), (xb1, sem1))):
                c = 2 * k + b

                @pl.when(c < nch)
                def _wait():
                    pltpu.make_async_copy(
                        x_hbm.at[node, pl.ds(0, _CH), :], buf, sem).wait()

                rows = jnp.maximum(
                    0, jnp.minimum(_CH, node_len - c * _CH))

                def per_row(t, qs, buf=buf):
                    xs = [buf[t, pl.ds(16 * j, 16)] for j in range(_NV)]
                    ps = [xs[j] * qs[j] for j in range(_NV)]
                    while len(ps) > 1:
                        ps = [ps[m] + ps[m + 1] for m in range(0, len(ps), 2)]
                    d = ps[0]
                    for shift in (8, 4, 2, 1):
                        idx = jnp.bitwise_xor(lane, shift)
                        d = d + lax.gather(
                            d, idx[:, None], dnums, (1,),
                            mode=lax.GatherScatterMode.PROMISE_IN_BOUNDS)
                    for j in range(_NV):
                        plsc.addupdate(ov.at[pl.ds(16 * j, 16)], xs[j] * d)
                    return qs

                qs = plsc.parallel_loop(0, rows, 1, unroll=4, carry=qs)(per_row)

                @pl.when(c + 2 < nch)
                def _start_next():
                    pltpu.async_copy(
                        x_hbm.at[node, pl.ds((c + 2) * _CH, _CH), :], buf, sem)
            return qs

        qs = tuple(qv[pl.ds(16 * j, 16)] for j in range(_NV))
        lax.fori_loop(0, (nch + 1) // 2, outer, qs)
        pltpu.sync_copy(ov, out_hbm.at[node])
        return carry

    lax.fori_loop(0, _SC_NODES_PER_W, per_node, jnp.int32(0))


def _sc_run(nodes_output, meta, Wq_w):
    mesh = plsc.VectorSubcoreMesh(core_axis_name="c", subcore_axis_name="s")
    run = functools.partial(
        pl.kernel,
        mesh=mesh,
        out_type=jax.ShapeDtypeStruct((_S, _F), jnp.float32),
        compiler_params=pltpu.CompilerParams(needs_layout_passes=False),
        scratch_types=[
            pltpu.VMEM((_CH, _F), jnp.float32),
            pltpu.VMEM((_CH, _F), jnp.float32),
            pltpu.VMEM((_F,), jnp.float32),
            pltpu.VMEM((_F,), jnp.float32),
            pltpu.VMEM((32,), jnp.int32),
            pltpu.SemaphoreType.DMA,
            pltpu.SemaphoreType.DMA,
        ],
    )(_sc_body)
    return run(nodes_output, meta, Wq_w)


def _tc_body(nlen_ref, nblk_ref, x_ref, q_ref, o_ref):
    n = pl.program_id(0)
    t = pl.program_id(1)

    @pl.when(t == 0)
    def _init():
        o_ref[...] = jnp.zeros_like(o_ref)

    @pl.when(t < nblk_ref[n])
    def _step():
        q = q_ref[0]
        x2 = x_ref[...].reshape(_NB * _TB, _F)
        s = jax.lax.dot_general(
            x2, q.reshape(_F, 1),
            dimension_numbers=(((1,), (0,)), ((), ())),
            preferred_element_type=jnp.float32,
        )
        sg = 8
        cols = sg * _TB
        col = lax.broadcasted_iota(jnp.int32, (sg, cols), 1)
        row = lax.broadcasted_iota(jnp.int32, (sg, cols), 0)
        diag = col // _TB == row
        t_loc = (col - row * _TB) + t * _TB
        s2 = s.reshape(_NB // sg, 1, cols)
        for j in range(_NB // sg):
            lens = jnp.concatenate(
                [jnp.full((1, cols), nlen_ref[n * _NB + j * sg + k], jnp.int32)
                 for k in range(sg)], axis=0)
            w_bd = jnp.where(diag & (t_loc < lens), s2[j], 0.0)
            o_ref[j * sg:(j + 1) * sg, :] += jax.lax.dot_general(
                w_bd, x_ref[j * sg:(j + 1) * sg].reshape(cols, _F),
                dimension_numbers=(((1,), (0,)), ((), ())),
                preferred_element_type=jnp.float32,
            )


def _tc_run(nodes_output, node_len_tc, grp_nblk, q2):
    grid_spec = pltpu.PrefetchScalarGridSpec(
        num_scalar_prefetch=2,
        grid=(_TC_N // _NB, _NT),
        in_specs=[
            pl.BlockSpec(
                (_NB, _TB, _F),
                lambda n, t, nlen, nblk: (
                    n + _GRP_OFF, jnp.minimum(t, nblk[n] - 1), 0),
            ),
            pl.BlockSpec((1, _F), lambda n, t, nlen, nblk: (0, 0)),
        ],
        out_specs=pl.BlockSpec((_NB, _F), lambda n, t, nlen, nblk: (n, 0)),
    )
    return pl.pallas_call(
        _tc_body,
        grid_spec=grid_spec,
        out_shape=jax.ShapeDtypeStruct((_TC_N, _F), jnp.float32),
    )(node_len_tc, grp_nblk, nodes_output, q2)


def kernel(nodes_output, ptr, lengths, Wq_w):
    ptr_i = ptr.astype(jnp.int32)
    len_i = lengths.astype(jnp.int32)

    meta = jnp.full((32,), _N + _T, jnp.int32)
    meta = meta.at[0:_B + 1].set(ptr_i).at[16:16 + _B].set(len_i)

    num_nodes = ptr_i[1:] - ptr_i[:-1]
    node_len = jnp.repeat(len_i, num_nodes, total_repeat_length=_N)
    node_len_tc = node_len[_S:]
    grp_max = jnp.max(node_len_tc.reshape(_TC_N // _NB, _NB), axis=1)
    grp_nblk = (grp_max + (_TB - 1)) // _TB
    q2 = Wq_w.reshape(1, _F)

    sc_out = _sc_run(nodes_output, meta, Wq_w)
    tc_out = _tc_run(nodes_output, node_len_tc, grp_nblk, q2)
    return jnp.concatenate([sc_out, tc_out], axis=0)

# --- scband reference (transcript-rebuilt; emitter-appended) ---
"""Pipeline reference for scband-aggregate-nodes-temporal-feature-26036091749093 (READ-ONLY COPY).

The authoritative reference and input builder live on the scoring server;
editing this copy changes nothing except your own understanding.
"""

import jax, jax.numpy as jnp
import numpy as np

N_TOTAL = 1024   # total nodes across batched graphs (n_1+n_2+...)
T_MAX = 512      # max temporal length
F_DIM = 256      # item_embed_dim
B = 8            # number of graphs in batch


def setup_inputs(seed: int = 0) -> dict:
    key = jax.random.key(seed)
    k1, k2, k3, k4 = jax.random.split(key, 4)
    nodes_output = jax.random.normal(k1, (N_TOTAL, T_MAX, F_DIM), dtype=jnp.float32)
    # graph.ptr: monotone offsets with ptr[0]=0, ptr[-1]=N_TOTAL
    interior = jnp.sort(jax.random.randint(k2, (B - 1,), 0, N_TOTAL + 1))
    ptr = jnp.concatenate([jnp.zeros((1,), dtype=interior.dtype), interior,
                           jnp.full((1,), N_TOTAL, dtype=interior.dtype)])
    # per-graph valid temporal lengths in [1, T_MAX]
    lengths = jax.random.randint(k3, (B,), 1, T_MAX + 1)
    # Wq: nn.Linear(F_DIM, 1, bias=False) -> weight vector of shape [F_DIM]
    Wq_w = (jax.random.normal(k4, (F_DIM,), dtype=jnp.float32) * (1.0 / np.sqrt(F_DIM))).astype(jnp.float32)
    return {"nodes_output": nodes_output, "ptr": ptr, "lengths": lengths, "Wq_w": Wq_w}


def reference(nodes_output, ptr, lengths, Wq_w):
    # Vectorized, mathematically faithful version of the per-graph python loop:
    # for each node belonging to graph g, aggregate over t < lengths[g] with
    # weight w_t = Wq(x_t) (no softmax), producing [N_TOTAL, F].
    n_total = nodes_output.shape[0]
    t_max = nodes_output.shape[1]
    num_nodes = ptr[1:] - ptr[:-1]
    # broadcast each graph's length to its nodes
    node_len = jnp.repeat(lengths, num_nodes, total_repeat_length=n_total)  # [N]
    # scores = Wq(x): [N, T]
    scores = jnp.einsum('ntf,f->nt', nodes_output, Wq_w)
    t_idx = jnp.arange(t_max)
    mask = t_idx[None, :] < node_len[:, None]  # [N, T]
    w = jnp.where(mask, scores, 0.0)
    # weights.matmul(output_node_features).squeeze(1): weighted sum over valid t
    aggregated = jnp.einsum('nt,ntf->nf', w, nodes_output)
    return aggregated

if __name__ == "__main__":
    import jax
    _d = setup_inputs()
    print(jax.jit(kernel)(*tuple(_d.values())))

</pallas_src>

<mosaic_0001>
#map = affine_map<(d0, d1) -> (0, 0, 0)>
#map1 = affine_map<(d0, d1) -> (0)>
#map2 = affine_map<(d0, d1) -> (0, 0)>
module attributes {stable_mosaic.version = 14 : i64} {
  func.func @_sc_body(%arg0: i32, %arg1: i32, %arg2: memref<1024x512x256xf32, #tpu.memory_space<hbm>>, %arg3: memref<32xi32, #tpu.memory_space<hbm>>, %arg4: memref<256xf32, #tpu.memory_space<hbm>>, %arg5: memref<384x256xf32, #tpu.memory_space<hbm>>, %arg6: memref<64x256xf32, #tpu.memory_space<vmem>>, %arg7: memref<64x256xf32, #tpu.memory_space<vmem>>, %arg8: memref<256xf32, #tpu.memory_space<vmem>>, %arg9: memref<256xf32, #tpu.memory_space<vmem>>, %arg10: memref<32xi32, #tpu.memory_space<vmem>>, %arg11: memref<!tpu.dma_semaphore, #tpu.memory_space<semaphore_mem>>, %arg12: memref<!tpu.dma_semaphore, #tpu.memory_space<semaphore_mem>>) attributes {dimension_semantics = [#tpu.dimension_semantics<core_parallel>, #tpu.dimension_semantics<subcore_parallel>], iteration_bounds = array<i64: 2, 16>, scalar_prefetch = 0 : i64, scratch_operands = 7 : i64, tpu.core_type = #tpu.core_type<sc_vector_subcore>, window_params = [{transform_indices = #map}, {transform_indices = #map1}, {transform_indices = #map1}, {transform_indices = #map2}]} {
    %mul3A = arith.constant 2 : i32
    %mul3A_0 = arith.muli %arg1, %mul3A : i32
    %add3A = arith.addi %mul3A_0, %arg0 : i32
    "tpu.region"() ({
      %run_scoped3A = tpu.sem_alloc : memref<!tpu.dma_semaphore, #tpu.memory_space<semaphore_mem>>
      tpu.enqueue_dma source(%arg3 : memref<32xi32, #tpu.memory_space<hbm>>) target(%arg10 : memref<32xi32, #tpu.memory_space<vmem>>) target_semaphore(%run_scoped3A : memref<!tpu.dma_semaphore, #tpu.memory_space<semaphore_mem>>)
      tpu.wait_dma2 semaphore(%run_scoped3A : memref<!tpu.dma_semaphore, #tpu.memory_space<semaphore_mem>>) src(%arg3 : memref<32xi32, #tpu.memory_space<hbm>>) dst(%arg10 : memref<32xi32, #tpu.memory_space<vmem>>)
      tpu.yield
    }) : () -> ()
    "tpu.region"() ({
      %run_scoped3A = tpu.sem_alloc : memref<!tpu.dma_semaphore, #tpu.memory_space<semaphore_mem>>
      tpu.enqueue_dma source(%arg4 : memref<256xf32, #tpu.memory_space<hbm>>) target(%arg8 : memref<256xf32, #tpu.memory_space<vmem>>) target_semaphore(%run_scoped3A : memref<!tpu.dma_semaphore, #tpu.memory_space<semaphore_mem>>)
      tpu.wait_dma2 semaphore(%run_scoped3A : memref<!tpu.dma_semaphore, #tpu.memory_space<semaphore_mem>>) src(%arg4 : memref<256xf32, #tpu.memory_space<hbm>>) dst(%arg8 : memref<256xf32, #tpu.memory_space<vmem>>)
      tpu.yield
    }) : () -> ()
    %iota3A = tpu.iota {dimensions = array<i32: 0>} : vector<16xi32>
    %scan3A = arith.constant 0 : i32
    %scan3A_1 = arith.constant 0 : i32
    %scan3A_2 = arith.constant 12 : i32
    %scan3A_3 = arith.addi %scan3A_1, %scan3A_2 : i32
    %scan3A_4 = arith.constant 1 : i32
    scf.for %scan3A_6 = %scan3A_1 to %scan3A_3 step %scan3A_4  : i32 {
      %mul3A_7 = arith.constant 32 : i32
      %mul3A_8 = arith.muli %scan3A_6, %mul3A_7 : i32
      %add3A_9 = arith.addi %mul3A_8, %add3A : i32
      %get3A = arith.constant 0 : index
      %get3A_10 = tpu.vector_load %arg10[%get3A] {strides = array<i32>} : memref<32xi32, #tpu.memory_space<vmem>>, vector<16xi32>,
      %get3A_11 = arith.constant 16 : index
      %get3A_12 = tpu.vector_load %arg10[%get3A_11] {strides = array<i32>} : memref<32xi32, #tpu.memory_space<vmem>>, vector<16xi32>,
      %ge3A = arith.constant 1 : i32
      %ge3A_13 = vector.broadcast %ge3A : i32 to vector<16xi32>
      %ge3A_14 = arith.cmpi sge, %iota3A, %ge3A_13 : vector<16xi32>
      %le3A = arith.constant 7 : i32
      %le3A_15 = vector.broadcast %le3A : i32 to vector<16xi32>
      %le3A_16 = arith.cmpi sle, %iota3A, %le3A_15 : vector<16xi32>
      %and3A = arith.andi %ge3A_14, %le3A_16 : vector<16xi1>
      %le3A_17 = vector.broadcast %add3A_9 : i32 to vector<16xi32>
      %le3A_18 = arith.cmpi sle, %get3A_10, %le3A_17 : vector<16xi32>
      %and3A_19 = arith.andi %and3A, %le3A_18 : vector<16xi1>
      %jit3A = arith.constant 1 : i32
      %jit3A_20 = arith.constant 0 : i32
      %broadcast_in_dim3A = vector.broadcast %jit3A : i32 to vector<16xi32>
      %broadcast_in_dim3A_21 = vector.broadcast %jit3A_20 : i32 to vector<16xi32>
      %select_n3A = arith.select %and3A_19, %broadcast_in_dim3A, %broadcast_in_dim3A_21 : vector<16xi1>, vector<16xi32>
      %reduce_sum3A = arith.constant true
      %reduce_sum3A_22 = vector.broadcast %reduce_sum3A : i1 to vector<16xi1>
      %reduce_sum3A_23 = tpu.scan <sum>, %select_n3A masked %reduce_sum3A_22 : vector<16xi32>, vector<16xi1> -> vector<16xi32>
      %reduce_sum3A_24 = vector.extract %reduce_sum3A_23[15] : i32 from vector<16xi32>
      %eq3A = vector.broadcast %reduce_sum3A_24 : i32 to vector<16xi32>
      %eq3A_25 = arith.cmpi eq, %iota3A, %eq3A : vector<16xi32>
      %jit3A_26 = arith.constant 0 : i32
      %broadcast_in_dim3A_27 = vector.broadcast %jit3A_26 : i32 to vector<16xi32>
      %select_n3A_28 = arith.select %eq3A_25, %get3A_12, %broadcast_in_dim3A_27 : vector<16xi1>, vector<16xi32>
      %reduce_sum3A_29 = arith.constant true
      %reduce_sum3A_30 = vector.broadcast %reduce_sum3A_29 : i1 to vector<16xi1>
      %reduce_sum3A_31 = tpu.scan <sum>, %select_n3A_28 masked %reduce_sum3A_30 : vector<16xi32>, vector<16xi1> -> vector<16xi32>
      %reduce_sum3A_32 = vector.extract %reduce_sum3A_31[15] : i32 from vector<16xi32>
      %add3A_33 = arith.constant 64 : i32
      %add3A_34 = arith.addi %reduce_sum3A_32, %add3A_33 : i32
      %sub3A = arith.constant 1 : i32
      %sub3A_35 = arith.subi %add3A_34, %sub3A : i32
      %jit3A_36 = arith.constant 64 : i32
      %div3A = arith.divsi %sub3A_35, %jit3A_36 : i32
      %sign3A = arith.constant 0 : i32
      %sign3A_37 = arith.cmpi sgt, %sub3A_35, %sign3A : i32
      %sign3A_38 = arith.extui %sign3A_37 : i1 to i32
      %sign3A_39 = arith.constant 0 : i32
      %sign3A_40 = arith.cmpi slt, %sub3A_35, %sign3A_39 : i32
      %sign3A_41 = arith.extui %sign3A_40 : i1 to i32
      %sign3A_42 = arith.subi %sign3A_38, %sign3A_41 : i32
      %sign3A_43 = arith.constant 0 : i32
      %sign3A_44 = arith.cmpi sgt, %jit3A_36, %sign3A_43 : i32
      %sign3A_45 = arith.extui %sign3A_44 : i1 to i32
      %sign3A_46 = arith.constant 0 : i32
      %sign3A_47 = arith.cmpi slt, %jit3A_36, %sign3A_46 : i32
      %sign3A_48 = arith.extui %sign3A_47 : i1 to i32
      %sign3A_49 = arith.subi %sign3A_45, %sign3A_48 : i32
      %ne3A = arith.cmpi ne, %sign3A_42, %sign3A_49 : i32
      %rem3A = arith.remsi %sub3A_35, %jit3A_36 : i32
      %ne3A_50 = arith.constant 0 : i32
      %ne3A_51 = arith.cmpi ne, %rem3A, %ne3A_50 : i32
      %and3A_52 = arith.andi %ne3A, %ne3A_51 : i1
      %sub3A_53 = arith.constant 1 : i32
      %sub3A_54 = arith.subi %div3A, %sub3A_53 : i32
      %select_n3A_55 = arith.select %and3A_52, %sub3A_54, %div3A : i32
      %dma_start3A = arith.constant 0 : i32
      %dma_start3A_56 = arith.constant 0 : i32
      %dma_start3A_57 = tpu.memref_slice %arg2[%add3A_9, %dma_start3A, %dma_start3A_56] : memref<1024x512x256xf32, #tpu.memory_space<hbm>> -> memref<1x64x256xf32, #tpu.memory_space<hbm>>
      %dma_start3A_58 = tpu.memref_squeeze %dma_start3A_57 : memref<1x64x256xf32, #tpu.memory_space<hbm>> -> memref<64x256xf32, #tpu.memory_space<hbm>>
      %dma_start3A_59 = arith.constant 0 : i32
      %dma_start3A_60 = arith.constant 0 : i32
      %dma_start3A_61 = tpu.memref_slice %arg2[%add3A_9, %dma_start3A_59, %dma_start3A_60] : memref<1024x512x256xf32, #tpu.memory_space<hbm>> -> memref<1x64x256xf32, #tpu.memory_space<hbm>>
      %dma_start3A_62 = tpu.memref_squeeze %dma_start3A_61 : memref<1x64x256xf32, #tpu.memory_space<hbm>> -> memref<64x256xf32, #tpu.memory_space<hbm>>
      tpu.enqueue_dma source(%dma_start3A_62 : memref<64x256xf32, #tpu.memory_space<hbm>>) target(%arg6 : memref<64x256xf32, #tpu.memory_space<vmem>>) target_semaphore(%arg11 : memref<!tpu.dma_semaphore, #tpu.memory_space<semaphore_mem>>)
      %gt3A = arith.constant 1 : i32
      %gt3A_63 = arith.cmpi sgt, %select_n3A_55, %gt3A : i32
      %convert_element_type3A = arith.extui %gt3A_63 : i1 to i32
      %cond3A = arith.constant 0 : i32
      %cond3A_64 = arith.cmpi ne, %convert_element_type3A, %cond3A : i32
      scf.if %cond3A_64 {
        %dma_start3A_166 = arith.constant 64 : i32
        %dma_start3A_167 = arith.constant 0 : i32
        %dma_start3A_168 = tpu.memref_slice %arg2[%add3A_9, %dma_start3A_166, %dma_start3A_167] : memref<1024x512x256xf32, #tpu.memory_space<hbm>> -> memref<1x64x256xf32, #tpu.memory_space<hbm>>
        %dma_start3A_169 = tpu.memref_squeeze %dma_start3A_168 : memref<1x64x256xf32, #tpu.memory_space<hbm>> -> memref<64x256xf32, #tpu.memory_space<hbm>>
        %dma_start3A_170 = arith.constant 64 : i32
        %dma_start3A_171 = arith.constant 0 : i32
        %dma_start3A_172 = tpu.memref_slice %arg2[%add3A_9, %dma_start3A_170, %dma_start3A_171] : memref<1024x512x256xf32, #tpu.memory_space<hbm>> -> memref<1x64x256xf32, #tpu.memory_space<hbm>>
        %dma_start3A_173 = tpu.memref_squeeze %dma_start3A_172 : memref<1x64x256xf32, #tpu.memory_space<hbm>> -> memref<64x256xf32, #tpu.memory_space<hbm>>
        tpu.enqueue_dma source(%dma_start3A_173 : memref<64x256xf32, #tpu.memory_space<hbm>>) target(%arg7 : memref<64x256xf32, #tpu.memory_space<vmem>>) target_semaphore(%arg12 : memref<!tpu.dma_semaphore, #tpu.memory_space<semaphore_mem>>)
      } else {
      }
      %broadcast_in_dim3A_65 = arith.constant 0.000000e+00 : f32
      %broadcast_in_dim3A_66 = vector.broadcast %broadcast_in_dim3A_65 : f32 to vector<16xf32>
      %swap3A = arith.constant 0 : index
      %swap3A_67 = tpu.vector_load %arg9[%swap3A] {strides = array<i32>} : memref<256xf32, #tpu.memory_space<vmem>>, vector<16xf32>,
      tpu.vector_store %arg9[%swap3A], %broadcast_in_dim3A_66 {strides = array<i32>} : memref<256xf32, #tpu.memory_space<vmem>>, vector<16xf32>,
      %swap3A_68 = arith.constant 16 : index
      %swap3A_69 = tpu.vector_load %arg9[%swap3A_68] {strides = array<i32>} : memref<256xf32, #tpu.memory_space<vmem>>, vector<16xf32>,
      tpu.vector_store %arg9[%swap3A_68], %broadcast_in_dim3A_66 {strides = array<i32>} : memref<256xf32, #tpu.memory_space<vmem>>, vector<16xf32>,
      %swap3A_70 = arith.constant 32 : index
      %swap3A_71 = tpu.vector_load %arg9[%swap3A_70] {strides = array<i32>} : memref<256xf32, #tpu.memory_space<vmem>>, vector<16xf32>,
      tpu.vector_store %arg9[%swap3A_70], %broadcast_in_dim3A_66 {strides = array<i32>} : memref<256xf32, #tpu.memory_space<vmem>>, vector<16xf32>,
      %swap3A_72 = arith.constant 48 : index
      %swap3A_73 = tpu.vector_load %arg9[%swap3A_72] {strides = array<i32>} : memref<256xf32, #tpu.memory_space<vmem>>, vector<16xf32>,
      tpu.vector_store %arg9[%swap3A_72], %broadcast_in_dim3A_66 {strides = array<i32>} : memref<256xf32, #tpu.memory_space<vmem>>, vector<16xf32>,
      %swap3A_74 = arith.constant 64 : index
      %swap3A_75 = tpu.vector_load %arg9[%swap3A_74] {strides = array<i32>} : memref<256xf32, #tpu.memory_space<vmem>>, vector<16xf32>,
      tpu.vector_store %arg9[%swap3A_74], %broadcast_in_dim3A_66 {strides = array<i32>} : memref<256xf32, #tpu.memory_space<vmem>>, vector<16xf32>,
      %swap3A_76 = arith.constant 80 : index
      %swap3A_77 = tpu.vector_load %arg9[%swap3A_76] {strides = array<i32>} : memref<256xf32, #tpu.memory_space<vmem>>, vector<16xf32>,
      tpu.vector_store %arg9[%swap3A_76], %broadcast_in_dim3A_66 {strides = array<i32>} : memref<256xf32, #tpu.memory_space<vmem>>, vector<16xf32>,
      %swap3A_78 = arith.constant 96 : index
      %swap3A_79 = tpu.vector_load %arg9[%swap3A_78] {strides = array<i32>} : memref<256xf32, #tpu.memory_space<vmem>>, vector<16xf32>,
      tpu.vector_store %arg9[%swap3A_78], %broadcast_in_dim3A_66 {strides = array<i32>} : memref<256xf32, #tpu.memory_space<vmem>>, vector<16xf32>,
      %swap3A_80 = arith.constant 112 : index
      %swap3A_81 = tpu.vector_load %arg9[%swap3A_80] {strides = array<i32>} : memref<256xf32, #tpu.memory_space<vmem>>, vector<16xf32>,
      tpu.vector_store %arg9[%swap3A_80], %broadcast_in_dim3A_66 {strides = array<i32>} : memref<256xf32, #tpu.memory_space<vmem>>, vector<16xf32>,
      %swap3A_82 = arith.constant 128 : index
      %swap3A_83 = tpu.vector_load %arg9[%swap3A_82] {strides = array<i32>} : memref<256xf32, #tpu.memory_space<vmem>>, vector<16xf32>,
      tpu.vector_store %arg9[%swap3A_82], %broadcast_in_dim3A_66 {strides = array<i32>} : memref<256xf32, #tpu.memory_space<vmem>>, vector<16xf32>,
      %swap3A_84 = arith.constant 144 : index
      %swap3A_85 = tpu.vector_load %arg9[%swap3A_84] {strides = array<i32>} : memref<256xf32, #tpu.memory_space<vmem>>, vector<16xf32>,
      tpu.vector_store %arg9[%swap3A_84], %broadcast_in_dim3A_66 {strides = array<i32>} : memref<256xf32, #tpu.memory_space<vmem>>, vector<16xf32>,
      %swap3A_86 = arith.constant 160 : index
      %swap3A_87 = tpu.vector_load %arg9[%swap3A_86] {strides = array<i32>} : memref<256xf32, #tpu.memory_space<vmem>>, vector<16xf32>,
      tpu.vector_store %arg9[%swap3A_86], %broadcast_in_dim3A_66 {strides = array<i32>} : memref<256xf32, #tpu.memory_space<vmem>>, vector<16xf32>,
      %swap3A_88 = arith.constant 176 : index
      %swap3A_89 = tpu.vector_load %arg9[%swap3A_88] {strides = array<i32>} : memref<256xf32, #tpu.memory_space<vmem>>, vector<16xf32>,
      tpu.vector_store %arg9[%swap3A_88], %broadcast_in_dim3A_66 {strides = array<i32>} : memref<256xf32, #tpu.memory_space<vmem>>, vector<16xf32>,
      %swap3A_90 = arith.constant 192 : index
      %swap3A_91 = tpu.vector_load %arg9[%swap3A_90] {strides = array<i32>} : memref<256xf32, #tpu.memory_space<vmem>>, vector<16xf32>,
      tpu.vector_store %arg9[%swap3A_90], %broadcast_in_dim3A_66 {strides = array<i32>} : memref<256xf32, #tpu.memory_space<vmem>>, vector<16xf32>,
      %swap3A_92 = arith.constant 208 : index
      %swap3A_93 = tpu.vector_load %arg9[%swap3A_92] {strides = array<i32>} : memref<256xf32, #tpu.memory_space<vmem>>, vector<16xf32>,
      tpu.vector_store %arg9[%swap3A_92], %broadcast_in_dim3A_66 {strides = array<i32>} : memref<256xf32, #tpu.memory_space<vmem>>, vector<16xf32>,
      %swap3A_94 = arith.constant 224 : index
      %swap3A_95 = tpu.vector_load %arg9[%swap3A_94] {strides = array<i32>} : memref<256xf32, #tpu.memory_space<vmem>>, vector<16xf32>,
      tpu.vector_store %arg9[%swap3A_94], %broadcast_in_dim3A_66 {strides = array<i32>} : memref<256xf32, #tpu.memory_space<vmem>>, vector<16xf32>,
      %swap3A_96 = arith.constant 240 : index
      %swap3A_97 = tpu.vector_load %arg9[%swap3A_96] {strides = array<i32>} : memref<256xf32, #tpu.memory_space<vmem>>, vector<16xf32>,
      tpu.vector_store %arg9[%swap3A_96], %broadcast_in_dim3A_66 {strides = array<i32>} : memref<256xf32, #tpu.memory_space<vmem>>, vector<16xf32>,
      %get3A_98 = arith.constant 0 : index
      %get3A_99 = tpu.vector_load %arg8[%get3A_98] {strides = array<i32>} : memref<256xf32, #tpu.memory_space<vmem>>, vector<16xf32>,
      %get3A_100 = arith.constant 16 : index
      %get3A_101 = tpu.vector_load %arg8[%get3A_100] {strides = array<i32>} : memref<256xf32, #tpu.memory_space<vmem>>, vector<16xf32>,
      %get3A_102 = arith.constant 32 : index
      %get3A_103 = tpu.vector_load %arg8[%get3A_102] {strides = array<i32>} : memref<256xf32, #tpu.memory_space<vmem>>, vector<16xf32>,
      %get3A_104 = arith.constant 48 : index
      %get3A_105 = tpu.vector_load %arg8[%get3A_104] {strides = array<i32>} : memref<256xf32, #tpu.memory_space<vmem>>, vector<16xf32>,
      %get3A_106 = arith.constant 64 : index
      %get3A_107 = tpu.vector_load %arg8[%get3A_106] {strides = array<i32>} : memref<256xf32, #tpu.memory_space<vmem>>, vector<16xf32>,
      %get3A_108 = arith.constant 80 : index
      %get3A_109 = tpu.vector_load %arg8[%get3A_108] {strides = array<i32>} : memref<256xf32, #tpu.memory_space<vmem>>, vector<16xf32>,
      %get3A_110 = arith.constant 96 : index
      %get3A_111 = tpu.vector_load %arg8[%get3A_110] {strides = array<i32>} : memref<256xf32, #tpu.memory_space<vmem>>, vector<16xf32>,
      %get3A_112 = arith.constant 112 : index
      %get3A_113 = tpu.vector_load %arg8[%get3A_112] {strides = array<i32>} : memref<256xf32, #tpu.memory_space<vmem>>, vector<16xf32>,
      %get3A_114 = arith.constant 128 : index
      %get3A_115 = tpu.vector_load %arg8[%get3A_114] {strides = array<i32>} : memref<256xf32, #tpu.memory_space<vmem>>, vector<16xf32>,
      %get3A_116 = arith.constant 144 : index
      %get3A_117 = tpu.vector_load %arg8[%get3A_116] {strides = array<i32>} : memref<256xf32, #tpu.memory_space<vmem>>, vector<16xf32>,
      %get3A_118 = arith.constant 160 : index
      %get3A_119 = tpu.vector_load %arg8[%get3A_118] {strides = array<i32>} : memref<256xf32, #tpu.memory_space<vmem>>, vector<16xf32>,
      %get3A_120 = arith.constant 176 : index
      %get3A_121 = tpu.vector_load %arg8[%get3A_120] {strides = array<i32>} : memref<256xf32, #tpu.memory_space<vmem>>, vector<16xf32>,
      %get3A_122 = arith.constant 192 : index
      %get3A_123 = tpu.vector_load %arg8[%get3A_122] {strides = array<i32>} : memref<256xf32, #tpu.memory_space<vmem>>, vector<16xf32>,
      %get3A_124 = arith.constant 208 : index
      %get3A_125 = tpu.vector_load %arg8[%get3A_124] {strides = array<i32>} : memref<256xf32, #tpu.memory_space<vmem>>, vector<16xf32>,
      %get3A_126 = arith.constant 224 : index
      %get3A_127 = tpu.vector_load %arg8[%get3A_126] {strides = array<i32>} : memref<256xf32, #tpu.memory_space<vmem>>, vector<16xf32>,
      %get3A_128 = arith.constant 240 : index
      %get3A_129 = tpu.vector_load %arg8[%get3A_128] {strides = array<i32>} : memref<256xf32, #tpu.memory_space<vmem>>, vector<16xf32>,
      %add3A_130 = arith.constant 1 : i32
      %add3A_131 = arith.addi %select_n3A_55, %add3A_130 : i32
      %jit3A_132 = arith.constant 2 : i32
      %div3A_133 = arith.divsi %add3A_131, %jit3A_132 : i32
      %sign3A_134 = arith.constant 0 : i32
      %sign3A_135 = arith.cmpi sgt, %add3A_131, %sign3A_134 : i32
      %sign3A_136 = arith.extui %sign3A_135 : i1 to i32
      %sign3A_137 = arith.constant 0 : i32
      %sign3A_138 = arith.cmpi slt, %add3A_131, %sign3A_137 : i32
      %sign3A_139 = arith.extui %sign3A_138 : i1 to i32
      %sign3A_140 = arith.subi %sign3A_136, %sign3A_139 : i32
      %sign3A_141 = arith.constant 0 : i32
      %sign3A_142 = arith.cmpi sgt, %jit3A_132, %sign3A_141 : i32
      %sign3A_143 = arith.extui %sign3A_142 : i1 to i32
      %sign3A_144 = arith.constant 0 : i32
      %sign3A_145 = arith.cmpi slt, %jit3A_132, %sign3A_144 : i32
      %sign3A_146 = arith.extui %sign3A_145 : i1 to i32
      %sign3A_147 = arith.subi %sign3A_143, %sign3A_146 : i32
      %ne3A_148 = arith.cmpi ne, %sign3A_140, %sign3A_147 : i32
      %rem3A_149 = arith.remsi %add3A_131, %jit3A_132 : i32
      %ne3A_150 = arith.constant 0 : i32
      %ne3A_151 = arith.cmpi ne, %rem3A_149, %ne3A_150 : i32
      %and3A_152 = arith.andi %ne3A_148, %ne3A_151 : i1
      %sub3A_153 = arith.constant 1 : i32
      %sub3A_154 = arith.subi %div3A_133, %sub3A_153 : i32
      %select_n3A_155 = arith.select %and3A_152, %sub3A_154, %div3A_133 : i32
      %while3A = arith.constant 0 : i32
      %while3A_156 = arith.subi %select_n3A_155, %while3A : i32
      %while3A_157 = arith.addi %while3A, %while3A_156 : i32
      %while3A_158 = arith.constant 1 : i32
      %while3A_159 = arith.divsi %while3A_156, %while3A_158 : i32
      %while3A_160 = arith.muli %while3A_159, %while3A_158 : i32
      %while3A_161 = arith.addi %while3A, %while3A_160 : i32
      %while3A_162 = arith.constant 1 : i32
      %while3A_163:16 = scf.for %while3A_166 = %while3A to %while3A_161 step %while3A_162 iter_args(%while3A_167 = %get3A_99, %while3A_168 = %get3A_101, %while3A_169 = %get3A_103, %while3A_170 = %get3A_105, %while3A_171 = %get3A_107, %while3A_172 = %get3A_109, %while3A_173 = %get3A_111, %while3A_174 = %get3A_113, %while3A_175 = %get3A_115, %while3A_176 = %get3A_117, %while3A_177 = %get3A_119, %while3A_178 = %get3A_121, %while3A_179 = %get3A_123, %while3A_180 = %get3A_125, %while3A_181 = %get3A_127, %while3A_182 = %get3A_129) -> (vector<16xf32>, vector<16xf32>, vector<16xf32>, vector<16xf32>, vector<16xf32>, vector<16xf32>, vector<16xf32>, vector<16xf32>, vector<16xf32>, vector<16xf32>, vector<16xf32>, vector<16xf32>, vector<16xf32>, vector<16xf32>, vector<16xf32>, vector<16xf32>)  : i32 {
        %mul3A_183 = arith.constant 2 : i32
        %mul3A_184 = arith.muli %mul3A_183, %while3A_166 : i32
        %add3A_185 = arith.constant 0 : i32
        %add3A_186 = arith.addi %mul3A_184, %add3A_185 : i32
        %lt3A = arith.cmpi slt, %add3A_186, %select_n3A_55 : i32
        %convert_element_type3A_187 = arith.extui %lt3A : i1 to i32
        %cond3A_188 = arith.constant 0 : i32
        %cond3A_189 = arith.cmpi ne, %convert_element_type3A_187, %cond3A_188 : i32
        scf.if %cond3A_189 {
          %dma_wait3A = arith.constant 0 : i32
          %dma_wait3A_227 = arith.constant 0 : i32
          %dma_wait3A_228 = tpu.memref_slice %arg2[%add3A_9, %dma_wait3A, %dma_wait3A_227] : memref<1024x512x256xf32, #tpu.memory_space<hbm>> -> memref<1x64x256xf32, #tpu.memory_space<hbm>>
          %dma_wait3A_229 = tpu.memref_squeeze %dma_wait3A_228 : memref<1x64x256xf32, #tpu.memory_space<hbm>> -> memref<64x256xf32, #tpu.memory_space<hbm>>
          %dma_wait3A_230 = arith.constant 0 : i32
          %dma_wait3A_231 = arith.constant 0 : i32
          %dma_wait3A_232 = tpu.memref_slice %arg2[%add3A_9, %dma_wait3A_230, %dma_wait3A_231] : memref<1024x512x256xf32, #tpu.memory_space<hbm>> -> memref<1x64x256xf32, #tpu.memory_space<hbm>>
          %dma_wait3A_233 = tpu.memref_squeeze %dma_wait3A_232 : memref<1x64x256xf32, #tpu.memory_space<hbm>> -> memref<64x256xf32, #tpu.memory_space<hbm>>
          tpu.wait_dma2 semaphore(%arg11 : memref<!tpu.dma_semaphore, #tpu.memory_space<semaphore_mem>>) src(%dma_wait3A_233 : memref<64x256xf32, #tpu.memory_space<hbm>>) dst(%arg6 : memref<64x256xf32, #tpu.memory_space<vmem>>)
        } else {
        }
        %mul3A_190 = arith.constant 64 : i32
        %mul3A_191 = arith.muli %add3A_186, %mul3A_190 : i32
        %sub3A_192 = arith.subi %reduce_sum3A_32, %mul3A_191 : i32
        %min3A = arith.constant 64 : i32
        %min3A_193 = arith.minsi %min3A, %sub3A_192 : i32
        %max3A = arith.constant 0 : i32
        %max3A_194 = arith.maxsi %max3A, %min3A_193 : i32
        %parallel_loop3A = arith.constant 0 : i32
        %parallel_loop3A_195 = arith.constant 1 : i32
        %parallel_loop3A_196:16 = scf.for %parallel_loop3A_227 = %parallel_loop3A to %max3A_194 step %parallel_loop3A_195 iter_args(%parallel_loop3A_228 = %while3A_167, %parallel_loop3A_229 = %while3A_168, %parallel_loop3A_230 = %while3A_169, %parallel_loop3A_231 = %while3A_170, %parallel_loop3A_232 = %while3A_171, %parallel_loop3A_233 = %while3A_172, %parallel_loop3A_234 = %while3A_173, %parallel_loop3A_235 = %while3A_174, %parallel_loop3A_236 = %while3A_175, %parallel_loop3A_237 = %while3A_176, %parallel_loop3A_238 = %while3A_177, %parallel_loop3A_239 = %while3A_178, %parallel_loop3A_240 = %while3A_179, %parallel_loop3A_241 = %while3A_180, %parallel_loop3A_242 = %while3A_181, %parallel_loop3A_243 = %while3A_182) -> (vector<16xf32>, vector<16xf32>, vector<16xf32>, vector<16xf32>, vector<16xf32>, vector<16xf32>, vector<16xf32>, vector<16xf32>, vector<16xf32>, vector<16xf32>, vector<16xf32>, vector<16xf32>, vector<16xf32>, vector<16xf32>, vector<16xf32>, vector<16xf32>)  : i32 {
          %parallel_loop3A_244 = arith.index_cast %parallel_loop3A_227 : i32 to index
          %parallel_loop3A_245 = arith.constant 0 : index
          %parallel_loop3A_246 = tpu.vector_load %arg6[%parallel_loop3A_244, %parallel_loop3A_245] {strides = array<i32>} : memref<64x256xf32, #tpu.memory_space<vmem>>, vector<16xf32>,
          %parallel_loop3A_247 = arith.index_cast %parallel_loop3A_227 : i32 to index
          %parallel_loop3A_248 = arith.constant 16 : index
          %parallel_loop3A_249 = tpu.vector_load %arg6[%parallel_loop3A_247, %parallel_loop3A_248] {strides = array<i32>} : memref<64x256xf32, #tpu.memory_space<vmem>>, vector<16xf32>,
          %parallel_loop3A_250 = arith.index_cast %parallel_loop3A_227 : i32 to index
          %parallel_loop3A_251 = arith.constant 32 : index
          %parallel_loop3A_252 = tpu.vector_load %arg6[%parallel_loop3A_250, %parallel_loop3A_251] {strides = array<i32>} : memref<64x256xf32, #tpu.memory_space<vmem>>, vector<16xf32>,
          %parallel_loop3A_253 = arith.index_cast %parallel_loop3A_227 : i32 to index
          %parallel_loop3A_254 = arith.constant 48 : index
          %parallel_loop3A_255 = tpu.vector_load %arg6[%parallel_loop3A_253, %parallel_loop3A_254] {strides = array<i32>} : memref<64x256xf32, #tpu.memory_space<vmem>>, vector<16xf32>,
          %parallel_loop3A_256 = arith.index_cast %parallel_loop3A_227 : i32 to index
          %parallel_loop3A_257 = arith.constant 64 : index
          %parallel_loop3A_258 = tpu.vector_load %arg6[%parallel_loop3A_256, %parallel_loop3A_257] {strides = array<i32>} : memref<64x256xf32, #tpu.memory_space<vmem>>, vector<16xf32>,
          %parallel_loop3A_259 = arith.index_cast %parallel_loop3A_227 : i32 to index
          %parallel_loop3A_260 = arith.constant 80 : index
          %parallel_loop3A_261 = tpu.vector_load %arg6[%parallel_loop3A_259, %parallel_loop3A_260] {strides = array<i32>} : memref<64x256xf32, #tpu.memory_space<vmem>>, vector<16xf32>,
          %parallel_loop3A_262 = arith.index_cast %parallel_loop3A_227 : i32 to index
          %parallel_loop3A_263 = arith.constant 96 : index
          %parallel_loop3A_264 = tpu.vector_load %arg6[%parallel_loop3A_262, %parallel_loop3A_263] {strides = array<i32>} : memref<64x256xf32, #tpu.memory_space<vmem>>, vector<16xf32>,
          %parallel_loop3A_265 = arith.index_cast %parallel_loop3A_227 : i32 to index
          %parallel_loop3A_266 = arith.constant 112 : index
          %parallel_loop3A_267 = tpu.vector_load %arg6[%parallel_loop3A_265, %parallel_loop3A_266] {strides = array<i32>} : memref<64x256xf32, #tpu.memory_space<vmem>>, vector<16xf32>,
          %parallel_loop3A_268 = arith.index_cast %parallel_loop3A_227 : i32 to index
          %parallel_loop3A_269 = arith.constant 128 : index
          %parallel_loop3A_270 = tpu.vector_load %arg6[%parallel_loop3A_268, %parallel_loop3A_269] {strides = array<i32>} : memref<64x256xf32, #tpu.memory_space<vmem>>, vector<16xf32>,
          %parallel_loop3A_271 = arith.index_cast %parallel_loop3A_227 : i32 to index
          %parallel_loop3A_272 = arith.constant 144 : index
          %parallel_loop3A_273 = tpu.vector_load %arg6[%parallel_loop3A_271, %parallel_loop3A_272] {strides = array<i32>} : memref<64x256xf32, #tpu.memory_space<vmem>>, vector<16xf32>,
          %parallel_loop3A_274 = arith.index_cast %parallel_loop3A_227 : i32 to index
          %parallel_loop3A_275 = arith.constant 160 : index
          %parallel_loop3A_276 = tpu.vector_load %arg6[%parallel_loop3A_274, %parallel_loop3A_275] {strides = array<i32>} : memref<64x256xf32, #tpu.memory_space<vmem>>, vector<16xf32>,
          %parallel_loop3A_277 = arith.index_cast %parallel_loop3A_227 : i32 to index
          %parallel_loop3A_278 = arith.constant 176 : index
          %parallel_loop3A_279 = tpu.vector_load %arg6[%parallel_loop3A_277, %parallel_loop3A_278] {strides = array<i32>} : memref<64x256xf32, #tpu.memory_space<vmem>>, vector<16xf32>,
          %parallel_loop3A_280 = arith.index_cast %parallel_loop3A_227 : i32 to index
          %parallel_loop3A_281 = arith.constant 192 : index
          %parallel_loop3A_282 = tpu.vector_load %arg6[%parallel_loop3A_280, %parallel_loop3A_281] {strides = array<i32>} : memref<64x256xf32, #tpu.memory_space<vmem>>, vector<16xf32>,
          %parallel_loop3A_283 = arith.index_cast %parallel_loop3A_227 : i32 to index
          %parallel_loop3A_284 = arith.constant 208 : index
          %parallel_loop3A_285 = tpu.vector_load %arg6[%parallel_loop3A_283, %parallel_loop3A_284] {strides = array<i32>} : memref<64x256xf32, #tpu.memory_space<vmem>>, vector<16xf32>,
          %parallel_loop3A_286 = arith.index_cast %parallel_loop3A_227 : i32 to index
          %parallel_loop3A_287 = arith.constant 224 : index
          %parallel_loop3A_288 = tpu.vector_load %arg6[%parallel_loop3A_286, %parallel_loop3A_287] {strides = array<i32>} : memref<64x256xf32, #tpu.memory_space<vmem>>, vector<16xf32>,
          %parallel_loop3A_289 = arith.index_cast %parallel_loop3A_227 : i32 to index
          %parallel_loop3A_290 = arith.constant 240 : index
          %parallel_loop3A_291 = tpu.vector_load %arg6[%parallel_loop3A_289, %parallel_loop3A_290] {strides = array<i32>} : memref<64x256xf32, #tpu.memory_space<vmem>>, vector<16xf32>,
          %parallel_loop3A_292 = arith.mulf %parallel_loop3A_246, %parallel_loop3A_228 : vector<16xf32>
          %parallel_loop3A_293 = arith.mulf %parallel_loop3A_249, %parallel_loop3A_229 : vector<16xf32>
          %parallel_loop3A_294 = arith.mulf %parallel_loop3A_252, %parallel_loop3A_230 : vector<16xf32>
          %parallel_loop3A_295 = arith.mulf %parallel_loop3A_255, %parallel_loop3A_231 : vector<16xf32>
          %parallel_loop3A_296 = arith.mulf %parallel_loop3A_258, %parallel_loop3A_232 : vector<16xf32>
          %parallel_loop3A_297 = arith.mulf %parallel_loop3A_261, %parallel_loop3A_233 : vector<16xf32>
          %parallel_loop3A_298 = arith.mulf %parallel_loop3A_264, %parallel_loop3A_234 : vector<16xf32>
          %parallel_loop3A_299 = arith.mulf %parallel_loop3A_267, %parallel_loop3A_235 : vector<16xf32>
          %parallel_loop3A_300 = arith.mulf %parallel_loop3A_270, %parallel_loop3A_236 : vector<16xf32>
          %parallel_loop3A_301 = arith.mulf %parallel_loop3A_273, %parallel_loop3A_237 : vector<16xf32>
          %parallel_loop3A_302 = arith.mulf %parallel_loop3A_276, %parallel_loop3A_238 : vector<16xf32>
          %parallel_loop3A_303 = arith.mulf %parallel_loop3A_279, %parallel_loop3A_239 : vector<16xf32>
          %parallel_loop3A_304 = arith.mulf %parallel_loop3A_282, %parallel_loop3A_240 : vector<16xf32>
          %parallel_loop3A_305 = arith.mulf %parallel_loop3A_285, %parallel_loop3A_241 : vector<16xf32>
          %parallel_loop3A_306 = arith.mulf %parallel_loop3A_288, %parallel_loop3A_242 : vector<16xf32>
          %parallel_loop3A_307 = arith.mulf %parallel_loop3A_291, %parallel_loop3A_243 : vector<16xf32>
          %parallel_loop3A_308 = arith.addf %parallel_loop3A_292, %parallel_loop3A_293 : vector<16xf32>
          %parallel_loop3A_309 = arith.addf %parallel_loop3A_294, %parallel_loop3A_295 : vector<16xf32>
          %parallel_loop3A_310 = arith.addf %parallel_loop3A_296, %parallel_loop3A_297 : vector<16xf32>
          %parallel_loop3A_311 = arith.addf %parallel_loop3A_298, %parallel_loop3A_299 : vector<16xf32>
          %parallel_loop3A_312 = arith.addf %parallel_loop3A_300, %parallel_loop3A_301 : vector<16xf32>
          %parallel_loop3A_313 = arith.addf %parallel_loop3A_302, %parallel_loop3A_303 : vector<16xf32>
          %parallel_loop3A_314 = arith.addf %parallel_loop3A_304, %parallel_loop3A_305 : vector<16xf32>
          %parallel_loop3A_315 = arith.addf %parallel_loop3A_306, %parallel_loop3A_307 : vector<16xf32>
          %parallel_loop3A_316 = arith.addf %parallel_loop3A_308, %parallel_loop3A_309 : vector<16xf32>
          %parallel_loop3A_317 = arith.addf %parallel_loop3A_310, %parallel_loop3A_311 : vector<16xf32>
          %parallel_loop3A_318 = arith.addf %parallel_loop3A_312, %parallel_loop3A_313 : vector<16xf32>
          %parallel_loop3A_319 = arith.addf %parallel_loop3A_314, %parallel_loop3A_315 : vector<16xf32>
          %parallel_loop3A_320 = arith.addf %parallel_loop3A_316, %parallel_loop3A_317 : vector<16xf32>
          %parallel_loop3A_321 = arith.addf %parallel_loop3A_318, %parallel_loop3A_319 : vector<16xf32>
          %parallel_loop3A_322 = arith.addf %parallel_loop3A_320, %parallel_loop3A_321 : vector<16xf32>
          %parallel_loop3A_323 = arith.constant 8 : i32
          %parallel_loop3A_324 = vector.broadcast %parallel_loop3A_323 : i32 to vector<16xi32>
          %parallel_loop3A_325 = arith.xori %iota3A, %parallel_loop3A_324 : vector<16xi32>
          %parallel_loop3A_326 = vector.shape_cast %parallel_loop3A_325 : vector<16xi32> to vector<16x1xi32>
          %parallel_loop3A_327 = vector.shape_cast %parallel_loop3A_326 : vector<16x1xi32> to vector<16xi32>
          %parallel_loop3A_328 = tpu.dynamic_gather %parallel_loop3A_322[%parallel_loop3A_327] in [0] : vector<16xf32>, vector<16xi32> -> vector<16xf32>
          %parallel_loop3A_329 = arith.addf %parallel_loop3A_322, %parallel_loop3A_328 : vector<16xf32>
          %parallel_loop3A_330 = arith.constant 4 : i32
          %parallel_loop3A_331 = vector.broadcast %parallel_loop3A_330 : i32 to vector<16xi32>
          %parallel_loop3A_332 = arith.xori %iota3A, %parallel_loop3A_331 : vector<16xi32>
          %parallel_loop3A_333 = vector.shape_cast %parallel_loop3A_332 : vector<16xi32> to vector<16x1xi32>
          %parallel_loop3A_334 = vector.shape_cast %parallel_loop3A_333 : vector<16x1xi32> to vector<16xi32>
          %parallel_loop3A_335 = tpu.dynamic_gather %parallel_loop3A_329[%parallel_loop3A_334] in [0] : vector<16xf32>, vector<16xi32> -> vector<16xf32>
          %parallel_loop3A_336 = arith.addf %parallel_loop3A_329, %parallel_loop3A_335 : vector<16xf32>
          %parallel_loop3A_337 = arith.constant 2 : i32
          %parallel_loop3A_338 = vector.broadcast %parallel_loop3A_337 : i32 to vector<16xi32>
          %parallel_loop3A_339 = arith.xori %iota3A, %parallel_loop3A_338 : vector<16xi32>
          %parallel_loop3A_340 = vector.shape_cast %parallel_loop3A_339 : vector<16xi32> to vector<16x1xi32>
          %parallel_loop3A_341 = vector.shape_cast %parallel_loop3A_340 : vector<16x1xi32> to vector<16xi32>
          %parallel_loop3A_342 = tpu.dynamic_gather %parallel_loop3A_336[%parallel_loop3A_341] in [0] : vector<16xf32>, vector<16xi32> -> vector<16xf32>
          %parallel_loop3A_343 = arith.addf %parallel_loop3A_336, %parallel_loop3A_342 : vector<16xf32>
          %parallel_loop3A_344 = arith.constant 1 : i32
          %parallel_loop3A_345 = vector.broadcast %parallel_loop3A_344 : i32 to vector<16xi32>
          %parallel_loop3A_346 = arith.xori %iota3A, %parallel_loop3A_345 : vector<16xi32>
          %parallel_loop3A_347 = vector.shape_cast %parallel_loop3A_346 : vector<16xi32> to vector<16x1xi32>
          %parallel_loop3A_348 = vector.shape_cast %parallel_loop3A_347 : vector<16x1xi32> to vector<16xi32>
          %parallel_loop3A_349 = tpu.dynamic_gather %parallel_loop3A_343[%parallel_loop3A_348] in [0] : vector<16xf32>, vector<16xi32> -> vector<16xf32>
          %parallel_loop3A_350 = arith.addf %parallel_loop3A_343, %parallel_loop3A_349 : vector<16xf32>
          %parallel_loop3A_351 = arith.mulf %parallel_loop3A_246, %parallel_loop3A_350 : vector<16xf32>
          %parallel_loop3A_352 = arith.constant 0 : index
          %parallel_loop3A_353 = tpu.vector_load %arg9[%parallel_loop3A_352] {strides = array<i32>} : memref<256xf32, #tpu.memory_space<vmem>>, vector<16xf32>,
          tpu.vector_store %arg9[%parallel_loop3A_352], %parallel_loop3A_351 {add = true, strides = array<i32>} : memref<256xf32, #tpu.memory_space<vmem>>, vector<16xf32>,
          %parallel_loop3A_354 = arith.mulf %parallel_loop3A_249, %parallel_loop3A_350 : vector<16xf32>
          %parallel_loop3A_355 = arith.constant 16 : index
          %parallel_loop3A_356 = tpu.vector_load %arg9[%parallel_loop3A_355] {strides = array<i32>} : memref<256xf32, #tpu.memory_space<vmem>>, vector<16xf32>,
          tpu.vector_store %arg9[%parallel_loop3A_355], %parallel_loop3A_354 {add = true, strides = array<i32>} : memref<256xf32, #tpu.memory_space<vmem>>, vector<16xf32>,
          %parallel_loop3A_357 = arith.mulf %parallel_loop3A_252, %parallel_loop3A_350 : vector<16xf32>
          %parallel_loop3A_358 = arith.constant 32 : index
          %parallel_loop3A_359 = tpu.vector_load %arg9[%parallel_loop3A_358] {strides = array<i32>} : memref<256xf32, #tpu.memory_space<vmem>>, vector<16xf32>,
          tpu.vector_store %arg9[%parallel_loop3A_358], %parallel_loop3A_357 {add = true, strides = array<i32>} : memref<256xf32, #tpu.memory_space<vmem>>, vector<16xf32>,
          %parallel_loop3A_360 = arith.mulf %parallel_loop3A_255, %parallel_loop3A_350 : vector<16xf32>
          %parallel_loop3A_361 = arith.constant 48 : index
          %parallel_loop3A_362 = tpu.vector_load %arg9[%parallel_loop3A_361] {strides = array<i32>} : memref<256xf32, #tpu.memory_space<vmem>>, vector<16xf32>,
          tpu.vector_store %arg9[%parallel_loop3A_361], %parallel_loop3A_360 {add = true, strides = array<i32>} : memref<256xf32, #tpu.memory_space<vmem>>, vector<16xf32>,
          %parallel_loop3A_363 = arith.mulf %parallel_loop3A_258, %parallel_loop3A_350 : vector<16xf32>
          %parallel_loop3A_364 = arith.constant 64 : index
          %parallel_loop3A_365 = tpu.vector_load %arg9[%parallel_loop3A_364] {strides = array<i32>} : memref<256xf32, #tpu.memory_space<vmem>>, vector<16xf32>,
          tpu.vector_store %arg9[%parallel_loop3A_364], %parallel_loop3A_363 {add = true, strides = array<i32>} : memref<256xf32, #tpu.memory_space<vmem>>, vector<16xf32>,
          %parallel_loop3A_366 = arith.mulf %parallel_loop3A_261, %parallel_loop3A_350 : vector<16xf32>
          %parallel_loop3A_367 = arith.constant 80 : index
          %parallel_loop3A_368 = tpu.vector_load %arg9[%parallel_loop3A_367] {strides = array<i32>} : memref<256xf32, #tpu.memory_space<vmem>>, vector<16xf32>,
          tpu.vector_store %arg9[%parallel_loop3A_367], %parallel_loop3A_366 {add = true, strides = array<i32>} : memref<256xf32, #tpu.memory_space<vmem>>, vector<16xf32>,
          %parallel_loop3A_369 = arith.mulf %parallel_loop3A_264, %parallel_loop3A_350 : vector<16xf32>
          %parallel_loop3A_370 = arith.constant 96 : index
          %parallel_loop3A_371 = tpu.vector_load %arg9[%parallel_loop3A_370] {strides = array<i32>} : memref<256xf32, #tpu.memory_space<vmem>>, vector<16xf32>,
          tpu.vector_store %arg9[%parallel_loop3A_370], %parallel_loop3A_369 {add = true, strides = array<i32>} : memref<256xf32, #tpu.memory_space<vmem>>, vector<16xf32>,
          %parallel_loop3A_372 = arith.mulf %parallel_loop3A_267, %parallel_loop3A_350 : vector<16xf32>
          %parallel_loop3A_373 = arith.constant 112 : index
          %parallel_loop3A_374 = tpu.vector_load %arg9[%parallel_loop3A_373] {strides = array<i32>} : memref<256xf32, #tpu.memory_space<vmem>>, vector<16xf32>,
          tpu.vector_store %arg9[%parallel_loop3A_373], %parallel_loop3A_372 {add = true, strides = array<i32>} : memref<256xf32, #tpu.memory_space<vmem>>, vector<16xf32>,
          %parallel_loop3A_375 = arith.mulf %parallel_loop3A_270, %parallel_loop3A_350 : vector<16xf32>
          %parallel_loop3A_376 = arith.constant 128 : index
          %parallel_loop3A_377 = tpu.vector_load %arg9[%parallel_loop3A_376] {strides = array<i32>} : memref<256xf32, #tpu.memory_space<vmem>>, vector<16xf32>,
          tpu.vector_store %arg9[%parallel_loop3A_376], %parallel_loop3A_375 {add = true, strides = array<i32>} : memref<256xf32, #tpu.memory_space<vmem>>, vector<16xf32>,
          %parallel_loop3A_378 = arith.mulf %parallel_loop3A_273, %parallel_loop3A_350 : vector<16xf32>
          %parallel_loop3A_379 = arith.constant 144 : index
          %parallel_loop3A_380 = tpu.vector_load %arg9[%parallel_loop3A_379] {strides = array<i32>} : memref<256xf32, #tpu.memory_space<vmem>>, vector<16xf32>,
          tpu.vector_store %arg9[%parallel_loop3A_379], %parallel_loop3A_378 {add = true, strides = array<i32>} : memref<256xf32, #tpu.memory_space<vmem>>, vector<16xf32>,
          %parallel_loop3A_381 = arith.mulf %parallel_loop3A_276, %parallel_loop3A_350 : vector<16xf32>
          %parallel_loop3A_382 = arith.constant 160 : index
          %parallel_loop3A_383 = tpu.vector_load %arg9[%parallel_loop3A_382] {strides = array<i32>} : memref<256xf32, #tpu.memory_space<vmem>>, vector<16xf32>,
          tpu.vector_store %arg9[%parallel_loop3A_382], %parallel_loop3A_381 {add = true, strides = array<i32>} : memref<256xf32, #tpu.memory_space<vmem>>, vector<16xf32>,
          %parallel_loop3A_384 = arith.mulf %parallel_loop3A_279, %parallel_loop3A_350 : vector<16xf32>
          %parallel_loop3A_385 = arith.constant 176 : index
          %parallel_loop3A_386 = tpu.vector_load %arg9[%parallel_loop3A_385] {strides = array<i32>} : memref<256xf32, #tpu.memory_space<vmem>>, vector<16xf32>,
          tpu.vector_store %arg9[%parallel_loop3A_385], %parallel_loop3A_384 {add = true, strides = array<i32>} : memref<256xf32, #tpu.memory_space<vmem>>, vector<16xf32>,
          %parallel_loop3A_387 = arith.mulf %parallel_loop3A_282, %parallel_loop3A_350 : vector<16xf32>
          %parallel_loop3A_388 = arith.constant 192 : index
          %parallel_loop3A_389 = tpu.vector_load %arg9[%parallel_loop3A_388] {strides = array<i32>} : memref<256xf32, #tpu.memory_space<vmem>>, vector<16xf32>,
          tpu.vector_store %arg9[%parallel_loop3A_388], %parallel_loop3A_387 {add = true, strides = array<i32>} : memref<256xf32, #tpu.memory_space<vmem>>, vector<16xf32>,
          %parallel_loop3A_390 = arith.mulf %parallel_loop3A_285, %parallel_loop3A_350 : vector<16xf32>
          %parallel_loop3A_391 = arith.constant 208 : index
          %parallel_loop3A_392 = tpu.vector_load %arg9[%parallel_loop3A_391] {strides = array<i32>} : memref<256xf32, #tpu.memory_space<vmem>>, vector<16xf32>,
          tpu.vector_store %arg9[%parallel_loop3A_391], %parallel_loop3A_390 {add = true, strides = array<i32>} : memref<256xf32, #tpu.memory_space<vmem>>, vector<16xf32>,
          %parallel_loop3A_393 = arith.mulf %parallel_loop3A_288, %parallel_loop3A_350 : vector<16xf32>
          %parallel_loop3A_394 = arith.constant 224 : index
          %parallel_loop3A_395 = tpu.vector_load %arg9[%parallel_loop3A_394] {strides = array<i32>} : memref<256xf32, #tpu.memory_space<vmem>>, vector<16xf32>,
          tpu.vector_store %arg9[%parallel_loop3A_394], %parallel_loop3A_393 {add = true, strides = array<i32>} : memref<256xf32, #tpu.memory_space<vmem>>, vector<16xf32>,
          %parallel_loop3A_396 = arith.mulf %parallel_loop3A_291, %parallel_loop3A_350 : vector<16xf32>
          %parallel_loop3A_397 = arith.constant 240 : index
          %parallel_loop3A_398 = tpu.vector_load %arg9[%parallel_loop3A_397] {strides = array<i32>} : memref<256xf32, #tpu.memory_space<vmem>>, vector<16xf32>,
          tpu.vector_store %arg9[%parallel_loop3A_397], %parallel_loop3A_396 {add = true, strides = array<i32>} : memref<256xf32, #tpu.memory_space<vmem>>, vector<16xf32>,
          scf.yield %parallel_loop3A_228, %parallel_loop3A_229, %parallel_loop3A_230, %parallel_loop3A_231, %parallel_loop3A_232, %parallel_loop3A_233, %parallel_loop3A_234, %parallel_loop3A_235, %parallel_loop3A_236, %parallel_loop3A_237, %parallel_loop3A_238, %parallel_loop3A_239, %parallel_loop3A_240, %parallel_loop3A_241, %parallel_loop3A_242, %parallel_loop3A_243 : vector<16xf32>, vector<16xf32>, vector<16xf32>, vector<16xf32>, vector<16xf32>, vector<16xf32>, vector<16xf32>, vector<16xf32>, vector<16xf32>, vector<16xf32>, vector<16xf32>, vector<16xf32>, vector<16xf32>, vector<16xf32>, vector<16xf32>, vector<16xf32>
        } {sc.loop_unroll_factor = 4 : i64, sc.parallel_access}
        %add3A_197 = arith.constant 2 : i32
        %add3A_198 = arith.addi %add3A_186, %add3A_197 : i32
        %lt3A_199 = arith.cmpi slt, %add3A_198, %select_n3A_55 : i32
        %convert_element_type3A_200 = arith.extui %lt3A_199 : i1 to i32
        %cond3A_201 = arith.constant 0 : i32
        %cond3A_202 = arith.cmpi ne, %convert_element_type3A_200, %cond3A_201 : i32
        scf.if %cond3A_202 {
          %add3A_227 = arith.constant 2 : i32
          %add3A_228 = arith.addi %add3A_186, %add3A_227 : i32
          %mul3A_229 = arith.constant 64 : i32
          %mul3A_230 = arith.muli %add3A_228, %mul3A_229 : i32
          %dma_start3A_231 = arith.constant 0 : i32
          %dma_start3A_232 = tpu.memref_slice %arg2[%add3A_9, %mul3A_230, %dma_start3A_231] : memref<1024x512x256xf32, #tpu.memory_space<hbm>> -> memref<1x64x256xf32, #tpu.memory_space<hbm>>
          %dma_start3A_233 = tpu.memref_squeeze %dma_start3A_232 : memref<1x64x256xf32, #tpu.memory_space<hbm>> -> memref<64x256xf32, #tpu.memory_space<hbm>>
          %dma_start3A_234 = arith.constant 0 : i32
          %dma_start3A_235 = tpu.memref_slice %arg2[%add3A_9, %mul3A_230, %dma_start3A_234] : memref<1024x512x256xf32, #tpu.memory_space<hbm>> -> memref<1x64x256xf32, #tpu.memory_space<hbm>>
          %dma_start3A_236 = tpu.memref_squeeze %dma_start3A_235 : memref<1x64x256xf32, #tpu.memory_space<hbm>> -> memref<64x256xf32, #tpu.memory_space<hbm>>
          tpu.enqueue_dma source(%dma_start3A_236 : memref<64x256xf32, #tpu.memory_space<hbm>>) target(%arg6 : memref<64x256xf32, #tpu.memory_space<vmem>>) target_semaphore(%arg11 : memref<!tpu.dma_semaphore, #tpu.memory_space<semaphore_mem>>)
        } else {
        }
        %mul3A_203 = arith.constant 2 : i32
        %mul3A_204 = arith.muli %mul3A_203, %while3A_166 : i32
        %add3A_205 = arith.constant 1 : i32
        %add3A_206 = arith.addi %mul3A_204, %add3A_205 : i32
        %lt3A_207 = arith.cmpi slt, %add3A_206, %select_n3A_55 : i32
        %convert_element_type3A_208 = arith.extui %lt3A_207 : i1 to i32
        %cond3A_209 = arith.constant 0 : i32
        %cond3A_210 = arith.cmpi ne, %convert_element_type3A_208, %cond3A_209 : i32
        scf.if %cond3A_210 {
          %dma_wait3A = arith.constant 0 : i32
          %dma_wait3A_227 = arith.constant 0 : i32
          %dma_wait3A_228 = tpu.memref_slice %arg2[%add3A_9, %dma_wait3A, %dma_wait3A_227] : memref<1024x512x256xf32, #tpu.memory_space<hbm>> -> memref<1x64x256xf32, #tpu.memory_space<hbm>>
          %dma_wait3A_229 = tpu.memref_squeeze %dma_wait3A_228 : memref<1x64x256xf32, #tpu.memory_space<hbm>> -> memref<64x256xf32, #tpu.memory_space<hbm>>
          %dma_wait3A_230 = arith.constant 0 : i32
          %dma_wait3A_231 = arith.constant 0 : i32
          %dma_wait3A_232 = tpu.memref_slice %arg2[%add3A_9, %dma_wait3A_230, %dma_wait3A_231] : memref<1024x512x256xf32, #tpu.memory_space<hbm>> -> memref<1x64x256xf32, #tpu.memory_space<hbm>>
          %dma_wait3A_233 = tpu.memref_squeeze %dma_wait3A_232 : memref<1x64x256xf32, #tpu.memory_space<hbm>> -> memref<64x256xf32, #tpu.memory_space<hbm>>
          tpu.wait_dma2 semaphore(%arg12 : memref<!tpu.dma_semaphore, #tpu.memory_space<semaphore_mem>>) src(%dma_wait3A_233 : memref<64x256xf32, #tpu.memory_space<hbm>>) dst(%arg7 : memref<64x256xf32, #tpu.memory_space<vmem>>)
        } else {
        }
        %mul3A_211 = arith.constant 64 : i32
        %mul3A_212 = arith.muli %add3A_206, %mul3A_211 : i32
        %sub3A_213 = arith.subi %reduce_sum3A_32, %mul3A_212 : i32
        %min3A_214 = arith.constant 64 : i32
        %min3A_215 = arith.minsi %min3A_214, %sub3A_213 : i32
        %max3A_216 = arith.constant 0 : i32
        %max3A_217 = arith.maxsi %max3A_216, %min3A_215 : i32
        %parallel_loop3A_218 = arith.constant 0 : i32
        %parallel_loop3A_219 = arith.constant 1 : i32
        %parallel_loop3A_220:16 = scf.for %parallel_loop3A_227 = %parallel_loop3A_218 to %max3A_217 step %parallel_loop3A_219 iter_args(%parallel_loop3A_228 = %parallel_loop3A_196#0, %parallel_loop3A_229 = %parallel_loop3A_196#1, %parallel_loop3A_230 = %parallel_loop3A_196#2, %parallel_loop3A_231 = %parallel_loop3A_196#3, %parallel_loop3A_232 = %parallel_loop3A_196#4, %parallel_loop3A_233 = %parallel_loop3A_196#5, %parallel_loop3A_234 = %parallel_loop3A_196#6, %parallel_loop3A_235 = %parallel_loop3A_196#7, %parallel_loop3A_236 = %parallel_loop3A_196#8, %parallel_loop3A_237 = %parallel_loop3A_196#9, %parallel_loop3A_238 = %parallel_loop3A_196#10, %parallel_loop3A_239 = %parallel_loop3A_196#11, %parallel_loop3A_240 = %parallel_loop3A_196#12, %parallel_loop3A_241 = %parallel_loop3A_196#13, %parallel_loop3A_242 = %parallel_loop3A_196#14, %parallel_loop3A_243 = %parallel_loop3A_196#15) -> (vector<16xf32>, vector<16xf32>, vector<16xf32>, vector<16xf32>, vector<16xf32>, vector<16xf32>, vector<16xf32>, vector<16xf32>, vector<16xf32>, vector<16xf32>, vector<16xf32>, vector<16xf32>, vector<16xf32>, vector<16xf32>, vector<16xf32>, vector<16xf32>)  : i32 {
          %parallel_loop3A_244 = arith.index_cast %parallel_loop3A_227 : i32 to index
          %parallel_loop3A_245 = arith.constant 0 : index
          %parallel_loop3A_246 = tpu.vector_load %arg7[%parallel_loop3A_244, %parallel_loop3A_245] {strides = array<i32>} : memref<64x256xf32, #tpu.memory_space<vmem>>, vector<16xf32>,
          %parallel_loop3A_247 = arith.index_cast %parallel_loop3A_227 : i32 to index
          %parallel_loop3A_248 = arith.constant 16 : index
          %parallel_loop3A_249 = tpu.vector_load %arg7[%parallel_loop3A_247, %parallel_loop3A_248] {strides = array<i32>} : memref<64x256xf32, #tpu.memory_space<vmem>>, vector<16xf32>,
          %parallel_loop3A_250 = arith.index_cast %parallel_loop3A_227 : i32 to index
          %parallel_loop3A_251 = arith.constant 32 : index
          %parallel_loop3A_252 = tpu.vector_load %arg7[%parallel_loop3A_250, %parallel_loop3A_251] {strides = array<i32>} : memref<64x256xf32, #tpu.memory_space<vmem>>, vector<16xf32>,
          %parallel_loop3A_253 = arith.index_cast %parallel_loop3A_227 : i32 to index
          %parallel_loop3A_254 = arith.constant 48 : index
          %parallel_loop3A_255 = tpu.vector_load %arg7[%parallel_loop3A_253, %parallel_loop3A_254] {strides = array<i32>} : memref<64x256xf32, #tpu.memory_space<vmem>>, vector<16xf32>,
          %parallel_loop3A_256 = arith.index_cast %parallel_loop3A_227 : i32 to index
          %parallel_loop3A_257 = arith.constant 64 : index
          %parallel_loop3A_258 = tpu.vector_load %arg7[%parallel_loop3A_256, %parallel_loop3A_257] {strides = array<i32>} : memref<64x256xf32, #tpu.memory_space<vmem>>, vector<16xf32>,
          %parallel_loop3A_259 = arith.index_cast %parallel_loop3A_227 : i32 to index
          %parallel_loop3A_260 = arith.constant 80 : index
          %parallel_loop3A_261 = tpu.vector_load %arg7[%parallel_loop3A_259, %parallel_loop3A_260] {strides = array<i32>} : memref<64x256xf32, #tpu.memory_space<vmem>>, vector<16xf32>,
          %parallel_loop3A_262 = arith.index_cast %parallel_loop3A_227 : i32 to index
          %parallel_loop3A_263 = arith.constant 96 : index
          %parallel_loop3A_264 = tpu.vector_load %arg7[%parallel_loop3A_262, %parallel_loop3A_263] {strides = array<i32>} : memref<64x256xf32, #tpu.memory_space<vmem>>, vector<16xf32>,
          %parallel_loop3A_265 = arith.index_cast %parallel_loop3A_227 : i32 to index
          %parallel_loop3A_266 = arith.constant 112 : index
          %parallel_loop3A_267 = tpu.vector_load %arg7[%parallel_loop3A_265, %parallel_loop3A_266] {strides = array<i32>} : memref<64x256xf32, #tpu.memory_space<vmem>>, vector<16xf32>,
          %parallel_loop3A_268 = arith.index_cast %parallel_loop3A_227 : i32 to index
          %parallel_loop3A_269 = arith.constant 128 : index
          %parallel_loop3A_270 = tpu.vector_load %arg7[%parallel_loop3A_268, %parallel_loop3A_269] {strides = array<i32>} : memref<64x256xf32, #tpu.memory_space<vmem>>, vector<16xf32>,
          %parallel_loop3A_271 = arith.index_cast %parallel_loop3A_227 : i32 to index
          %parallel_loop3A_272 = arith.constant 144 : index
          %parallel_loop3A_273 = tpu.vector_load %arg7[%parallel_loop3A_271, %parallel_loop3A_272] {strides = array<i32>} : memref<64x256xf32, #tpu.memory_space<vmem>>, vector<16xf32>,
          %parallel_loop3A_274 = arith.index_cast %parallel_loop3A_227 : i32 to index
          %parallel_loop3A_275 = arith.constant 160 : index
          %parallel_loop3A_276 = tpu.vector_load %arg7[%parallel_loop3A_274, %parallel_loop3A_275] {strides = array<i32>} : memref<64x256xf32, #tpu.memory_space<vmem>>, vector<16xf32>,
          %parallel_loop3A_277 = arith.index_cast %parallel_loop3A_227 : i32 to index
          %parallel_loop3A_278 = arith.constant 176 : index
          %parallel_loop3A_279 = tpu.vector_load %arg7[%parallel_loop3A_277, %parallel_loop3A_278] {strides = array<i32>} : memref<64x256xf32, #tpu.memory_space<vmem>>, vector<16xf32>,
          %parallel_loop3A_280 = arith.index_cast %parallel_loop3A_227 : i32 to index
          %parallel_loop3A_281 = arith.constant 192 : index
          %parallel_loop3A_282 = tpu.vector_load %arg7[%parallel_loop3A_280, %parallel_loop3A_281] {strides = array<i32>} : memref<64x256xf32, #tpu.memory_space<vmem>>, vector<16xf32>,
          %parallel_loop3A_283 = arith.index_cast %parallel_loop3A_227 : i32 to index
          %parallel_loop3A_284 = arith.constant 208 : index
          %parallel_loop3A_285 = tpu.vector_load %arg7[%parallel_loop3A_283, %parallel_loop3A_284] {strides = array<i32>} : memref<64x256xf32, #tpu.memory_space<vmem>>, vector<16xf32>,
          %parallel_loop3A_286 = arith.index_cast %parallel_loop3A_227 : i32 to index
          %parallel_loop3A_287 = arith.constant 224 : index
          %parallel_loop3A_288 = tpu.vector_load %arg7[%parallel_loop3A_286, %parallel_loop3A_287] {strides = array<i32>} : memref<64x256xf32, #tpu.memory_space<vmem>>, vector<16xf32>,
          %parallel_loop3A_289 = arith.index_cast %parallel_loop3A_227 : i32 to index
          %parallel_loop3A_290 = arith.constant 240 : index
          %parallel_loop3A_291 = tpu.vector_load %arg7[%parallel_loop3A_289, %parallel_loop3A_290] {strides = array<i32>} : memref<64x256xf32, #tpu.memory_space<vmem>>, vector<16xf32>,
          %parallel_loop3A_292 = arith.mulf %parallel_loop3A_246, %parallel_loop3A_228 : vector<16xf32>
          %parallel_loop3A_293 = arith.mulf %parallel_loop3A_249, %parallel_loop3A_229 : vector<16xf32>
          %parallel_loop3A_294 = arith.mulf %parallel_loop3A_252, %parallel_loop3A_230 : vector<16xf32>
          %parallel_loop3A_295 = arith.mulf %parallel_loop3A_255, %parallel_loop3A_231 : vector<16xf32>
          %parallel_loop3A_296 = arith.mulf %parallel_loop3A_258, %parallel_loop3A_232 : vector<16xf32>
          %parallel_loop3A_297 = arith.mulf %parallel_loop3A_261, %parallel_loop3A_233 : vector<16xf32>
          %parallel_loop3A_298 = arith.mulf %parallel_loop3A_264, %parallel_loop3A_234 : vector<16xf32>
          %parallel_loop3A_299 = arith.mulf %parallel_loop3A_267, %parallel_loop3A_235 : vector<16xf32>
          %parallel_loop3A_300 = arith.mulf %parallel_loop3A_270, %parallel_loop3A_236 : vector<16xf32>
          %parallel_loop3A_301 = arith.mulf %parallel_loop3A_273, %parallel_loop3A_237 : vector<16xf32>
          %parallel_loop3A_302 = arith.mulf %parallel_loop3A_276, %parallel_loop3A_238 : vector<16xf32>
          %parallel_loop3A_303 = arith.mulf %parallel_loop3A_279, %parallel_loop3A_239 : vector<16xf32>
          %parallel_loop3A_304 = arith.mulf %parallel_loop3A_282, %parallel_loop3A_240 : vector<16xf32>
          %parallel_loop3A_305 = arith.mulf %parallel_loop3A_285, %parallel_loop3A_241 : vector<16xf32>
          %parallel_loop3A_306 = arith.mulf %parallel_loop3A_288, %parallel_loop3A_242 : vector<16xf32>
          %parallel_loop3A_307 = arith.mulf %parallel_loop3A_291, %parallel_loop3A_243 : vector<16xf32>
          %parallel_loop3A_308 = arith.addf %parallel_loop3A_292, %parallel_loop3A_293 : vector<16xf32>
          %parallel_loop3A_309 = arith.addf %parallel_loop3A_294, %parallel_loop3A_295 : vector<16xf32>
          %parallel_loop3A_310 = arith.addf %parallel_loop3A_296, %parallel_loop3A_297 : vector<16xf32>
          %parallel_loop3A_311 = arith.addf %parallel_loop3A_298, %parallel_loop3A_299 : vector<16xf32>
          %parallel_loop3A_312 = arith.addf %parallel_loop3A_300, %parallel_loop3A_301 : vector<16xf32>
          %parallel_loop3A_313 = arith.addf %parallel_loop3A_302, %parallel_loop3A_303 : vector<16xf32>
          %parallel_loop3A_314 = arith.addf %parallel_loop3A_304, %parallel_loop3A_305 : vector<16xf32>
          %parallel_loop3A_315 = arith.addf %parallel_loop3A_306, %parallel_loop3A_307 : vector<16xf32>
          %parallel_loop3A_316 = arith.addf %parallel_loop3A_308, %parallel_loop3A_309 : vector<16xf32>
          %parallel_loop3A_317 = arith.addf %parallel_loop3A_310, %parallel_loop3A_311 : vector<16xf32>
          %parallel_loop3A_318 = arith.addf %parallel_loop3A_312, %parallel_loop3A_313 : vector<16xf32>
          %parallel_loop3A_319 = arith.addf %parallel_loop3A_314, %parallel_loop3A_315 : vector<16xf32>
          %parallel_loop3A_320 = arith.addf %parallel_loop3A_316, %parallel_loop3A_317 : vector<16xf32>
          %parallel_loop3A_321 = arith.addf %parallel_loop3A_318, %parallel_loop3A_319 : vector<16xf32>
          %parallel_loop3A_322 = arith.addf %parallel_loop3A_320, %parallel_loop3A_321 : vector<16xf32>
          %parallel_loop3A_323 = arith.constant 8 : i32
          %parallel_loop3A_324 = vector.broadcast %parallel_loop3A_323 : i32 to vector<16xi32>
          %parallel_loop3A_325 = arith.xori %iota3A, %parallel_loop3A_324 : vector<16xi32>
          %parallel_loop3A_326 = vector.shape_cast %parallel_loop3A_325 : vector<16xi32> to vector<16x1xi32>
          %parallel_loop3A_327 = vector.shape_cast %parallel_loop3A_326 : vector<16x1xi32> to vector<16xi32>
          %parallel_loop3A_328 = tpu.dynamic_gather %parallel_loop3A_322[%parallel_loop3A_327] in [0] : vector<16xf32>, vector<16xi32> -> vector<16xf32>
          %parallel_loop3A_329 = arith.addf %parallel_loop3A_322, %parallel_loop3A_328 : vector<16xf32>
          %parallel_loop3A_330 = arith.constant 4 : i32
          %parallel_loop3A_331 = vector.broadcast %parallel_loop3A_330 : i32 to vector<16xi32>
          %parallel_loop3A_332 = arith.xori %iota3A, %parallel_loop3A_331 : vector<16xi32>
          %parallel_loop3A_333 = vector.shape_cast %parallel_loop3A_332 : vector<16xi32> to vector<16x1xi32>
          %parallel_loop3A_334 = vector.shape_cast %parallel_loop3A_333 : vector<16x1xi32> to vector<16xi32>
          %parallel_loop3A_335 = tpu.dynamic_gather %parallel_loop3A_329[%parallel_loop3A_334] in [0] : vector<16xf32>, vector<16xi32> -> vector<16xf32>
          %parallel_loop3A_336 = arith.addf %parallel_loop3A_329, %parallel_loop3A_335 : vector<16xf32>
          %parallel_loop3A_337 = arith.constant 2 : i32
          %parallel_loop3A_338 = vector.broadcast %parallel_loop3A_337 : i32 to vector<16xi32>
          %parallel_loop3A_339 = arith.xori %iota3A, %parallel_loop3A_338 : vector<16xi32>
          %parallel_loop3A_340 = vector.shape_cast %parallel_loop3A_339 : vector<16xi32> to vector<16x1xi32>
          %parallel_loop3A_341 = vector.shape_cast %parallel_loop3A_340 : vector<16x1xi32> to vector<16xi32>
          %parallel_loop3A_342 = tpu.dynamic_gather %parallel_loop3A_336[%parallel_loop3A_341] in [0] : vector<16xf32>, vector<16xi32> -> vector<16xf32>
          %parallel_loop3A_343 = arith.addf %parallel_loop3A_336, %parallel_loop3A_342 : vector<16xf32>
          %parallel_loop3A_344 = arith.constant 1 : i32
          %parallel_loop3A_345 = vector.broadcast %parallel_loop3A_344 : i32 to vector<16xi32>
          %parallel_loop3A_346 = arith.xori %iota3A, %parallel_loop3A_345 : vector<16xi32>
          %parallel_loop3A_347 = vector.shape_cast %parallel_loop3A_346 : vector<16xi32> to vector<16x1xi32>
          %parallel_loop3A_348 = vector.shape_cast %parallel_loop3A_347 : vector<16x1xi32> to vector<16xi32>
          %parallel_loop3A_349 = tpu.dynamic_gather %parallel_loop3A_343[%parallel_loop3A_348] in [0] : vector<16xf32>, vector<16xi32> -> vector<16xf32>
          %parallel_loop3A_350 = arith.addf %parallel_loop3A_343, %parallel_loop3A_349 : vector<16xf32>
          %parallel_loop3A_351 = arith.mulf %parallel_loop3A_246, %parallel_loop3A_350 : vector<16xf32>
          %parallel_loop3A_352 = arith.constant 0 : index
          %parallel_loop3A_353 = tpu.vector_load %arg9[%parallel_loop3A_352] {strides = array<i32>} : memref<256xf32, #tpu.memory_space<vmem>>, vector<16xf32>,
          tpu.vector_store %arg9[%parallel_loop3A_352], %parallel_loop3A_351 {add = true, strides = array<i32>} : memref<256xf32, #tpu.memory_space<vmem>>, vector<16xf32>,
          %parallel_loop3A_354 = arith.mulf %parallel_loop3A_249, %parallel_loop3A_350 : vector<16xf32>
          %parallel_loop3A_355 = arith.constant 16 : index
          %parallel_loop3A_356 = tpu.vector_load %arg9[%parallel_loop3A_355] {strides = array<i32>} : memref<256xf32, #tpu.memory_space<vmem>>, vector<16xf32>,
          tpu.vector_store %arg9[%parallel_loop3A_355], %parallel_loop3A_354 {add = true, strides = array<i32>} : memref<256xf32, #tpu.memory_space<vmem>>, vector<16xf32>,
          %parallel_loop3A_357 = arith.mulf %parallel_loop3A_252, %parallel_loop3A_350 : vector<16xf32>
          %parallel_loop3A_358 = arith.constant 32 : index
          %parallel_loop3A_359 = tpu.vector_load %arg9[%parallel_loop3A_358] {strides = array<i32>} : memref<256xf32, #tpu.memory_space<vmem>>, vector<16xf32>,
          tpu.vector_store %arg9[%parallel_loop3A_358], %parallel_loop3A_357 {add = true, strides = array<i32>} : memref<256xf32, #tpu.memory_space<vmem>>, vector<16xf32>,
          %parallel_loop3A_360 = arith.mulf %parallel_loop3A_255, %parallel_loop3A_350 : vector<16xf32>
          %parallel_loop3A_361 = arith.constant 48 : index
          %parallel_loop3A_362 = tpu.vector_load %arg9[%parallel_loop3A_361] {strides = array<i32>} : memref<256xf32, #tpu.memory_space<vmem>>, vector<16xf32>,
          tpu.vector_store %arg9[%parallel_loop3A_361], %parallel_loop3A_360 {add = true, strides = array<i32>} : memref<256xf32, #tpu.memory_space<vmem>>, vector<16xf32>,
          %parallel_loop3A_363 = arith.mulf %parallel_loop3A_258, %parallel_loop3A_350 : vector<16xf32>
          %parallel_loop3A_364 = arith.constant 64 : index
          %parallel_loop3A_365 = tpu.vector_load %arg9[%parallel_loop3A_364] {strides = array<i32>} : memref<256xf32, #tpu.memory_space<vmem>>, vector<16xf32>,
          tpu.vector_store %arg9[%parallel_loop3A_364], %parallel_loop3A_363 {add = true, strides = array<i32>} : memref<256xf32, #tpu.memory_space<vmem>>, vector<16xf32>,
          %parallel_loop3A_366 = arith.mulf %parallel_loop3A_261, %parallel_loop3A_350 : vector<16xf32>
          %parallel_loop3A_367 = arith.constant 80 : index
          %parallel_loop3A_368 = tpu.vector_load %arg9[%parallel_loop3A_367] {strides = array<i32>} : memref<256xf32, #tpu.memory_space<vmem>>, vector<16xf32>,
          tpu.vector_store %arg9[%parallel_loop3A_367], %parallel_loop3A_366 {add = true, strides = array<i32>} : memref<256xf32, #tpu.memory_space<vmem>>, vector<16xf32>,
          %parallel_loop3A_369 = arith.mulf %parallel_loop3A_264, %parallel_loop3A_350 : vector<16xf32>
          %parallel_loop3A_370 = arith.constant 96 : index
          %parallel_loop3A_371 = tpu.vector_load %arg9[%parallel_loop3A_370] {strides = array<i32>} : memref<256xf32, #tpu.memory_space<vmem>>, vector<16xf32>,
          tpu.vector_store %arg9[%parallel_loop3A_370], %parallel_loop3A_369 {add = true, strides = array<i32>} : memref<256xf32, #tpu.memory_space<vmem>>, vector<16xf32>,
          %parallel_loop3A_372 = arith.mulf %parallel_loop3A_267, %parallel_loop3A_350 : vector<16xf32>
          %parallel_loop3A_373 = arith.constant 112 : index
          %parallel_loop3A_374 = tpu.vector_load %arg9[%parallel_loop3A_373] {strides = array<i32>} : memref<256xf32, #tpu.memory_space<vmem>>, vector<16xf32>,
          tpu.vector_store %arg9[%parallel_loop3A_373], %parallel_loop3A_372 {add = true, strides = array<i32>} : memref<256xf32, #tpu.memory_space<vmem>>, vector<16xf32>,
          %parallel_loop3A_375 = arith.mulf %parallel_loop3A_270, %parallel_loop3A_350 : vector<16xf32>
          %parallel_loop3A_376 = arith.constant 128 : index
          %parallel_loop3A_377 = tpu.vector_load %arg9[%parallel_loop3A_376] {strides = array<i32>} : memref<256xf32, #tpu.memory_space<vmem>>, vector<16xf32>,
          tpu.vector_store %arg9[%parallel_loop3A_376], %parallel_loop3A_375 {add = true, strides = array<i32>} : memref<256xf32, #tpu.memory_space<vmem>>, vector<16xf32>,
          %parallel_loop3A_378 = arith.mulf %parallel_loop3A_273, %parallel_loop3A_350 : vector<16xf32>
          %parallel_loop3A_379 = arith.constant 144 : index
          %parallel_loop3A_380 = tpu.vector_load %arg9[%parallel_loop3A_379] {strides = array<i32>} : memref<256xf32, #tpu.memory_space<vmem>>, vector<16xf32>,
          tpu.vector_store %arg9[%parallel_loop3A_379], %parallel_loop3A_378 {add = true, strides = array<i32>} : memref<256xf32, #tpu.memory_space<vmem>>, vector<16xf32>,
          %parallel_loop3A_381 = arith.mulf %parallel_loop3A_276, %parallel_loop3A_350 : vector<16xf32>
          %parallel_loop3A_382 = arith.constant 160 : index
          %parallel_loop3A_383 = tpu.vector_load %arg9[%parallel_loop3A_382] {strides = array<i32>} : memref<256xf32, #tpu.memory_space<vmem>>, vector<16xf32>,
          tpu.vector_store %arg9[%parallel_loop3A_382], %parallel_loop3A_381 {add = true, strides = array<i32>} : memref<256xf32, #tpu.memory_space<vmem>>, vector<16xf32>,
          %parallel_loop3A_384 = arith.mulf %parallel_loop3A_279, %parallel_loop3A_350 : vector<16xf32>
          %parallel_loop3A_385 = arith.constant 176 : index
          %parallel_loop3A_386 = tpu.vector_load %arg9[%parallel_loop3A_385] {strides = array<i32>} : memref<256xf32, #tpu.memory_space<vmem>>, vector<16xf32>,
          tpu.vector_store %arg9[%parallel_loop3A_385], %parallel_loop3A_384 {add = true, strides = array<i32>} : memref<256xf32, #tpu.memory_space<vmem>>, vector<16xf32>,
          %parallel_loop3A_387 = arith.mulf %parallel_loop3A_282, %parallel_loop3A_350 : vector<16xf32>
          %parallel_loop3A_388 = arith.constant 192 : index
          %parallel_loop3A_389 = tpu.vector_load %arg9[%parallel_loop3A_388] {strides = array<i32>} : memref<256xf32, #tpu.memory_space<vmem>>, vector<16xf32>,
          tpu.vector_store %arg9[%parallel_loop3A_388], %parallel_loop3A_387 {add = true, strides = array<i32>} : memref<256xf32, #tpu.memory_space<vmem>>, vector<16xf32>,
          %parallel_loop3A_390 = arith.mulf %parallel_loop3A_285, %parallel_loop3A_350 : vector<16xf32>
          %parallel_loop3A_391 = arith.constant 208 : index
          %parallel_loop3A_392 = tpu.vector_load %arg9[%parallel_loop3A_391] {strides = array<i32>} : memref<256xf32, #tpu.memory_space<vmem>>, vector<16xf32>,
          tpu.vector_store %arg9[%parallel_loop3A_391], %parallel_loop3A_390 {add = true, strides = array<i32>} : memref<256xf32, #tpu.memory_space<vmem>>, vector<16xf32>,
          %parallel_loop3A_393 = arith.mulf %parallel_loop3A_288, %parallel_loop3A_350 : vector<16xf32>
          %parallel_loop3A_394 = arith.constant 224 : index
          %parallel_loop3A_395 = tpu.vector_load %arg9[%parallel_loop3A_394] {strides = array<i32>} : memref<256xf32, #tpu.memory_space<vmem>>, vector<16xf32>,
          tpu.vector_store %arg9[%parallel_loop3A_394], %parallel_loop3A_393 {add = true, strides = array<i32>} : memref<256xf32, #tpu.memory_space<vmem>>, vector<16xf32>,
          %parallel_loop3A_396 = arith.mulf %parallel_loop3A_291, %parallel_loop3A_350 : vector<16xf32>
          %parallel_loop3A_397 = arith.constant 240 : index
          %parallel_loop3A_398 = tpu.vector_load %arg9[%parallel_loop3A_397] {strides = array<i32>} : memref<256xf32, #tpu.memory_space<vmem>>, vector<16xf32>,
          tpu.vector_store %arg9[%parallel_loop3A_397], %parallel_loop3A_396 {add = true, strides = array<i32>} : memref<256xf32, #tpu.memory_space<vmem>>, vector<16xf32>,
          scf.yield %parallel_loop3A_228, %parallel_loop3A_229, %parallel_loop3A_230, %parallel_loop3A_231, %parallel_loop3A_232, %parallel_loop3A_233, %parallel_loop3A_234, %parallel_loop3A_235, %parallel_loop3A_236, %parallel_loop3A_237, %parallel_loop3A_238, %parallel_loop3A_239, %parallel_loop3A_240, %parallel_loop3A_241, %parallel_loop3A_242, %parallel_loop3A_243 : vector<16xf32>, vector<16xf32>, vector<16xf32>, vector<16xf32>, vector<16xf32>, vector<16xf32>, vector<16xf32>, vector<16xf32>, vector<16xf32>, vector<16xf32>, vector<16xf32>, vector<16xf32>, vector<16xf32>, vector<16xf32>, vector<16xf32>, vector<16xf32>
        } {sc.loop_unroll_factor = 4 : i64, sc.parallel_access}
        %add3A_221 = arith.constant 2 : i32
        %add3A_222 = arith.addi %add3A_206, %add3A_221 : i32
        %lt3A_223 = arith.cmpi slt, %add3A_222, %select_n3A_55 : i32
        %convert_element_type3A_224 = arith.extui %lt3A_223 : i1 to i32
        %cond3A_225 = arith.constant 0 : i32
        %cond3A_226 = arith.cmpi ne, %convert_element_type3A_224, %cond3A_225 : i32
        scf.if %cond3A_226 {
          %add3A_227 = arith.constant 2 : i32
          %add3A_228 = arith.addi %add3A_206, %add3A_227 : i32
          %mul3A_229 = arith.constant 64 : i32
          %mul3A_230 = arith.muli %add3A_228, %mul3A_229 : i32
          %dma_start3A_231 = arith.constant 0 : i32
          %dma_start3A_232 = tpu.memref_slice %arg2[%add3A_9, %mul3A_230, %dma_start3A_231] : memref<1024x512x256xf32, #tpu.memory_space<hbm>> -> memref<1x64x256xf32, #tpu.memory_space<hbm>>
          %dma_start3A_233 = tpu.memref_squeeze %dma_start3A_232 : memref<1x64x256xf32, #tpu.memory_space<hbm>> -> memref<64x256xf32, #tpu.memory_space<hbm>>
          %dma_start3A_234 = arith.constant 0 : i32
          %dma_start3A_235 = tpu.memref_slice %arg2[%add3A_9, %mul3A_230, %dma_start3A_234] : memref<1024x512x256xf32, #tpu.memory_space<hbm>> -> memref<1x64x256xf32, #tpu.memory_space<hbm>>
          %dma_start3A_236 = tpu.memref_squeeze %dma_start3A_235 : memref<1x64x256xf32, #tpu.memory_space<hbm>> -> memref<64x256xf32, #tpu.memory_space<hbm>>
          tpu.enqueue_dma source(%dma_start3A_236 : memref<64x256xf32, #tpu.memory_space<hbm>>) target(%arg7 : memref<64x256xf32, #tpu.memory_space<vmem>>) target_semaphore(%arg12 : memref<!tpu.dma_semaphore, #tpu.memory_space<semaphore_mem>>)
        } else {
        }
        scf.yield %parallel_loop3A_220#0, %parallel_loop3A_220#1, %parallel_loop3A_220#2, %parallel_loop3A_220#3, %parallel_loop3A_220#4, %parallel_loop3A_220#5, %parallel_loop3A_220#6, %parallel_loop3A_220#7, %parallel_loop3A_220#8, %parallel_loop3A_220#9, %parallel_loop3A_220#10, %parallel_loop3A_220#11, %parallel_loop3A_220#12, %parallel_loop3A_220#13, %parallel_loop3A_220#14, %parallel_loop3A_220#15 : vector<16xf32>, vector<16xf32>, vector<16xf32>, vector<16xf32>, vector<16xf32>, vector<16xf32>, vector<16xf32>, vector<16xf32>, vector<16xf32>, vector<16xf32>, vector<16xf32>, vector<16xf32>, vector<16xf32>, vector<16xf32>, vector<16xf32>, vector<16xf32>
      }
      %while3A_164 = arith.constant 1 : i32
      %while3A_165:16 = scf.for %while3A_166 = %while3A_161 to %while3A_157 step %while3A_164 iter_args(%while3A_167 = %while3A_163#0, %while3A_168 = %while3A_163#1, %while3A_169 = %while3A_163#2, %while3A_170 = %while3A_163#3, %while3A_171 = %while3A_163#4, %while3A_172 = %while3A_163#5, %while3A_173 = %while3A_163#6, %while3A_174 = %while3A_163#7, %while3A_175 = %while3A_163#8, %while3A_176 = %while3A_163#9, %while3A_177 = %while3A_163#10, %while3A_178 = %while3A_163#11, %while3A_179 = %while3A_163#12, %while3A_180 = %while3A_163#13, %while3A_181 = %while3A_163#14, %while3A_182 = %while3A_163#15) -> (vector<16xf32>, vector<16xf32>, vector<16xf32>, vector<16xf32>, vector<16xf32>, vector<16xf32>, vector<16xf32>, vector<16xf32>, vector<16xf32>, vector<16xf32>, vector<16xf32>, vector<16xf32>, vector<16xf32>, vector<16xf32>, vector<16xf32>, vector<16xf32>)  : i32 {
        %mul3A_183 = arith.constant 2 : i32
        %mul3A_184 = arith.muli %mul3A_183, %while3A_166 : i32
        %add3A_185 = arith.constant 0 : i32
        %add3A_186 = arith.addi %mul3A_184, %add3A_185 : i32
        %lt3A = arith.cmpi slt, %add3A_186, %select_n3A_55 : i32
        %convert_element_type3A_187 = arith.extui %lt3A : i1 to i32
        %cond3A_188 = arith.constant 0 : i32
        %cond3A_189 = arith.cmpi ne, %convert_element_type3A_187, %cond3A_188 : i32
        scf.if %cond3A_189 {
          %dma_wait3A = arith.constant 0 : i32
          %dma_wait3A_227 = arith.constant 0 : i32
          %dma_wait3A_228 = tpu.memref_slice %arg2[%add3A_9, %dma_wait3A, %dma_wait3A_227] : memref<1024x512x256xf32, #tpu.memory_space<hbm>> -> memref<1x64x256xf32, #tpu.memory_space<hbm>>
          %dma_wait3A_229 = tpu.memref_squeeze %dma_wait3A_228 : memref<1x64x256xf32, #tpu.memory_space<hbm>> -> memref<64x256xf32, #tpu.memory_space<hbm>>
          %dma_wait3A_230 = arith.constant 0 : i32
          %dma_wait3A_231 = arith.constant 0 : i32
          %dma_wait3A_232 = tpu.memref_slice %arg2[%add3A_9, %dma_wait3A_230, %dma_wait3A_231] : memref<1024x512x256xf32, #tpu.memory_space<hbm>> -> memref<1x64x256xf32, #tpu.memory_space<hbm>>
          %dma_wait3A_233 = tpu.memref_squeeze %dma_wait3A_232 : memref<1x64x256xf32, #tpu.memory_space<hbm>> -> memref<64x256xf32, #tpu.memory_space<hbm>>
          tpu.wait_dma2 semaphore(%arg11 : memref<!tpu.dma_semaphore, #tpu.memory_space<semaphore_mem>>) src(%dma_wait3A_233 : memref<64x256xf32, #tpu.memory_space<hbm>>) dst(%arg6 : memref<64x256xf32, #tpu.memory_space<vmem>>)
        } else {
        }
        %mul3A_190 = arith.constant 64 : i32
        %mul3A_191 = arith.muli %add3A_186, %mul3A_190 : i32
        %sub3A_192 = arith.subi %reduce_sum3A_32, %mul3A_191 : i32
        %min3A = arith.constant 64 : i32
        %min3A_193 = arith.minsi %min3A, %sub3A_192 : i32
        %max3A = arith.constant 0 : i32
        %max3A_194 = arith.maxsi %max3A, %min3A_193 : i32
        %parallel_loop3A = arith.constant 0 : i32
        %parallel_loop3A_195 = arith.constant 1 : i32
        %parallel_loop3A_196:16 = scf.for %parallel_loop3A_227 = %parallel_loop3A to %max3A_194 step %parallel_loop3A_195 iter_args(%parallel_loop3A_228 = %while3A_167, %parallel_loop3A_229 = %while3A_168, %parallel_loop3A_230 = %while3A_169, %parallel_loop3A_231 = %while3A_170, %parallel_loop3A_232 = %while3A_171, %parallel_loop3A_233 = %while3A_172, %parallel_loop3A_234 = %while3A_173, %parallel_loop3A_235 = %while3A_174, %parallel_loop3A_236 = %while3A_175, %parallel_loop3A_237 = %while3A_176, %parallel_loop3A_238 = %while3A_177, %parallel_loop3A_239 = %while3A_178, %parallel_loop3A_240 = %while3A_179, %parallel_loop3A_241 = %while3A_180, %parallel_loop3A_242 = %while3A_181, %parallel_loop3A_243 = %while3A_182) -> (vector<16xf32>, vector<16xf32>, vector<16xf32>, vector<16xf32>, vector<16xf32>, vector<16xf32>, vector<16xf32>, vector<16xf32>, vector<16xf32>, vector<16xf32>, vector<16xf32>, vector<16xf32>, vector<16xf32>, vector<16xf32>, vector<16xf32>, vector<16xf32>)  : i32 {
          %parallel_loop3A_244 = arith.index_cast %parallel_loop3A_227 : i32 to index
          %parallel_loop3A_245 = arith.constant 0 : index
          %parallel_loop3A_246 = tpu.vector_load %arg6[%parallel_loop3A_244, %parallel_loop3A_245] {strides = array<i32>} : memref<64x256xf32, #tpu.memory_space<vmem>>, vector<16xf32>,
          %parallel_loop3A_247 = arith.index_cast %parallel_loop3A_227 : i32 to index
          %parallel_loop3A_248 = arith.constant 16 : index
          %parallel_loop3A_249 = tpu.vector_load %arg6[%parallel_loop3A_247, %parallel_loop3A_248] {strides = array<i32>} : memref<64x256xf32, #tpu.memory_space<vmem>>, vector<16xf32>,
          %parallel_loop3A_250 = arith.index_cast %parallel_loop3A_227 : i32 to index
          %parallel_loop3A_251 = arith.constant 32 : index
          %parallel_loop3A_252 = tpu.vector_load %arg6[%parallel_loop3A_250, %parallel_loop3A_251] {strides = array<i32>} : memref<64x256xf32, #tpu.memory_space<vmem>>, vector<16xf32>,
          %parallel_loop3A_253 = arith.index_cast %parallel_loop3A_227 : i32 to index
          %parallel_loop3A_254 = arith.constant 48 : index
          %parallel_loop3A_255 = tpu.vector_load %arg6[%parallel_loop3A_253, %parallel_loop3A_254] {strides = array<i32>} : memref<64x256xf32, #tpu.memory_space<vmem>>, vector<16xf32>,
          %parallel_loop3A_256 = arith.index_cast %parallel_loop3A_227 : i32 to index
          %parallel_loop3A_257 = arith.constant 64 : index
          %parallel_loop3A_258 = tpu.vector_load %arg6[%parallel_loop3A_256, %parallel_loop3A_257] {strides = array<i32>} : memref<64x256xf32, #tpu.memory_space<vmem>>, vector<16xf32>,
          %parallel_loop3A_259 = arith.index_cast %parallel_loop3A_227 : i32 to index
          %parallel_loop3A_260 = arith.constant 80 : index
          %parallel_loop3A_261 = tpu.vector_load %arg6[%parallel_loop3A_259, %parallel_loop3A_260] {strides = array<i32>} : memref<64x256xf32, #tpu.memory_space<vmem>>, vector<16xf32>,
          %parallel_loop3A_262 = arith.index_cast %parallel_loop3A_227 : i32 to index
          %parallel_loop3A_263 = arith.constant 96 : index
          %parallel_loop3A_264 = tpu.vector_load %arg6[%parallel_loop3A_262, %parallel_loop3A_263] {strides = array<i32>} : memref<64x256xf32, #tpu.memory_space<vmem>>, vector<16xf32>,
          %parallel_loop3A_265 = arith.index_cast %parallel_loop3A_227 : i32 to index
          %parallel_loop3A_266 = arith.constant 112 : index
          %parallel_loop3A_267 = tpu.vector_load %arg6[%parallel_loop3A_265, %parallel_loop3A_266] {strides = array<i32>} : memref<64x256xf32, #tpu.memory_space<vmem>>, vector<16xf32>,
          %parallel_loop3A_268 = arith.index_cast %parallel_loop3A_227 : i32 to index
          %parallel_loop3A_269 = arith.constant 128 : index
          %parallel_loop3A_270 = tpu.vector_load %arg6[%parallel_loop3A_268, %parallel_loop3A_269] {strides = array<i32>} : memref<64x256xf32, #tpu.memory_space<vmem>>, vector<16xf32>,
          %parallel_loop3A_271 = arith.index_cast %parallel_loop3A_227 : i32 to index
          %parallel_loop3A_272 = arith.constant 144 : index
          %parallel_loop3A_273 = tpu.vector_load %arg6[%parallel_loop3A_271, %parallel_loop3A_272] {strides = array<i32>} : memref<64x256xf32, #tpu.memory_space<vmem>>, vector<16xf32>,
          %parallel_loop3A_274 = arith.index_cast %parallel_loop3A_227 : i32 to index
          %parallel_loop3A_275 = arith.constant 160 : index
          %parallel_loop3A_276 = tpu.vector_load %arg6[%parallel_loop3A_274, %parallel_loop3A_275] {strides = array<i32>} : memref<64x256xf32, #tpu.memory_space<vmem>>, vector<16xf32>,
          %parallel_loop3A_277 = arith.index_cast %parallel_loop3A_227 : i32 to index
          %parallel_loop3A_278 = arith.constant 176 : index
          %parallel_loop3A_279 = tpu.vector_load %arg6[%parallel_loop3A_277, %parallel_loop3A_278] {strides = array<i32>} : memref<64x256xf32, #tpu.memory_space<vmem>>, vector<16xf32>,
          %parallel_loop3A_280 = arith.index_cast %parallel_loop3A_227 : i32 to index
          %parallel_loop3A_281 = arith.constant 192 : index
          %parallel_loop3A_282 = tpu.vector_load %arg6[%parallel_loop3A_280, %parallel_loop3A_281] {strides = array<i32>} : memref<64x256xf32, #tpu.memory_space<vmem>>, vector<16xf32>,
          %parallel_loop3A_283 = arith.index_cast %parallel_loop3A_227 : i32 to index
          %parallel_loop3A_284 = arith.constant 208 : index
          %parallel_loop3A_285 = tpu.vector_load %arg6[%parallel_loop3A_283, %parallel_loop3A_284] {strides = array<i32>} : memref<64x256xf32, #tpu.memory_space<vmem>>, vector<16xf32>,
          %parallel_loop3A_286 = arith.index_cast %parallel_loop3A_227 : i32 to index
          %parallel_loop3A_287 = arith.constant 224 : index
          %parallel_loop3A_288 = tpu.vector_load %arg6[%parallel_loop3A_286, %parallel_loop3A_287] {strides = array<i32>} : memref<64x256xf32, #tpu.memory_space<vmem>>, vector<16xf32>,
          %parallel_loop3A_289 = arith.index_cast %parallel_loop3A_227 : i32 to index
          %parallel_loop3A_290 = arith.constant 240 : index
          %parallel_loop3A_291 = tpu.vector_load %arg6[%parallel_loop3A_289, %parallel_loop3A_290] {strides = array<i32>} : memref<64x256xf32, #tpu.memory_space<vmem>>, vector<16xf32>,
          %parallel_loop3A_292 = arith.mulf %parallel_loop3A_246, %parallel_loop3A_228 : vector<16xf32>
          %parallel_loop3A_293 = arith.mulf %parallel_loop3A_249, %parallel_loop3A_229 : vector<16xf32>
          %parallel_loop3A_294 = arith.mulf %parallel_loop3A_252, %parallel_loop3A_230 : vector<16xf32>
          %parallel_loop3A_295 = arith.mulf %parallel_loop3A_255, %parallel_loop3A_231 : vector<16xf32>
          %parallel_loop3A_296 = arith.mulf %parallel_loop3A_258, %parallel_loop3A_232 : vector<16xf32>
          %parallel_loop3A_297 = arith.mulf %parallel_loop3A_261, %parallel_loop3A_233 : vector<16xf32>
          %parallel_loop3A_298 = arith.mulf %parallel_loop3A_264, %parallel_loop3A_234 : vector<16xf32>
          %parallel_loop3A_299 = arith.mulf %parallel_loop3A_267, %parallel_loop3A_235 : vector<16xf32>
          %parallel_loop3A_300 = arith.mulf %parallel_loop3A_270, %parallel_loop3A_236 : vector<16xf32>
          %parallel_loop3A_301 = arith.mulf %parallel_loop3A_273, %parallel_loop3A_237 : vector<16xf32>
          %parallel_loop3A_302 = arith.mulf %parallel_loop3A_276, %parallel_loop3A_238 : vector<16xf32>
          %parallel_loop3A_303 = arith.mulf %parallel_loop3A_279, %parallel_loop3A_239 : vector<16xf32>
          %parallel_loop3A_304 = arith.mulf %parallel_loop3A_282, %parallel_loop3A_240 : vector<16xf32>
          %parallel_loop3A_305 = arith.mulf %parallel_loop3A_285, %parallel_loop3A_241 : vector<16xf32>
          %parallel_loop3A_306 = arith.mulf %parallel_loop3A_288, %parallel_loop3A_242 : vector<16xf32>
          %parallel_loop3A_307 = arith.mulf %parallel_loop3A_291, %parallel_loop3A_243 : vector<16xf32>
          %parallel_loop3A_308 = arith.addf %parallel_loop3A_292, %parallel_loop3A_293 : vector<16xf32>
          %parallel_loop3A_309 = arith.addf %parallel_loop3A_294, %parallel_loop3A_295 : vector<16xf32>
          %parallel_loop3A_310 = arith.addf %parallel_loop3A_296, %parallel_loop3A_297 : vector<16xf32>
          %parallel_loop3A_311 = arith.addf %parallel_loop3A_298, %parallel_loop3A_299 : vector<16xf32>
          %parallel_loop3A_312 = arith.addf %parallel_loop3A_300, %parallel_loop3A_301 : vector<16xf32>
          %parallel_loop3A_313 = arith.addf %parallel_loop3A_302, %parallel_loop3A_303 : vector<16xf32>
          %parallel_loop3A_314 = arith.addf %parallel_loop3A_304, %parallel_loop3A_305 : vector<16xf32>
          %parallel_loop3A_315 = arith.addf %parallel_loop3A_306, %parallel_loop3A_307 : vector<16xf32>
          %parallel_loop3A_316 = arith.addf %parallel_loop3A_308, %parallel_loop3A_309 : vector<16xf32>
          %parallel_loop3A_317 = arith.addf %parallel_loop3A_310, %parallel_loop3A_311 : vector<16xf32>
          %parallel_loop3A_318 = arith.addf %parallel_loop3A_312, %parallel_loop3A_313 : vector<16xf32>
          %parallel_loop3A_319 = arith.addf %parallel_loop3A_314, %parallel_loop3A_315 : vector<16xf32>
          %parallel_loop3A_320 = arith.addf %parallel_loop3A_316, %parallel_loop3A_317 : vector<16xf32>
          %parallel_loop3A_321 = arith.addf %parallel_loop3A_318, %parallel_loop3A_319 : vector<16xf32>
          %parallel_loop3A_322 = arith.addf %parallel_loop3A_320, %parallel_loop3A_321 : vector<16xf32>
          %parallel_loop3A_323 = arith.constant 8 : i32
          %parallel_loop3A_324 = vector.broadcast %parallel_loop3A_323 : i32 to vector<16xi32>
          %parallel_loop3A_325 = arith.xori %iota3A, %parallel_loop3A_324 : vector<16xi32>
          %parallel_loop3A_326 = vector.shape_cast %parallel_loop3A_325 : vector<16xi32> to vector<16x1xi32>
          %parallel_loop3A_327 = vector.shape_cast %parallel_loop3A_326 : vector<16x1xi32> to vector<16xi32>
          %parallel_loop3A_328 = tpu.dynamic_gather %parallel_loop3A_322[%parallel_loop3A_327] in [0] : vector<16xf32>, vector<16xi32> -> vector<16xf32>
          %parallel_loop3A_329 = arith.addf %parallel_loop3A_322, %parallel_loop3A_328 : vector<16xf32>
          %parallel_loop3A_330 = arith.constant 4 : i32
          %parallel_loop3A_331 = vector.broadcast %parallel_loop3A_330 : i32 to vector<16xi32>
          %parallel_loop3A_332 = arith.xori %iota3A, %parallel_loop3A_331 : vector<16xi32>
          %parallel_loop3A_333 = vector.shape_cast %parallel_loop3A_332 : vector<16xi32> to vector<16x1xi32>
          %parallel_loop3A_334 = vector.shape_cast %parallel_loop3A_333 : vector<16x1xi32> to vector<16xi32>
          %parallel_loop3A_335 = tpu.dynamic_gather %parallel_loop3A_329[%parallel_loop3A_334] in [0] : vector<16xf32>, vector<16xi32> -> vector<16xf32>
          %parallel_loop3A_336 = arith.addf %parallel_loop3A_329, %parallel_loop3A_335 : vector<16xf32>
          %parallel_loop3A_337 = arith.constant 2 : i32
          %parallel_loop3A_338 = vector.broadcast %parallel_loop3A_337 : i32 to vector<16xi32>
          %parallel_loop3A_339 = arith.xori %iota3A, %parallel_loop3A_338 : vector<16xi32>
          %parallel_loop3A_340 = vector.shape_cast %parallel_loop3A_339 : vector<16xi32> to vector<16x1xi32>
          %parallel_loop3A_341 = vector.shape_cast %parallel_loop3A_340 : vector<16x1xi32> to vector<16xi32>
          %parallel_loop3A_342 = tpu.dynamic_gather %parallel_loop3A_336[%parallel_loop3A_341] in [0] : vector<16xf32>, vector<16xi32> -> vector<16xf32>
          %parallel_loop3A_343 = arith.addf %parallel_loop3A_336, %parallel_loop3A_342 : vector<16xf32>
          %parallel_loop3A_344 = arith.constant 1 : i32
          %parallel_loop3A_345 = vector.broadcast %parallel_loop3A_344 : i32 to vector<16xi32>
          %parallel_loop3A_346 = arith.xori %iota3A, %parallel_loop3A_345 : vector<16xi32>
          %parallel_loop3A_347 = vector.shape_cast %parallel_loop3A_346 : vector<16xi32> to vector<16x1xi32>
          %parallel_loop3A_348 = vector.shape_cast %parallel_loop3A_347 : vector<16x1xi32> to vector<16xi32>
          %parallel_loop3A_349 = tpu.dynamic_gather %parallel_loop3A_343[%parallel_loop3A_348] in [0] : vector<16xf32>, vector<16xi32> -> vector<16xf32>
          %parallel_loop3A_350 = arith.addf %parallel_loop3A_343, %parallel_loop3A_349 : vector<16xf32>
          %parallel_loop3A_351 = arith.mulf %parallel_loop3A_246, %parallel_loop3A_350 : vector<16xf32>
          %parallel_loop3A_352 = arith.constant 0 : index
          %parallel_loop3A_353 = tpu.vector_load %arg9[%parallel_loop3A_352] {strides = array<i32>} : memref<256xf32, #tpu.memory_space<vmem>>, vector<16xf32>,
          tpu.vector_store %arg9[%parallel_loop3A_352], %parallel_loop3A_351 {add = true, strides = array<i32>} : memref<256xf32, #tpu.memory_space<vmem>>, vector<16xf32>,
          %parallel_loop3A_354 = arith.mulf %parallel_loop3A_249, %parallel_loop3A_350 : vector<16xf32>
          %parallel_loop3A_355 = arith.constant 16 : index
          %parallel_loop3A_356 = tpu.vector_load %arg9[%parallel_loop3A_355] {strides = array<i32>} : memref<256xf32, #tpu.memory_space<vmem>>, vector<16xf32>,
          tpu.vector_store %arg9[%parallel_loop3A_355], %parallel_loop3A_354 {add = true, strides = array<i32>} : memref<256xf32, #tpu.memory_space<vmem>>, vector<16xf32>,
          %parallel_loop3A_357 = arith.mulf %parallel_loop3A_252, %parallel_loop3A_350 : vector<16xf32>
          %parallel_loop3A_358 = arith.constant 32 : index
          %parallel_loop3A_359 = tpu.vector_load %arg9[%parallel_loop3A_358] {strides = array<i32>} : memref<256xf32, #tpu.memory_space<vmem>>, vector<16xf32>,
          tpu.vector_store %arg9[%parallel_loop3A_358], %parallel_loop3A_357 {add = true, strides = array<i32>} : memref<256xf32, #tpu.memory_space<vmem>>, vector<16xf32>,
          %parallel_loop3A_360 = arith.mulf %parallel_loop3A_255, %parallel_loop3A_350 : vector<16xf32>
          %parallel_loop3A_361 = arith.constant 48 : index
          %parallel_loop3A_362 = tpu.vector_load %arg9[%parallel_loop3A_361] {strides = array<i32>} : memref<256xf32, #tpu.memory_space<vmem>>, vector<16xf32>,
          tpu.vector_store %arg9[%parallel_loop3A_361], %parallel_loop3A_360 {add = true, strides = array<i32>} : memref<256xf32, #tpu.memory_space<vmem>>, vector<16xf32>,
          %parallel_loop3A_363 = arith.mulf %parallel_loop3A_258, %parallel_loop3A_350 : vector<16xf32>
          %parallel_loop3A_364 = arith.constant 64 : index
          %parallel_loop3A_365 = tpu.vector_load %arg9[%parallel_loop3A_364] {strides = array<i32>} : memref<256xf32, #tpu.memory_space<vmem>>, vector<16xf32>,
          tpu.vector_store %arg9[%parallel_loop3A_364], %parallel_loop3A_363 {add = true, strides = array<i32>} : memref<256xf32, #tpu.memory_space<vmem>>, vector<16xf32>,
          %parallel_loop3A_366 = arith.mulf %parallel_loop3A_261, %parallel_loop3A_350 : vector<16xf32>
          %parallel_loop3A_367 = arith.constant 80 : index
          %parallel_loop3A_368 = tpu.vector_load %arg9[%parallel_loop3A_367] {strides = array<i32>} : memref<256xf32, #tpu.memory_space<vmem>>, vector<16xf32>,
          tpu.vector_store %arg9[%parallel_loop3A_367], %parallel_loop3A_366 {add = true, strides = array<i32>} : memref<256xf32, #tpu.memory_space<vmem>>, vector<16xf32>,
          %parallel_loop3A_369 = arith.mulf %parallel_loop3A_264, %parallel_loop3A_350 : vector<16xf32>
          %parallel_loop3A_370 = arith.constant 96 : index
          %parallel_loop3A_371 = tpu.vector_load %arg9[%parallel_loop3A_370] {strides = array<i32>} : memref<256xf32, #tpu.memory_space<vmem>>, vector<16xf32>,
          tpu.vector_store %arg9[%parallel_loop3A_370], %parallel_loop3A_369 {add = true, strides = array<i32>} : memref<256xf32, #tpu.memory_space<vmem>>, vector<16xf32>,
          %parallel_loop3A_372 = arith.mulf %parallel_loop3A_267, %parallel_loop3A_350 : vector<16xf32>
          %parallel_loop3A_373 = arith.constant 112 : index
          %parallel_loop3A_374 = tpu.vector_load %arg9[%parallel_loop3A_373] {strides = array<i32>} : memref<256xf32, #tpu.memory_space<vmem>>, vector<16xf32>,
          tpu.vector_store %arg9[%parallel_loop3A_373], %parallel_loop3A_372 {add = true, strides = array<i32>} : memref<256xf32, #tpu.memory_space<vmem>>, vector<16xf32>,
          %parallel_loop3A_375 = arith.mulf %parallel_loop3A_270, %parallel_loop3A_350 : vector<16xf32>
          %parallel_loop3A_376 = arith.constant 128 : index
          %parallel_loop3A_377 = tpu.vector_load %arg9[%parallel_loop3A_376] {strides = array<i32>} : memref<256xf32, #tpu.memory_space<vmem>>, vector<16xf32>,
          tpu.vector_store %arg9[%parallel_loop3A_376], %parallel_loop3A_375 {add = true, strides = array<i32>} : memref<256xf32, #tpu.memory_space<vmem>>, vector<16xf32>,
          %parallel_loop3A_378 = arith.mulf %parallel_loop3A_273, %parallel_loop3A_350 : vector<16xf32>
          %parallel_loop3A_379 = arith.constant 144 : index
          %parallel_loop3A_380 = tpu.vector_load %arg9[%parallel_loop3A_379] {strides = array<i32>} : memref<256xf32, #tpu.memory_space<vmem>>, vector<16xf32>,
          tpu.vector_store %arg9[%parallel_loop3A_379], %parallel_loop3A_378 {add = true, strides = array<i32>} : memref<256xf32, #tpu.memory_space<vmem>>, vector<16xf32>,
          %parallel_loop3A_381 = arith.mulf %parallel_loop3A_276, %parallel_loop3A_350 : vector<16xf32>
          %parallel_loop3A_382 = arith.constant 160 : index
          %parallel_loop3A_383 = tpu.vector_load %arg9[%parallel_loop3A_382] {strides = array<i32>} : memref<256xf32, #tpu.memory_space<vmem>>, vector<16xf32>,
          tpu.vector_store %arg9[%parallel_loop3A_382], %parallel_loop3A_381 {add = true, strides = array<i32>} : memref<256xf32, #tpu.memory_space<vmem>>, vector<16xf32>,
          %parallel_loop3A_384 = arith.mulf %parallel_loop3A_279, %parallel_loop3A_350 : vector<16xf32>
          %parallel_loop3A_385 = arith.constant 176 : index
          %parallel_loop3A_386 = tpu.vector_load %arg9[%parallel_loop3A_385] {strides = array<i32>} : memref<256xf32, #tpu.memory_space<vmem>>, vector<16xf32>,
          tpu.vector_store %arg9[%parallel_loop3A_385], %parallel_loop3A_384 {add = true, strides = array<i32>} : memref<256xf32, #tpu.memory_space<vmem>>, vector<16xf32>,
          %parallel_loop3A_387 = arith.mulf %parallel_loop3A_282, %parallel_loop3A_350 : vector<16xf32>
          %parallel_loop3A_388 = arith.constant 192 : index
          %parallel_loop3A_389 = tpu.vector_load %arg9[%parallel_loop3A_388] {strides = array<i32>} : memref<256xf32, #tpu.memory_space<vmem>>, vector<16xf32>,
          tpu.vector_store %arg9[%parallel_loop3A_388], %parallel_loop3A_387 {add = true, strides = array<i32>} : memref<256xf32, #tpu.memory_space<vmem>>, vector<16xf32>,
          %parallel_loop3A_390 = arith.mulf %parallel_loop3A_285, %parallel_loop3A_350 : vector<16xf32>
          %parallel_loop3A_391 = arith.constant 208 : index
          %parallel_loop3A_392 = tpu.vector_load %arg9[%parallel_loop3A_391] {strides = array<i32>} : memref<256xf32, #tpu.memory_space<vmem>>, vector<16xf32>,
          tpu.vector_store %arg9[%parallel_loop3A_391], %parallel_loop3A_390 {add = true, strides = array<i32>} : memref<256xf32, #tpu.memory_space<vmem>>, vector<16xf32>,
          %parallel_loop3A_393 = arith.mulf %parallel_loop3A_288, %parallel_loop3A_350 : vector<16xf32>
          %parallel_loop3A_394 = arith.constant 224 : index
          %parallel_loop3A_395 = tpu.vector_load %arg9[%parallel_loop3A_394] {strides = array<i32>} : memref<256xf32, #tpu.memory_space<vmem>>, vector<16xf32>,
          tpu.vector_store %arg9[%parallel_loop3A_394], %parallel_loop3A_393 {add = true, strides = array<i32>} : memref<256xf32, #tpu.memory_space<vmem>>, vector<16xf32>,
          %parallel_loop3A_396 = arith.mulf %parallel_loop3A_291, %parallel_loop3A_350 : vector<16xf32>
          %parallel_loop3A_397 = arith.constant 240 : index
          %parallel_loop3A_398 = tpu.vector_load %arg9[%parallel_loop3A_397] {strides = array<i32>} : memref<256xf32, #tpu.memory_space<vmem>>, vector<16xf32>,
          tpu.vector_store %arg9[%parallel_loop3A_397], %parallel_loop3A_396 {add = true, strides = array<i32>} : memref<256xf32, #tpu.memory_space<vmem>>, vector<16xf32>,
          scf.yield %parallel_loop3A_228, %parallel_loop3A_229, %parallel_loop3A_230, %parallel_loop3A_231, %parallel_loop3A_232, %parallel_loop3A_233, %parallel_loop3A_234, %parallel_loop3A_235, %parallel_loop3A_236, %parallel_loop3A_237, %parallel_loop3A_238, %parallel_loop3A_239, %parallel_loop3A_240, %parallel_loop3A_241, %parallel_loop3A_242, %parallel_loop3A_243 : vector<16xf32>, vector<16xf32>, vector<16xf32>, vector<16xf32>, vector<16xf32>, vector<16xf32>, vector<16xf32>, vector<16xf32>, vector<16xf32>, vector<16xf32>, vector<16xf32>, vector<16xf32>, vector<16xf32>, vector<16xf32>, vector<16xf32>, vector<16xf32>
        } {sc.loop_unroll_factor = 4 : i64, sc.parallel_access}
        %add3A_197 = arith.constant 2 : i32
        %add3A_198 = arith.addi %add3A_186, %add3A_197 : i32
        %lt3A_199 = arith.cmpi slt, %add3A_198, %select_n3A_55 : i32
        %convert_element_type3A_200 = arith.extui %lt3A_199 : i1 to i32
        %cond3A_201 = arith.constant 0 : i32
        %cond3A_202 = arith.cmpi ne, %convert_element_type3A_200, %cond3A_201 : i32
        scf.if %cond3A_202 {
          %add3A_227 = arith.constant 2 : i32
          %add3A_228 = arith.addi %add3A_186, %add3A_227 : i32
          %mul3A_229 = arith.constant 64 : i32
          %mul3A_230 = arith.muli %add3A_228, %mul3A_229 : i32
          %dma_start3A_231 = arith.constant 0 : i32
          %dma_start3A_232 = tpu.memref_slice %arg2[%add3A_9, %mul3A_230, %dma_start3A_231] : memref<1024x512x256xf32, #tpu.memory_space<hbm>> -> memref<1x64x256xf32, #tpu.memory_space<hbm>>
          %dma_start3A_233 = tpu.memref_squeeze %dma_start3A_232 : memref<1x64x256xf32, #tpu.memory_space<hbm>> -> memref<64x256xf32, #tpu.memory_space<hbm>>
          %dma_start3A_234 = arith.constant 0 : i32
          %dma_start3A_235 = tpu.memref_slice %arg2[%add3A_9, %mul3A_230, %dma_start3A_234] : memref<1024x512x256xf32, #tpu.memory_space<hbm>> -> memref<1x64x256xf32, #tpu.memory_space<hbm>>
          %dma_start3A_236 = tpu.memref_squeeze %dma_start3A_235 : memref<1x64x256xf32, #tpu.memory_space<hbm>> -> memref<64x256xf32, #tpu.memory_space<hbm>>
          tpu.enqueue_dma source(%dma_start3A_236 : memref<64x256xf32, #tpu.memory_space<hbm>>) target(%arg6 : memref<64x256xf32, #tpu.memory_space<vmem>>) target_semaphore(%arg11 : memref<!tpu.dma_semaphore, #tpu.memory_space<semaphore_mem>>)
        } else {
        }
        %mul3A_203 = arith.constant 2 : i32
        %mul3A_204 = arith.muli %mul3A_203, %while3A_166 : i32
        %add3A_205 = arith.constant 1 : i32
        %add3A_206 = arith.addi %mul3A_204, %add3A_205 : i32
        %lt3A_207 = arith.cmpi slt, %add3A_206, %select_n3A_55 : i32
        %convert_element_type3A_208 = arith.extui %lt3A_207 : i1 to i32
        %cond3A_209 = arith.constant 0 : i32
        %cond3A_210 = arith.cmpi ne, %convert_element_type3A_208, %cond3A_209 : i32
        scf.if %cond3A_210 {
          %dma_wait3A = arith.constant 0 : i32
          %dma_wait3A_227 = arith.constant 0 : i32
          %dma_wait3A_228 = tpu.memref_slice %arg2[%add3A_9, %dma_wait3A, %dma_wait3A_227] : memref<1024x512x256xf32, #tpu.memory_space<hbm>> -> memref<1x64x256xf32, #tpu.memory_space<hbm>>
          %dma_wait3A_229 = tpu.memref_squeeze %dma_wait3A_228 : memref<1x64x256xf32, #tpu.memory_space<hbm>> -> memref<64x256xf32, #tpu.memory_space<hbm>>
          %dma_wait3A_230 = arith.constant 0 : i32
          %dma_wait3A_231 = arith.constant 0 : i32
          %dma_wait3A_232 = tpu.memref_slice %arg2[%add3A_9, %dma_wait3A_230, %dma_wait3A_231] : memref<1024x512x256xf32, #tpu.memory_space<hbm>> -> memref<1x64x256xf32, #tpu.memory_space<hbm>>
          %dma_wait3A_233 = tpu.memref_squeeze %dma_wait3A_232 : memref<1x64x256xf32, #tpu.memory_space<hbm>> -> memref<64x256xf32, #tpu.memory_space<hbm>>
          tpu.wait_dma2 semaphore(%arg12 : memref<!tpu.dma_semaphore, #tpu.memory_space<semaphore_mem>>) src(%dma_wait3A_233 : memref<64x256xf32, #tpu.memory_space<hbm>>) dst(%arg7 : memref<64x256xf32, #tpu.memory_space<vmem>>)
        } else {
        }
        %mul3A_211 = arith.constant 64 : i32
        %mul3A_212 = arith.muli %add3A_206, %mul3A_211 : i32
        %sub3A_213 = arith.subi %reduce_sum3A_32, %mul3A_212 : i32
        %min3A_214 = arith.constant 64 : i32
        %min3A_215 = arith.minsi %min3A_214, %sub3A_213 : i32
        %max3A_216 = arith.constant 0 : i32
        %max3A_217 = arith.maxsi %max3A_216, %min3A_215 : i32
        %parallel_loop3A_218 = arith.constant 0 : i32
        %parallel_loop3A_219 = arith.constant 1 : i32
        %parallel_loop3A_220:16 = scf.for %parallel_loop3A_227 = %parallel_loop3A_218 to %max3A_217 step %parallel_loop3A_219 iter_args(%parallel_loop3A_228 = %parallel_loop3A_196#0, %parallel_loop3A_229 = %parallel_loop3A_196#1, %parallel_loop3A_230 = %parallel_loop3A_196#2, %parallel_loop3A_231 = %parallel_loop3A_196#3, %parallel_loop3A_232 = %parallel_loop3A_196#4, %parallel_loop3A_233 = %parallel_loop3A_196#5, %parallel_loop3A_234 = %parallel_loop3A_196#6, %parallel_loop3A_235 = %parallel_loop3A_196#7, %parallel_loop3A_236 = %parallel_loop3A_196#8, %parallel_loop3A_237 = %parallel_loop3A_196#9, %parallel_loop3A_238 = %parallel_loop3A_196#10, %parallel_loop3A_239 = %parallel_loop3A_196#11, %parallel_loop3A_240 = %parallel_loop3A_196#12, %parallel_loop3A_241 = %parallel_loop3A_196#13, %parallel_loop3A_242 = %parallel_loop3A_196#14, %parallel_loop3A_243 = %parallel_loop3A_196#15) -> (vector<16xf32>, vector<16xf32>, vector<16xf32>, vector<16xf32>, vector<16xf32>, vector<16xf32>, vector<16xf32>, vector<16xf32>, vector<16xf32>, vector<16xf32>, vector<16xf32>, vector<16xf32>, vector<16xf32>, vector<16xf32>, vector<16xf32>, vector<16xf32>)  : i32 {
          %parallel_loop3A_244 = arith.index_cast %parallel_loop3A_227 : i32 to index
          %parallel_loop3A_245 = arith.constant 0 : index
          %parallel_loop3A_246 = tpu.vector_load %arg7[%parallel_loop3A_244, %parallel_loop3A_245] {strides = array<i32>} : memref<64x256xf32, #tpu.memory_space<vmem>>, vector<16xf32>,
          %parallel_loop3A_247 = arith.index_cast %parallel_loop3A_227 : i32 to index
          %parallel_loop3A_248 = arith.constant 16 : index
          %parallel_loop3A_249 = tpu.vector_load %arg7[%parallel_loop3A_247, %parallel_loop3A_248] {strides = array<i32>} : memref<64x256xf32, #tpu.memory_space<vmem>>, vector<16xf32>,
          %parallel_loop3A_250 = arith.index_cast %parallel_loop3A_227 : i32 to index
          %parallel_loop3A_251 = arith.constant 32 : index
          %parallel_loop3A_252 = tpu.vector_load %arg7[%parallel_loop3A_250, %parallel_loop3A_251] {strides = array<i32>} : memref<64x256xf32, #tpu.memory_space<vmem>>, vector<16xf32>,
          %parallel_loop3A_253 = arith.index_cast %parallel_loop3A_227 : i32 to index
          %parallel_loop3A_254 = arith.constant 48 : index
          %parallel_loop3A_255 = tpu.vector_load %arg7[%parallel_loop3A_253, %parallel_loop3A_254] {strides = array<i32>} : memref<64x256xf32, #tpu.memory_space<vmem>>, vector<16xf32>,
          %parallel_loop3A_256 = arith.index_cast %parallel_loop3A_227 : i32 to index
          %parallel_loop3A_257 = arith.constant 64 : index
          %parallel_loop3A_258 = tpu.vector_load %arg7[%parallel_loop3A_256, %parallel_loop3A_257] {strides = array<i32>} : memref<64x256xf32, #tpu.memory_space<vmem>>, vector<16xf32>,
          %parallel_loop3A_259 = arith.index_cast %parallel_loop3A_227 : i32 to index
          %parallel_loop3A_260 = arith.constant 80 : index
          %parallel_loop3A_261 = tpu.vector_load %arg7[%parallel_loop3A_259, %parallel_loop3A_260] {strides = array<i32>} : memref<64x256xf32, #tpu.memory_space<vmem>>, vector<16xf32>,
          %parallel_loop3A_262 = arith.index_cast %parallel_loop3A_227 : i32 to index
          %parallel_loop3A_263 = arith.constant 96 : index
          %parallel_loop3A_264 = tpu.vector_load %arg7[%parallel_loop3A_262, %parallel_loop3A_263] {strides = array<i32>} : memref<64x256xf32, #tpu.memory_space<vmem>>, vector<16xf32>,
          %parallel_loop3A_265 = arith.index_cast %parallel_loop3A_227 : i32 to index
          %parallel_loop3A_266 = arith.constant 112 : index
          %parallel_loop3A_267 = tpu.vector_load %arg7[%parallel_loop3A_265, %parallel_loop3A_266] {strides = array<i32>} : memref<64x256xf32, #tpu.memory_space<vmem>>, vector<16xf32>,
          %parallel_loop3A_268 = arith.index_cast %parallel_loop3A_227 : i32 to index
          %parallel_loop3A_269 = arith.constant 128 : index
          %parallel_loop3A_270 = tpu.vector_load %arg7[%parallel_loop3A_268, %parallel_loop3A_269] {strides = array<i32>} : memref<64x256xf32, #tpu.memory_space<vmem>>, vector<16xf32>,
          %parallel_loop3A_271 = arith.index_cast %parallel_loop3A_227 : i32 to index
          %parallel_loop3A_272 = arith.constant 144 : index
          %parallel_loop3A_273 = tpu.vector_load %arg7[%parallel_loop3A_271, %parallel_loop3A_272] {strides = array<i32>} : memref<64x256xf32, #tpu.memory_space<vmem>>, vector<16xf32>,
          %parallel_loop3A_274 = arith.index_cast %parallel_loop3A_227 : i32 to index
          %parallel_loop3A_275 = arith.constant 160 : index
          %parallel_loop3A_276 = tpu.vector_load %arg7[%parallel_loop3A_274, %parallel_loop3A_275] {strides = array<i32>} : memref<64x256xf32, #tpu.memory_space<vmem>>, vector<16xf32>,
          %parallel_loop3A_277 = arith.index_cast %parallel_loop3A_227 : i32 to index
          %parallel_loop3A_278 = arith.constant 176 : index
          %parallel_loop3A_279 = tpu.vector_load %arg7[%parallel_loop3A_277, %parallel_loop3A_278] {strides = array<i32>} : memref<64x256xf32, #tpu.memory_space<vmem>>, vector<16xf32>,
          %parallel_loop3A_280 = arith.index_cast %parallel_loop3A_227 : i32 to index
          %parallel_loop3A_281 = arith.constant 192 : index
          %parallel_loop3A_282 = tpu.vector_load %arg7[%parallel_loop3A_280, %parallel_loop3A_281] {strides = array<i32>} : memref<64x256xf32, #tpu.memory_space<vmem>>, vector<16xf32>,
          %parallel_loop3A_283 = arith.index_cast %parallel_loop3A_227 : i32 to index
          %parallel_loop3A_284 = arith.constant 208 : index
          %parallel_loop3A_285 = tpu.vector_load %arg7[%parallel_loop3A_283, %parallel_loop3A_284] {strides = array<i32>} : memref<64x256xf32, #tpu.memory_space<vmem>>, vector<16xf32>,
          %parallel_loop3A_286 = arith.index_cast %parallel_loop3A_227 : i32 to index
          %parallel_loop3A_287 = arith.constant 224 : index
          %parallel_loop3A_288 = tpu.vector_load %arg7[%parallel_loop3A_286, %parallel_loop3A_287] {strides = array<i32>} : memref<64x256xf32, #tpu.memory_space<vmem>>, vector<16xf32>,
          %parallel_loop3A_289 = arith.index_cast %parallel_loop3A_227 : i32 to index
          %parallel_loop3A_290 = arith.constant 240 : index
          %parallel_loop3A_291 = tpu.vector_load %arg7[%parallel_loop3A_289, %parallel_loop3A_290] {strides = array<i32>} : memref<64x256xf32, #tpu.memory_space<vmem>>, vector<16xf32>,
          %parallel_loop3A_292 = arith.mulf %parallel_loop3A_246, %parallel_loop3A_228 : vector<16xf32>
          %parallel_loop3A_293 = arith.mulf %parallel_loop3A_249, %parallel_loop3A_229 : vector<16xf32>
          %parallel_loop3A_294 = arith.mulf %parallel_loop3A_252, %parallel_loop3A_230 : vector<16xf32>
          %parallel_loop3A_295 = arith.mulf %parallel_loop3A_255, %parallel_loop3A_231 : vector<16xf32>
          %parallel_loop3A_296 = arith.mulf %parallel_loop3A_258, %parallel_loop3A_232 : vector<16xf32>
          %parallel_loop3A_297 = arith.mulf %parallel_loop3A_261, %parallel_loop3A_233 : vector<16xf32>
          %parallel_loop3A_298 = arith.mulf %parallel_loop3A_264, %parallel_loop3A_234 : vector<16xf32>
          %parallel_loop3A_299 = arith.mulf %parallel_loop3A_267, %parallel_loop3A_235 : vector<16xf32>
          %parallel_loop3A_300 = arith.mulf %parallel_loop3A_270, %parallel_loop3A_236 : vector<16xf32>
          %parallel_loop3A_301 = arith.mulf %parallel_loop3A_273, %parallel_loop3A_237 : vector<16xf32>
          %parallel_loop3A_302 = arith.mulf %parallel_loop3A_276, %parallel_loop3A_238 : vector<16xf32>
          %parallel_loop3A_303 = arith.mulf %parallel_loop3A_279, %parallel_loop3A_239 : vector<16xf32>
          %parallel_loop3A_304 = arith.mulf %parallel_loop3A_282, %parallel_loop3A_240 : vector<16xf32>
          %parallel_loop3A_305 = arith.mulf %parallel_loop3A_285, %parallel_loop3A_241 : vector<16xf32>
          %parallel_loop3A_306 = arith.mulf %parallel_loop3A_288, %parallel_loop3A_242 : vector<16xf32>
          %parallel_loop3A_307 = arith.mulf %parallel_loop3A_291, %parallel_loop3A_243 : vector<16xf32>
          %parallel_loop3A_308 = arith.addf %parallel_loop3A_292, %parallel_loop3A_293 : vector<16xf32>
          %parallel_loop3A_309 = arith.addf %parallel_loop3A_294, %parallel_loop3A_295 : vector<16xf32>
          %parallel_loop3A_310 = arith.addf %parallel_loop3A_296, %parallel_loop3A_297 : vector<16xf32>
          %parallel_loop3A_311 = arith.addf %parallel_loop3A_298, %parallel_loop3A_299 : vector<16xf32>
          %parallel_loop3A_312 = arith.addf %parallel_loop3A_300, %parallel_loop3A_301 : vector<16xf32>
          %parallel_loop3A_313 = arith.addf %parallel_loop3A_302, %parallel_loop3A_303 : vector<16xf32>
          %parallel_loop3A_314 = arith.addf %parallel_loop3A_304, %parallel_loop3A_305 : vector<16xf32>
          %parallel_loop3A_315 = arith.addf %parallel_loop3A_306, %parallel_loop3A_307 : vector<16xf32>
          %parallel_loop3A_316 = arith.addf %parallel_loop3A_308, %parallel_loop3A_309 : vector<16xf32>
          %parallel_loop3A_317 = arith.addf %parallel_loop3A_310, %parallel_loop3A_311 : vector<16xf32>
          %parallel_loop3A_318 = arith.addf %parallel_loop3A_312, %parallel_loop3A_313 : vector<16xf32>
          %parallel_loop3A_319 = arith.addf %parallel_loop3A_314, %parallel_loop3A_315 : vector<16xf32>
          %parallel_loop3A_320 = arith.addf %parallel_loop3A_316, %parallel_loop3A_317 : vector<16xf32>
          %parallel_loop3A_321 = arith.addf %parallel_loop3A_318, %parallel_loop3A_319 : vector<16xf32>
          %parallel_loop3A_322 = arith.addf %parallel_loop3A_320, %parallel_loop3A_321 : vector<16xf32>
          %parallel_loop3A_323 = arith.constant 8 : i32
          %parallel_loop3A_324 = vector.broadcast %parallel_loop3A_323 : i32 to vector<16xi32>
          %parallel_loop3A_325 = arith.xori %iota3A, %parallel_loop3A_324 : vector<16xi32>
          %parallel_loop3A_326 = vector.shape_cast %parallel_loop3A_325 : vector<16xi32> to vector<16x1xi32>
          %parallel_loop3A_327 = vector.shape_cast %parallel_loop3A_326 : vector<16x1xi32> to vector<16xi32>
          %parallel_loop3A_328 = tpu.dynamic_gather %parallel_loop3A_322[%parallel_loop3A_327] in [0] : vector<16xf32>, vector<16xi32> -> vector<16xf32>
          %parallel_loop3A_329 = arith.addf %parallel_loop3A_322, %parallel_loop3A_328 : vector<16xf32>
          %parallel_loop3A_330 = arith.constant 4 : i32
          %parallel_loop3A_331 = vector.broadcast %parallel_loop3A_330 : i32 to vector<16xi32>
          %parallel_loop3A_332 = arith.xori %iota3A, %parallel_loop3A_331 : vector<16xi32>
          %parallel_loop3A_333 = vector.shape_cast %parallel_loop3A_332 : vector<16xi32> to vector<16x1xi32>
          %parallel_loop3A_334 = vector.shape_cast %parallel_loop3A_333 : vector<16x1xi32> to vector<16xi32>
          %parallel_loop3A_335 = tpu.dynamic_gather %parallel_loop3A_329[%parallel_loop3A_334] in [0] : vector<16xf32>, vector<16xi32> -> vector<16xf32>
          %parallel_loop3A_336 = arith.addf %parallel_loop3A_329, %parallel_loop3A_335 : vector<16xf32>
          %parallel_loop3A_337 = arith.constant 2 : i32
          %parallel_loop3A_338 = vector.broadcast %parallel_loop3A_337 : i32 to vector<16xi32>
          %parallel_loop3A_339 = arith.xori %iota3A, %parallel_loop3A_338 : vector<16xi32>
          %parallel_loop3A_340 = vector.shape_cast %parallel_loop3A_339 : vector<16xi32> to vector<16x1xi32>
          %parallel_loop3A_341 = vector.shape_cast %parallel_loop3A_340 : vector<16x1xi32> to vector<16xi32>
          %parallel_loop3A_342 = tpu.dynamic_gather %parallel_loop3A_336[%parallel_loop3A_341] in [0] : vector<16xf32>, vector<16xi32> -> vector<16xf32>
          %parallel_loop3A_343 = arith.addf %parallel_loop3A_336, %parallel_loop3A_342 : vector<16xf32>
          %parallel_loop3A_344 = arith.constant 1 : i32
          %parallel_loop3A_345 = vector.broadcast %parallel_loop3A_344 : i32 to vector<16xi32>
          %parallel_loop3A_346 = arith.xori %iota3A, %parallel_loop3A_345 : vector<16xi32>
          %parallel_loop3A_347 = vector.shape_cast %parallel_loop3A_346 : vector<16xi32> to vector<16x1xi32>
          %parallel_loop3A_348 = vector.shape_cast %parallel_loop3A_347 : vector<16x1xi32> to vector<16xi32>
          %parallel_loop3A_349 = tpu.dynamic_gather %parallel_loop3A_343[%parallel_loop3A_348] in [0] : vector<16xf32>, vector<16xi32> -> vector<16xf32>
          %parallel_loop3A_350 = arith.addf %parallel_loop3A_343, %parallel_loop3A_349 : vector<16xf32>
          %parallel_loop3A_351 = arith.mulf %parallel_loop3A_246, %parallel_loop3A_350 : vector<16xf32>
          %parallel_loop3A_352 = arith.constant 0 : index
          %parallel_loop3A_353 = tpu.vector_load %arg9[%parallel_loop3A_352] {strides = array<i32>} : memref<256xf32, #tpu.memory_space<vmem>>, vector<16xf32>,
          tpu.vector_store %arg9[%parallel_loop3A_352], %parallel_loop3A_351 {add = true, strides = array<i32>} : memref<256xf32, #tpu.memory_space<vmem>>, vector<16xf32>,
          %parallel_loop3A_354 = arith.mulf %parallel_loop3A_249, %parallel_loop3A_350 : vector<16xf32>
          %parallel_loop3A_355 = arith.constant 16 : index
          %parallel_loop3A_356 = tpu.vector_load %arg9[%parallel_loop3A_355] {strides = array<i32>} : memref<256xf32, #tpu.memory_space<vmem>>, vector<16xf32>,
          tpu.vector_store %arg9[%parallel_loop3A_355], %parallel_loop3A_354 {add = true, strides = array<i32>} : memref<256xf32, #tpu.memory_space<vmem>>, vector<16xf32>,
          %parallel_loop3A_357 = arith.mulf %parallel_loop3A_252, %parallel_loop3A_350 : vector<16xf32>
          %parallel_loop3A_358 = arith.constant 32 : index
          %parallel_loop3A_359 = tpu.vector_load %arg9[%parallel_loop3A_358] {strides = array<i32>} : memref<256xf32, #tpu.memory_space<vmem>>, vector<16xf32>,
          tpu.vector_store %arg9[%parallel_loop3A_358], %parallel_loop3A_357 {add = true, strides = array<i32>} : memref<256xf32, #tpu.memory_space<vmem>>, vector<16xf32>,
          %parallel_loop3A_360 = arith.mulf %parallel_loop3A_255, %parallel_loop3A_350 : vector<16xf32>
          %parallel_loop3A_361 = arith.constant 48 : index
          %parallel_loop3A_362 = tpu.vector_load %arg9[%parallel_loop3A_361] {strides = array<i32>} : memref<256xf32, #tpu.memory_space<vmem>>, vector<16xf32>,
          tpu.vector_store %arg9[%parallel_loop3A_361], %parallel_loop3A_360 {add = true, strides = array<i32>} : memref<256xf32, #tpu.memory_space<vmem>>, vector<16xf32>,
          %parallel_loop3A_363 = arith.mulf %parallel_loop3A_258, %parallel_loop3A_350 : vector<16xf32>
          %parallel_loop3A_364 = arith.constant 64 : index
          %parallel_loop3A_365 = tpu.vector_load %arg9[%parallel_loop3A_364] {strides = array<i32>} : memref<256xf32, #tpu.memory_space<vmem>>, vector<16xf32>,
          tpu.vector_store %arg9[%parallel_loop3A_364], %parallel_loop3A_363 {add = true, strides = array<i32>} : memref<256xf32, #tpu.memory_space<vmem>>, vector<16xf32>,
          %parallel_loop3A_366 = arith.mulf %parallel_loop3A_261, %parallel_loop3A_350 : vector<16xf32>
          %parallel_loop3A_367 = arith.constant 80 : index
          %parallel_loop3A_368 = tpu.vector_load %arg9[%parallel_loop3A_367] {strides = array<i32>} : memref<256xf32, #tpu.memory_space<vmem>>, vector<16xf32>,
          tpu.vector_store %arg9[%parallel_loop3A_367], %parallel_loop3A_366 {add = true, strides = array<i32>} : memref<256xf32, #tpu.memory_space<vmem>>, vector<16xf32>,
          %parallel_loop3A_369 = arith.mulf %parallel_loop3A_264, %parallel_loop3A_350 : vector<16xf32>
          %parallel_loop3A_370 = arith.constant 96 : index
          %parallel_loop3A_371 = tpu.vector_load %arg9[%parallel_loop3A_370] {strides = array<i32>} : memref<256xf32, #tpu.memory_space<vmem>>, vector<16xf32>,
          tpu.vector_store %arg9[%parallel_loop3A_370], %parallel_loop3A_369 {add = true, strides = array<i32>} : memref<256xf32, #tpu.memory_space<vmem>>, vector<16xf32>,
          %parallel_loop3A_372 = arith.mulf %parallel_loop3A_267, %parallel_loop3A_350 : vector<16xf32>
          %parallel_loop3A_373 = arith.constant 112 : index
          %parallel_loop3A_374 = tpu.vector_load %arg9[%parallel_loop3A_373] {strides = array<i32>} : memref<256xf32, #tpu.memory_space<vmem>>, vector<16xf32>,
          tpu.vector_store %arg9[%parallel_loop3A_373], %parallel_loop3A_372 {add = true, strides = array<i32>} : memref<256xf32, #tpu.memory_space<vmem>>, vector<16xf32>,
          %parallel_loop3A_375 = arith.mulf %parallel_loop3A_270, %parallel_loop3A_350 : vector<16xf32>
          %parallel_loop3A_376 = arith.constant 128 : index
          %parallel_loop3A_377 = tpu.vector_load %arg9[%parallel_loop3A_376] {strides = array<i32>} : memref<256xf32, #tpu.memory_space<vmem>>, vector<16xf32>,
          tpu.vector_store %arg9[%parallel_loop3A_376], %parallel_loop3A_375 {add = true, strides = array<i32>} : memref<256xf32, #tpu.memory_space<vmem>>, vector<16xf32>,
          %parallel_loop3A_378 = arith.mulf %parallel_loop3A_273, %parallel_loop3A_350 : vector<16xf32>
          %parallel_loop3A_379 = arith.constant 144 : index
          %parallel_loop3A_380 = tpu.vector_load %arg9[%parallel_loop3A_379] {strides = array<i32>} : memref<256xf32, #tpu.memory_space<vmem>>, vector<16xf32>,
          tpu.vector_store %arg9[%parallel_loop3A_379], %parallel_loop3A_378 {add = true, strides = array<i32>} : memref<256xf32, #tpu.memory_space<vmem>>, vector<16xf32>,
          %parallel_loop3A_381 = arith.mulf %parallel_loop3A_276, %parallel_loop3A_350 : vector<16xf32>
          %parallel_loop3A_382 = arith.constant 160 : index
          %parallel_loop3A_383 = tpu.vector_load %arg9[%parallel_loop3A_382] {strides = array<i32>} : memref<256xf32, #tpu.memory_space<vmem>>, vector<16xf32>,
          tpu.vector_store %arg9[%parallel_loop3A_382], %parallel_loop3A_381 {add = true, strides = array<i32>} : memref<256xf32, #tpu.memory_space<vmem>>, vector<16xf32>,
          %parallel_loop3A_384 = arith.mulf %parallel_loop3A_279, %parallel_loop3A_350 : vector<16xf32>
          %parallel_loop3A_385 = arith.constant 176 : index
          %parallel_loop3A_386 = tpu.vector_load %arg9[%parallel_loop3A_385] {strides = array<i32>} : memref<256xf32, #tpu.memory_space<vmem>>, vector<16xf32>,
          tpu.vector_store %arg9[%parallel_loop3A_385], %parallel_loop3A_384 {add = true, strides = array<i32>} : memref<256xf32, #tpu.memory_space<vmem>>, vector<16xf32>,
          %parallel_loop3A_387 = arith.mulf %parallel_loop3A_282, %parallel_loop3A_350 : vector<16xf32>
          %parallel_loop3A_388 = arith.constant 192 : index
          %parallel_loop3A_389 = tpu.vector_load %arg9[%parallel_loop3A_388] {strides = array<i32>} : memref<256xf32, #tpu.memory_space<vmem>>, vector<16xf32>,
          tpu.vector_store %arg9[%parallel_loop3A_388], %parallel_loop3A_387 {add = true, strides = array<i32>} : memref<256xf32, #tpu.memory_space<vmem>>, vector<16xf32>,
          %parallel_loop3A_390 = arith.mulf %parallel_loop3A_285, %parallel_loop3A_350 : vector<16xf32>
          %parallel_loop3A_391 = arith.constant 208 : index
          %parallel_loop3A_392 = tpu.vector_load %arg9[%parallel_loop3A_391] {strides = array<i32>} : memref<256xf32, #tpu.memory_space<vmem>>, vector<16xf32>,
          tpu.vector_store %arg9[%parallel_loop3A_391], %parallel_loop3A_390 {add = true, strides = array<i32>} : memref<256xf32, #tpu.memory_space<vmem>>, vector<16xf32>,
          %parallel_loop3A_393 = arith.mulf %parallel_loop3A_288, %parallel_loop3A_350 : vector<16xf32>
          %parallel_loop3A_394 = arith.constant 224 : index
          %parallel_loop3A_395 = tpu.vector_load %arg9[%parallel_loop3A_394] {strides = array<i32>} : memref<256xf32, #tpu.memory_space<vmem>>, vector<16xf32>,
          tpu.vector_store %arg9[%parallel_loop3A_394], %parallel_loop3A_393 {add = true, strides = array<i32>} : memref<256xf32, #tpu.memory_space<vmem>>, vector<16xf32>,
          %parallel_loop3A_396 = arith.mulf %parallel_loop3A_291, %parallel_loop3A_350 : vector<16xf32>
          %parallel_loop3A_397 = arith.constant 240 : index
          %parallel_loop3A_398 = tpu.vector_load %arg9[%parallel_loop3A_397] {strides = array<i32>} : memref<256xf32, #tpu.memory_space<vmem>>, vector<16xf32>,
          tpu.vector_store %arg9[%parallel_loop3A_397], %parallel_loop3A_396 {add = true, strides = array<i32>} : memref<256xf32, #tpu.memory_space<vmem>>, vector<16xf32>,
          scf.yield %parallel_loop3A_228, %parallel_loop3A_229, %parallel_loop3A_230, %parallel_loop3A_231, %parallel_loop3A_232, %parallel_loop3A_233, %parallel_loop3A_234, %parallel_loop3A_235, %parallel_loop3A_236, %parallel_loop3A_237, %parallel_loop3A_238, %parallel_loop3A_239, %parallel_loop3A_240, %parallel_loop3A_241, %parallel_loop3A_242, %parallel_loop3A_243 : vector<16xf32>, vector<16xf32>, vector<16xf32>, vector<16xf32>, vector<16xf32>, vector<16xf32>, vector<16xf32>, vector<16xf32>, vector<16xf32>, vector<16xf32>, vector<16xf32>, vector<16xf32>, vector<16xf32>, vector<16xf32>, vector<16xf32>, vector<16xf32>
        } {sc.loop_unroll_factor = 4 : i64, sc.parallel_access}
        %add3A_221 = arith.constant 2 : i32
        %add3A_222 = arith.addi %add3A_206, %add3A_221 : i32
        %lt3A_223 = arith.cmpi slt, %add3A_222, %select_n3A_55 : i32
        %convert_element_type3A_224 = arith.extui %lt3A_223 : i1 to i32
        %cond3A_225 = arith.constant 0 : i32
        %cond3A_226 = arith.cmpi ne, %convert_element_type3A_224, %cond3A_225 : i32
        scf.if %cond3A_226 {
          %add3A_227 = arith.constant 2 : i32
          %add3A_228 = arith.addi %add3A_206, %add3A_227 : i32
          %mul3A_229 = arith.constant 64 : i32
          %mul3A_230 = arith.muli %add3A_228, %mul3A_229 : i32
          %dma_start3A_231 = arith.constant 0 : i32
          %dma_start3A_232 = tpu.memref_slice %arg2[%add3A_9, %mul3A_230, %dma_start3A_231] : memref<1024x512x256xf32, #tpu.memory_space<hbm>> -> memref<1x64x256xf32, #tpu.memory_space<hbm>>
          %dma_start3A_233 = tpu.memref_squeeze %dma_start3A_232 : memref<1x64x256xf32, #tpu.memory_space<hbm>> -> memref<64x256xf32, #tpu.memory_space<hbm>>
          %dma_start3A_234 = arith.constant 0 : i32
          %dma_start3A_235 = tpu.memref_slice %arg2[%add3A_9, %mul3A_230, %dma_start3A_234] : memref<1024x512x256xf32, #tpu.memory_space<hbm>> -> memref<1x64x256xf32, #tpu.memory_space<hbm>>
          %dma_start3A_236 = tpu.memref_squeeze %dma_start3A_235 : memref<1x64x256xf32, #tpu.memory_space<hbm>> -> memref<64x256xf32, #tpu.memory_space<hbm>>
          tpu.enqueue_dma source(%dma_start3A_236 : memref<64x256xf32, #tpu.memory_space<hbm>>) target(%arg7 : memref<64x256xf32, #tpu.memory_space<vmem>>) target_semaphore(%arg12 : memref<!tpu.dma_semaphore, #tpu.memory_space<semaphore_mem>>)
        } else {
        }
        scf.yield %parallel_loop3A_220#0, %parallel_loop3A_220#1, %parallel_loop3A_220#2, %parallel_loop3A_220#3, %parallel_loop3A_220#4, %parallel_loop3A_220#5, %parallel_loop3A_220#6, %parallel_loop3A_220#7, %parallel_loop3A_220#8, %parallel_loop3A_220#9, %parallel_loop3A_220#10, %parallel_loop3A_220#11, %parallel_loop3A_220#12, %parallel_loop3A_220#13, %parallel_loop3A_220#14, %parallel_loop3A_220#15 : vector<16xf32>, vector<16xf32>, vector<16xf32>, vector<16xf32>, vector<16xf32>, vector<16xf32>, vector<16xf32>, vector<16xf32>, vector<16xf32>, vector<16xf32>, vector<16xf32>, vector<16xf32>, vector<16xf32>, vector<16xf32>, vector<16xf32>, vector<16xf32>
      }
      "tpu.region"() ({
        %run_scoped3A = tpu.sem_alloc : memref<!tpu.dma_semaphore, #tpu.memory_space<semaphore_mem>>
        %dma_start3A_166 = arith.constant 0 : i32
        %dma_start3A_167 = tpu.memref_slice %arg5[%add3A_9, %dma_start3A_166] : memref<384x256xf32, #tpu.memory_space<hbm>> -> memref<1x256xf32, #tpu.memory_space<hbm>>
        %dma_start3A_168 = tpu.memref_squeeze %dma_start3A_167 : memref<1x256xf32, #tpu.memory_space<hbm>> -> memref<256xf32, #tpu.memory_space<hbm>>
        %dma_start3A_169 = arith.constant 0 : i32
        %dma_start3A_170 = tpu.memref_slice %arg5[%add3A_9, %dma_start3A_169] : memref<384x256xf32, #tpu.memory_space<hbm>> -> memref<1x256xf32, #tpu.memory_space<hbm>>
        %dma_start3A_171 = tpu.memref_squeeze %dma_start3A_170 : memref<1x256xf32, #tpu.memory_space<hbm>> -> memref<256xf32, #tpu.memory_space<hbm>>
        tpu.enqueue_dma source(%arg9 : memref<256xf32, #tpu.memory_space<vmem>>) target(%dma_start3A_171 : memref<256xf32, #tpu.memory_space<hbm>>) target_semaphore(%run_scoped3A : memref<!tpu.dma_semaphore, #tpu.memory_space<semaphore_mem>>)
        %dma_wait3A = arith.constant 0 : i32
        %dma_wait3A_172 = tpu.memref_slice %arg5[%add3A_9, %dma_wait3A] : memref<384x256xf32, #tpu.memory_space<hbm>> -> memref<1x256xf32, #tpu.memory_space<hbm>>
        %dma_wait3A_173 = tpu.memref_squeeze %dma_wait3A_172 : memref<1x256xf32, #tpu.memory_space<hbm>> -> memref<256xf32, #tpu.memory_space<hbm>>
        %dma_wait3A_174 = arith.constant 0 : i32
        %dma_wait3A_175 = tpu.memref_slice %arg5[%add3A_9, %dma_wait3A_174] : memref<384x256xf32, #tpu.memory_space<hbm>> -> memref<1x256xf32, #tpu.memory_space<hbm>>
        %dma_wait3A_176 = tpu.memref_squeeze %dma_wait3A_175 : memref<1x256xf32, #tpu.memory_space<hbm>> -> memref<256xf32, #tpu.memory_space<hbm>>
        tpu.wait_dma2 semaphore(%run_scoped3A : memref<!tpu.dma_semaphore, #tpu.memory_space<semaphore_mem>>) src(%arg9 : memref<256xf32, #tpu.memory_space<vmem>>) dst(%dma_wait3A_176 : memref<256xf32, #tpu.memory_space<hbm>>)
        tpu.yield
      }) : () -> ()
    }
    %scan3A_5 = arith.constant 12 : i32
    return
  }
}

module attributes {stable_mosaic.version = 14 : i64} {
  func.func @_tc_body(%arg0: i32, %arg1: i32, %arg2: memref<640xi32, #tpu.memory_space<smem>>, %arg3: memref<10xi32, #tpu.memory_space<smem>>, %arg4: memref<64x64x256xf32, #tpu.memory_space<vmem>>, %arg5: memref<1x256xf32, #tpu.memory_space<vmem>>, %arg6: memref<64x256xf32, #tpu.memory_space<vmem>>) attributes {dimension_semantics = [#tpu.dimension_semantics<arbitrary>, #tpu.dimension_semantics<arbitrary>], iteration_bounds = array<i64: 10, 8>, scalar_prefetch = 2 : i64, scratch_operands = 0 : i64, tpu.core_type = #tpu.core_type<tc>, window_params = [{transform_indices = @transform_0, window_bounds = array<i64: 64, 64, 256>}, {pipeline_mode = #tpu.pipeline_mode<synchronous>, transform_indices = @transform_1, window_bounds = array<i64: 1, 256>}, {transform_indices = @transform_2, window_bounds = array<i64: 64, 256>}]} {
    %eq3A = arith.constant 0 : i32
    %eq3A_0 = arith.cmpi eq, %arg1, %eq3A : i32
    %convert_element_type3A = arith.extui %eq3A_0 : i1 to i32
    %cond3A = arith.constant 0 : i32
    %cond3A_1 = arith.cmpi ne, %convert_element_type3A, %cond3A : i32
    scf.if %cond3A_1 {
      %broadcast_in_dim3A = arith.constant 0.000000e+00 : f32
      %broadcast_in_dim3A_6 = vector.broadcast %broadcast_in_dim3A : f32 to vector<64x256xf32>
      %swap3A = arith.constant 0 : index
      %swap3A_7 = arith.constant 0 : index
      %swap3A_8 = vector.load %arg6[%swap3A, %swap3A_7] : memref<64x256xf32, #tpu.memory_space<vmem>>, vector<64x256xf32>
      tpu.vector_store %arg6[%swap3A, %swap3A_7], %broadcast_in_dim3A_6 {strides = array<i32>} : memref<64x256xf32, #tpu.memory_space<vmem>>, vector<64x256xf32>,
    } else {
    }
    %get3A = arith.index_cast %arg0 : i32 to index
    %get3A_2 = memref.load %arg3[%get3A] : memref<10xi32, #tpu.memory_space<smem>>
    %lt3A = arith.cmpi slt, %arg1, %get3A_2 : i32
    %convert_element_type3A_3 = arith.extui %lt3A : i1 to i32
    %cond3A_4 = arith.constant 0 : i32
    %cond3A_5 = arith.cmpi ne, %convert_element_type3A_3, %cond3A_4 : i32
    scf.if %cond3A_5 {
      %get3A_6 = arith.constant 0 : index
      %get3A_7 = arith.constant 0 : index
      %get3A_8 = vector.load %arg5[%get3A_6, %get3A_7] : memref<1x256xf32, #tpu.memory_space<vmem>>, vector<1x256xf32>
      %get3A_9 = vector.shape_cast %get3A_8 : vector<1x256xf32> to vector<256xf32>
      %get3A_10 = arith.constant 0 : index
      %get3A_11 = arith.constant 0 : index
      %get3A_12 = arith.constant 0 : index
      %get3A_13 = vector.load %arg4[%get3A_10, %get3A_11, %get3A_12] : memref<64x64x256xf32, #tpu.memory_space<vmem>>, vector<64x64x256xf32>
      %reshape3A = vector.shape_cast %get3A_13 : vector<64x64x256xf32> to vector<4096x256xf32>
      %reshape3A_14 = vector.shape_cast %get3A_9 : vector<256xf32> to vector<256x1xf32>
      %dot_general3A = arith.constant dense<0.000000e+00> : vector<4096x1xf32>
      %dot_general3A_15 = tpu.matmul %reshape3A, %reshape3A_14, %dot_general3A {dimension_numbers = #tpu.dot_dimension_numbers<[1], [0], [0], [1], [0, 0, 1, 1], [], []>, transpose_lhs_hint = false} : vector<4096x256xf32>, vector<256x1xf32>, vector<4096x1xf32> -> vector<4096x1xf32>
      %iota3A = tpu.iota {dimensions = array<i32: 1>} : vector<8x512xi32>
      %iota3A_16 = tpu.iota {dimensions = array<i32: 0>} : vector<8x512xi32>
      %jit3A = arith.constant 64 : i32
      %div3A = vector.broadcast %jit3A : i32 to vector<8x512xi32>
      %div3A_17 = arith.divsi %iota3A, %div3A : vector<8x512xi32>
      %sign3A = arith.constant 0 : i32
      %sign3A_18 = vector.broadcast %sign3A : i32 to vector<8x512xi32>
      %sign3A_19 = arith.cmpi sgt, %iota3A, %sign3A_18 : vector<8x512xi32>
      %sign3A_20 = arith.extui %sign3A_19 : vector<8x512xi1> to vector<8x512xi32>
      %sign3A_21 = arith.constant 0 : i32
      %sign3A_22 = vector.broadcast %sign3A_21 : i32 to vector<8x512xi32>
      %sign3A_23 = arith.cmpi slt, %iota3A, %sign3A_22 : vector<8x512xi32>
      %sign3A_24 = arith.extui %sign3A_23 : vector<8x512xi1> to vector<8x512xi32>
      %sign3A_25 = arith.subi %sign3A_20, %sign3A_24 : vector<8x512xi32>
      %sign3A_26 = arith.constant 0 : i32
      %sign3A_27 = arith.cmpi sgt, %jit3A, %sign3A_26 : i32
      %sign3A_28 = arith.extui %sign3A_27 : i1 to i32
      %sign3A_29 = arith.constant 0 : i32
      %sign3A_30 = arith.cmpi slt, %jit3A, %sign3A_29 : i32
      %sign3A_31 = arith.extui %sign3A_30 : i1 to i32
      %sign3A_32 = arith.subi %sign3A_28, %sign3A_31 : i32
      %ne3A = vector.broadcast %sign3A_32 : i32 to vector<8x512xi32>
      %ne3A_33 = arith.cmpi ne, %sign3A_25, %ne3A : vector<8x512xi32>
      %rem3A = vector.broadcast %jit3A : i32 to vector<8x512xi32>
      %rem3A_34 = arith.remsi %iota3A, %rem3A : vector<8x512xi32>
      %ne3A_35 = arith.constant 0 : i32
      %ne3A_36 = vector.broadcast %ne3A_35 : i32 to vector<8x512xi32>
      %ne3A_37 = arith.cmpi ne, %rem3A_34, %ne3A_36 : vector<8x512xi32>
      %and3A = arith.andi %ne3A_33, %ne3A_37 : vector<8x512xi1>
      %sub3A = arith.constant 1 : i32
      %sub3A_38 = vector.broadcast %sub3A : i32 to vector<8x512xi32>
      %sub3A_39 = arith.subi %div3A_17, %sub3A_38 : vector<8x512xi32>
      %select_n3A = arith.select %and3A, %sub3A_39, %div3A_17 : vector<8x512xi1>, vector<8x512xi32>
      %eq3A_40 = arith.cmpi eq, %select_n3A, %iota3A_16 : vector<8x512xi32>
      %mul3A = arith.constant 64 : i32
      %mul3A_41 = vector.broadcast %mul3A : i32 to vector<8x512xi32>
      %mul3A_42 = arith.muli %iota3A_16, %mul3A_41 : vector<8x512xi32>
      %sub3A_43 = arith.subi %iota3A, %mul3A_42 : vector<8x512xi32>
      %mul3A_44 = arith.constant 64 : i32
      %mul3A_45 = arith.muli %arg1, %mul3A_44 : i32
      %add3A = vector.broadcast %mul3A_45 : i32 to vector<8x512xi32>
      %add3A_46 = arith.addi %sub3A_43, %add3A : vector<8x512xi32>
      %reshape3A_47 = vector.shape_cast %dot_general3A_15 : vector<4096x1xf32> to vector<8x1x512xf32>
      %mul3A_48 = arith.constant 64 : i32
      %mul3A_49 = arith.muli %arg0, %mul3A_48 : i32
      %add3A_50 = arith.constant 0 : i32
      %add3A_51 = arith.addi %mul3A_49, %add3A_50 : i32
      %add3A_52 = arith.constant 0 : i32
      %add3A_53 = arith.addi %add3A_51, %add3A_52 : i32
      %get3A_54 = arith.index_cast %add3A_53 : i32 to index
      %get3A_55 = memref.load %arg2[%get3A_54] : memref<640xi32, #tpu.memory_space<smem>>
      %broadcast_in_dim3A = vector.broadcast %get3A_55 : i32 to vector<1x512xi32>
      %mul3A_56 = arith.constant 64 : i32
      %mul3A_57 = arith.muli %arg0, %mul3A_56 : i32
      %add3A_58 = arith.constant 0 : i32
      %add3A_59 = arith.addi %mul3A_57, %add3A_58 : i32
      %add3A_60 = arith.constant 1 : i32
      %add3A_61 = arith.addi %add3A_59, %add3A_60 : i32
      %get3A_62 = arith.index_cast %add3A_61 : i32 to index
      %get3A_63 = memref.load %arg2[%get3A_62] : memref<640xi32, #tpu.memory_space<smem>>
      %broadcast_in_dim3A_64 = vector.broadcast %get3A_63 : i32 to vector<1x512xi32>
      %mul3A_65 = arith.constant 64 : i32
      %mul3A_66 = arith.muli %arg0, %mul3A_65 : i32
      %add3A_67 = arith.constant 0 : i32
      %add3A_68 = arith.addi %mul3A_66, %add3A_67 : i32
      %add3A_69 = arith.constant 2 : i32
      %add3A_70 = arith.addi %add3A_68, %add3A_69 : i32
      %get3A_71 = arith.index_cast %add3A_70 : i32 to index
      %get3A_72 = memref.load %arg2[%get3A_71] : memref<640xi32, #tpu.memory_space<smem>>
      %broadcast_in_dim3A_73 = vector.broadcast %get3A_72 : i32 to vector<1x512xi32>
      %mul3A_74 = arith.constant 64 : i32
      %mul3A_75 = arith.muli %arg0, %mul3A_74 : i32
      %add3A_76 = arith.constant 0 : i32
      %add3A_77 = arith.addi %mul3A_75, %add3A_76 : i32
      %add3A_78 = arith.constant 3 : i32
      %add3A_79 = arith.addi %add3A_77, %add3A_78 : i32
      %get3A_80 = arith.index_cast %add3A_79 : i32 to index
      %get3A_81 = memref.load %arg2[%get3A_80] : memref<640xi32, #tpu.memory_space<smem>>
      %broadcast_in_dim3A_82 = vector.broadcast %get3A_81 : i32 to vector<1x512xi32>
      %mul3A_83 = arith.constant 64 : i32
      %mul3A_84 = arith.muli %arg0, %mul3A_83 : i32
      %add3A_85 = arith.constant 0 : i32
      %add3A_86 = arith.addi %mul3A_84, %add3A_85 : i32
      %add3A_87 = arith.constant 4 : i32
      %add3A_88 = arith.addi %add3A_86, %add3A_87 : i32
      %get3A_89 = arith.index_cast %add3A_88 : i32 to index
      %get3A_90 = memref.load %arg2[%get3A_89] : memref<640xi32, #tpu.memory_space<smem>>
      %broadcast_in_dim3A_91 = vector.broadcast %get3A_90 : i32 to vector<1x512xi32>
      %mul3A_92 = arith.constant 64 : i32
      %mul3A_93 = arith.muli %arg0, %mul3A_92 : i32
      %add3A_94 = arith.constant 0 : i32
      %add3A_95 = arith.addi %mul3A_93, %add3A_94 : i32
      %add3A_96 = arith.constant 5 : i32
      %add3A_97 = arith.addi %add3A_95, %add3A_96 : i32
      %get3A_98 = arith.index_cast %add3A_97 : i32 to index
      %get3A_99 = memref.load %arg2[%get3A_98] : memref<640xi32, #tpu.memory_space<smem>>
      %broadcast_in_dim3A_100 = vector.broadcast %get3A_99 : i32 to vector<1x512xi32>
      %mul3A_101 = arith.constant 64 : i32
      %mul3A_102 = arith.muli %arg0, %mul3A_101 : i32
      %add3A_103 = arith.constant 0 : i32
      %add3A_104 = arith.addi %mul3A_102, %add3A_103 : i32
      %add3A_105 = arith.constant 6 : i32
      %add3A_106 = arith.addi %add3A_104, %add3A_105 : i32
      %get3A_107 = arith.index_cast %add3A_106 : i32 to index
      %get3A_108 = memref.load %arg2[%get3A_107] : memref<640xi32, #tpu.memory_space<smem>>
      %broadcast_in_dim3A_109 = vector.broadcast %get3A_108 : i32 to vector<1x512xi32>
      %mul3A_110 = arith.constant 64 : i32
      %mul3A_111 = arith.muli %arg0, %mul3A_110 : i32
      %add3A_112 = arith.constant 0 : i32
      %add3A_113 = arith.addi %mul3A_111, %add3A_112 : i32
      %add3A_114 = arith.constant 7 : i32
      %add3A_115 = arith.addi %add3A_113, %add3A_114 : i32
      %get3A_116 = arith.index_cast %add3A_115 : i32 to index
      %get3A_117 = memref.load %arg2[%get3A_116] : memref<640xi32, #tpu.memory_space<smem>>
      %broadcast_in_dim3A_118 = vector.broadcast %get3A_117 : i32 to vector<1x512xi32>
      %concatenate3A = tpu.concatenate %broadcast_in_dim3A, %broadcast_in_dim3A_64, %broadcast_in_dim3A_73, %broadcast_in_dim3A_82, %broadcast_in_dim3A_91, %broadcast_in_dim3A_100, %broadcast_in_dim3A_109, %broadcast_in_dim3A_118 in 0 : vector<1x512xi32>, vector<1x512xi32>, vector<1x512xi32>, vector<1x512xi32>, vector<1x512xi32>, vector<1x512xi32>, vector<1x512xi32>, vector<1x512xi32> -> vector<8x512xi32>
      %lt3A_119 = arith.cmpi slt, %add3A_46, %concatenate3A : vector<8x512xi32>
      %and3A_120 = arith.andi %eq3A_40, %lt3A_119 : vector<8x512xi1>
      %slice3A = vector.extract_strided_slice %reshape3A_47 {offsets = [0, 0, 0], sizes = [1, 1, 512], strides = [1, 1, 1]} : vector<8x1x512xf32> to vector<1x1x512xf32>
      %squeeze3A = vector.shape_cast %slice3A : vector<1x1x512xf32> to vector<1x512xf32>
      %jit3A_121 = arith.constant 0.000000e+00 : f32
      %broadcast_in_dim3A_122 = vector.shape_cast %squeeze3A : vector<1x512xf32> to vector<1x512xf32>
      %broadcast_in_dim3A_123 = vector.broadcast %broadcast_in_dim3A_122 : vector<1x512xf32> to vector<8x512xf32>
      %broadcast_in_dim3A_124 = vector.broadcast %jit3A_121 : f32 to vector<8x512xf32>
      %select_n3A_125 = arith.select %and3A_120, %broadcast_in_dim3A_123, %broadcast_in_dim3A_124 : vector<8x512xi1>, vector<8x512xf32>
      %get3A_126 = arith.constant 0 : index
      %get3A_127 = arith.constant 0 : index
      %get3A_128 = vector.load %arg6[%get3A_126, %get3A_127] : memref<64x256xf32, #tpu.memory_space<vmem>>, vector<8x256xf32>
      %get3A_129 = arith.constant 0 : index
      %get3A_130 = arith.constant 0 : index
      %get3A_131 = arith.constant 0 : index
      %get3A_132 = vector.load %arg4[%get3A_129, %get3A_130, %get3A_131] : memref<64x64x256xf32, #tpu.memory_space<vmem>>, vector<8x64x256xf32>
      %reshape3A_133 = vector.shape_cast %get3A_132 : vector<8x64x256xf32> to vector<512x256xf32>
      %dot_general3A_134 = arith.constant dense<0.000000e+00> : vector<8x256xf32>
      %dot_general3A_135 = tpu.matmul %select_n3A_125, %reshape3A_133, %dot_general3A_134 {dimension_numbers = #tpu.dot_dimension_numbers<[1], [0], [0], [1], [0, 0, 1, 1], [], []>, transpose_lhs_hint = false} : vector<8x512xf32>, vector<512x256xf32>, vector<8x256xf32> -> vector<8x256xf32>
      %add3A_136 = arith.addf %get3A_128, %dot_general3A_135 : vector<8x256xf32>
      %swap3A = arith.constant 0 : index
      %swap3A_137 = arith.constant 0 : index
      %swap3A_138 = vector.load %arg6[%swap3A, %swap3A_137] : memref<64x256xf32, #tpu.memory_space<vmem>>, vector<8x256xf32>
      tpu.vector_store %arg6[%swap3A, %swap3A_137], %add3A_136 {strides = array<i32>} : memref<64x256xf32, #tpu.memory_space<vmem>>, vector<8x256xf32>,
      %mul3A_139 = arith.constant 64 : i32
      %mul3A_140 = arith.muli %arg0, %mul3A_139 : i32
      %add3A_141 = arith.constant 8 : i32
      %add3A_142 = arith.addi %mul3A_140, %add3A_141 : i32
      %add3A_143 = arith.constant 0 : i32
      %add3A_144 = arith.addi %add3A_142, %add3A_143 : i32
      %get3A_145 = arith.index_cast %add3A_144 : i32 to index
      %get3A_146 = memref.load %arg2[%get3A_145] : memref<640xi32, #tpu.memory_space<smem>>
      %broadcast_in_dim3A_147 = vector.broadcast %get3A_146 : i32 to vector<1x512xi32>
      %mul3A_148 = arith.constant 64 : i32
      %mul3A_149 = arith.muli %arg0, %mul3A_148 : i32
      %add3A_150 = arith.constant 8 : i32
      %add3A_151 = arith.addi %mul3A_149, %add3A_150 : i32
      %add3A_152 = arith.constant 1 : i32
      %add3A_153 = arith.addi %add3A_151, %add3A_152 : i32
      %get3A_154 = arith.index_cast %add3A_153 : i32 to index
      %get3A_155 = memref.load %arg2[%get3A_154] : memref<640xi32, #tpu.memory_space<smem>>
      %broadcast_in_dim3A_156 = vector.broadcast %get3A_155 : i32 to vector<1x512xi32>
      %mul3A_157 = arith.constant 64 : i32
      %mul3A_158 = arith.muli %arg0, %mul3A_157 : i32
      %add3A_159 = arith.constant 8 : i32
      %add3A_160 = arith.addi %mul3A_158, %add3A_159 : i32
      %add3A_161 = arith.constant 2 : i32
      %add3A_162 = arith.addi %add3A_160, %add3A_161 : i32
      %get3A_163 = arith.index_cast %add3A_162 : i32 to index
      %get3A_164 = memref.load %arg2[%get3A_163] : memref<640xi32, #tpu.memory_space<smem>>
      %broadcast_in_dim3A_165 = vector.broadcast %get3A_164 : i32 to vector<1x512xi32>
      %mul3A_166 = arith.constant 64 : i32
      %mul3A_167 = arith.muli %arg0, %mul3A_166 : i32
      %add3A_168 = arith.constant 8 : i32
      %add3A_169 = arith.addi %mul3A_167, %add3A_168 : i32
      %add3A_170 = arith.constant 3 : i32
      %add3A_171 = arith.addi %add3A_169, %add3A_170 : i32
      %get3A_172 = arith.index_cast %add3A_171 : i32 to index
      %get3A_173 = memref.load %arg2[%get3A_172] : memref<640xi32, #tpu.memory_space<smem>>
      %broadcast_in_dim3A_174 = vector.broadcast %get3A_173 : i32 to vector<1x512xi32>
      %mul3A_175 = arith.constant 64 : i32
      %mul3A_176 = arith.muli %arg0, %mul3A_175 : i32
      %add3A_177 = arith.constant 8 : i32
      %add3A_178 = arith.addi %mul3A_176, %add3A_177 : i32
      %add3A_179 = arith.constant 4 : i32
      %add3A_180 = arith.addi %add3A_178, %add3A_179 : i32
      %get3A_181 = arith.index_cast %add3A_180 : i32 to index
      %get3A_182 = memref.load %arg2[%get3A_181] : memref<640xi32, #tpu.memory_space<smem>>
      %broadcast_in_dim3A_183 = vector.broadcast %get3A_182 : i32 to vector<1x512xi32>
      %mul3A_184 = arith.constant 64 : i32
      %mul3A_185 = arith.muli %arg0, %mul3A_184 : i32
      %add3A_186 = arith.constant 8 : i32
      %add3A_187 = arith.addi %mul3A_185, %add3A_186 : i32
      %add3A_188 = arith.constant 5 : i32
      %add3A_189 = arith.addi %add3A_187, %add3A_188 : i32
      %get3A_190 = arith.index_cast %add3A_189 : i32 to index
      %get3A_191 = memref.load %arg2[%get3A_190] : memref<640xi32, #tpu.memory_space<smem>>
      %broadcast_in_dim3A_192 = vector.broadcast %get3A_191 : i32 to vector<1x512xi32>
      %mul3A_193 = arith.constant 64 : i32
      %mul3A_194 = arith.muli %arg0, %mul3A_193 : i32
      %add3A_195 = arith.constant 8 : i32
      %add3A_196 = arith.addi %mul3A_194, %add3A_195 : i32
      %add3A_197 = arith.constant 6 : i32
      %add3A_198 = arith.addi %add3A_196, %add3A_197 : i32
      %get3A_199 = arith.index_cast %add3A_198 : i32 to index
      %get3A_200 = memref.load %arg2[%get3A_199] : memref<640xi32, #tpu.memory_space<smem>>
      %broadcast_in_dim3A_201 = vector.broadcast %get3A_200 : i32 to vector<1x512xi32>
      %mul3A_202 = arith.constant 64 : i32
      %mul3A_203 = arith.muli %arg0, %mul3A_202 : i32
      %add3A_204 = arith.constant 8 : i32
      %add3A_205 = arith.addi %mul3A_203, %add3A_204 : i32
      %add3A_206 = arith.constant 7 : i32
      %add3A_207 = arith.addi %add3A_205, %add3A_206 : i32
      %get3A_208 = arith.index_cast %add3A_207 : i32 to index
      %get3A_209 = memref.load %arg2[%get3A_208] : memref<640xi32, #tpu.memory_space<smem>>
      %broadcast_in_dim3A_210 = vector.broadcast %get3A_209 : i32 to vector<1x512xi32>
      %concatenate3A_211 = tpu.concatenate %broadcast_in_dim3A_147, %broadcast_in_dim3A_156, %broadcast_in_dim3A_165, %broadcast_in_dim3A_174, %broadcast_in_dim3A_183, %broadcast_in_dim3A_192, %broadcast_in_dim3A_201, %broadcast_in_dim3A_210 in 0 : vector<1x512xi32>, vector<1x512xi32>, vector<1x512xi32>, vector<1x512xi32>, vector<1x512xi32>, vector<1x512xi32>, vector<1x512xi32>, vector<1x512xi32> -> vector<8x512xi32>
      %lt3A_212 = arith.cmpi slt, %add3A_46, %concatenate3A_211 : vector<8x512xi32>
      %and3A_213 = arith.andi %eq3A_40, %lt3A_212 : vector<8x512xi1>
      %slice3A_214 = vector.extract_strided_slice %reshape3A_47 {offsets = [1, 0, 0], sizes = [1, 1, 512], strides = [1, 1, 1]} : vector<8x1x512xf32> to vector<1x1x512xf32>
      %squeeze3A_215 = vector.shape_cast %slice3A_214 : vector<1x1x512xf32> to vector<1x512xf32>
      %jit3A_216 = arith.constant 0.000000e+00 : f32
      %broadcast_in_dim3A_217 = vector.shape_cast %squeeze3A_215 : vector<1x512xf32> to vector<1x512xf32>
      %broadcast_in_dim3A_218 = vector.broadcast %broadcast_in_dim3A_217 : vector<1x512xf32> to vector<8x512xf32>
      %broadcast_in_dim3A_219 = vector.broadcast %jit3A_216 : f32 to vector<8x512xf32>
      %select_n3A_220 = arith.select %and3A_213, %broadcast_in_dim3A_218, %broadcast_in_dim3A_219 : vector<8x512xi1>, vector<8x512xf32>
      %get3A_221 = arith.constant 8 : index
      %get3A_222 = arith.constant 0 : index
      %get3A_223 = vector.load %arg6[%get3A_221, %get3A_222] : memref<64x256xf32, #tpu.memory_space<vmem>>, vector<8x256xf32>
      %get3A_224 = arith.constant 8 : index
      %get3A_225 = arith.constant 0 : index
      %get3A_226 = arith.constant 0 : index
      %get3A_227 = vector.load %arg4[%get3A_224, %get3A_225, %get3A_226] : memref<64x64x256xf32, #tpu.memory_space<vmem>>, vector<8x64x256xf32>
      %reshape3A_228 = vector.shape_cast %get3A_227 : vector<8x64x256xf32> to vector<512x256xf32>
      %dot_general3A_229 = arith.constant dense<0.000000e+00> : vector<8x256xf32>
      %dot_general3A_230 = tpu.matmul %select_n3A_220, %reshape3A_228, %dot_general3A_229 {dimension_numbers = #tpu.dot_dimension_numbers<[1], [0], [0], [1], [0, 0, 1, 1], [], []>, transpose_lhs_hint = false} : vector<8x512xf32>, vector<512x256xf32>, vector<8x256xf32> -> vector<8x256xf32>
      %add3A_231 = arith.addf %get3A_223, %dot_general3A_230 : vector<8x256xf32>
      %swap3A_232 = arith.constant 8 : index
      %swap3A_233 = arith.constant 0 : index
      %swap3A_234 = vector.load %arg6[%swap3A_232, %swap3A_233] : memref<64x256xf32, #tpu.memory_space<vmem>>, vector<8x256xf32>
      tpu.vector_store %arg6[%swap3A_232, %swap3A_233], %add3A_231 {strides = array<i32>} : memref<64x256xf32, #tpu.memory_space<vmem>>, vector<8x256xf32>,
      %mul3A_235 = arith.constant 64 : i32
      %mul3A_236 = arith.muli %arg0, %mul3A_235 : i32
      %add3A_237 = arith.constant 16 : i32
      %add3A_238 = arith.addi %mul3A_236, %add3A_237 : i32
      %add3A_239 = arith.constant 0 : i32
      %add3A_240 = arith.addi %add3A_238, %add3A_239 : i32
      %get3A_241 = arith.index_cast %add3A_240 : i32 to index
      %get3A_242 = memref.load %arg2[%get3A_241] : memref<640xi32, #tpu.memory_space<smem>>
      %broadcast_in_dim3A_243 = vector.broadcast %get3A_242 : i32 to vector<1x512xi32>
      %mul3A_244 = arith.constant 64 : i32
      %mul3A_245 = arith.muli %arg0, %mul3A_244 : i32
      %add3A_246 = arith.constant 16 : i32
      %add3A_247 = arith.addi %mul3A_245, %add3A_246 : i32
      %add3A_248 = arith.constant 1 : i32
      %add3A_249 = arith.addi %add3A_247, %add3A_248 : i32
      %get3A_250 = arith.index_cast %add3A_249 : i32 to index
      %get3A_251 = memref.load %arg2[%get3A_250] : memref<640xi32, #tpu.memory_space<smem>>
      %broadcast_in_dim3A_252 = vector.broadcast %get3A_251 : i32 to vector<1x512xi32>
      %mul3A_253 = arith.constant 64 : i32
      %mul3A_254 = arith.muli %arg0, %mul3A_253 : i32
      %add3A_255 = arith.constant 16 : i32
      %add3A_256 = arith.addi %mul3A_254, %add3A_255 : i32
      %add3A_257 = arith.constant 2 : i32
      %add3A_258 = arith.addi %add3A_256, %add3A_257 : i32
      %get3A_259 = arith.index_cast %add3A_258 : i32 to index
      %get3A_260 = memref.load %arg2[%get3A_259] : memref<640xi32, #tpu.memory_space<smem>>
      %broadcast_in_dim3A_261 = vector.broadcast %get3A_260 : i32 to vector<1x512xi32>
      %mul3A_262 = arith.constant 64 : i32
      %mul3A_263 = arith.muli %arg0, %mul3A_262 : i32
      %add3A_264 = arith.constant 16 : i32
      %add3A_265 = arith.addi %mul3A_263, %add3A_264 : i32
      %add3A_266 = arith.constant 3 : i32
      %add3A_267 = arith.addi %add3A_265, %add3A_266 : i32
      %get3A_268 = arith.index_cast %add3A_267 : i32 to index
      %get3A_269 = memref.load %arg2[%get3A_268] : memref<640xi32, #tpu.memory_space<smem>>
      %broadcast_in_dim3A_270 = vector.broadcast %get3A_269 : i32 to vector<1x512xi32>
      %mul3A_271 = arith.constant 64 : i32
      %mul3A_272 = arith.muli %arg0, %mul3A_271 : i32
      %add3A_273 = arith.constant 16 : i32
      %add3A_274 = arith.addi %mul3A_272, %add3A_273 : i32
      %add3A_275 = arith.constant 4 : i32
      %add3A_276 = arith.addi %add3A_274, %add3A_275 : i32
      %get3A_277 = arith.index_cast %add3A_276 : i32 to index
      %get3A_278 = memref.load %arg2[%get3A_277] : memref<640xi32, #tpu.memory_space<smem>>
      %broadcast_in_dim3A_279 = vector.broadcast %get3A_278 : i32 to vector<1x512xi32>
      %mul3A_280 = arith.constant 64 : i32
      %mul3A_281 = arith.muli %arg0, %mul3A_280 : i32
      %add3A_282 = arith.constant 16 : i32
      %add3A_283 = arith.addi %mul3A_281, %add3A_282 : i32
      %add3A_284 = arith.constant 5 : i32
      %add3A_285 = arith.addi %add3A_283, %add3A_284 : i32
      %get3A_286 = arith.index_cast %add3A_285 : i32 to index
      %get3A_287 = memref.load %arg2[%get3A_286] : memref<640xi32, #tpu.memory_space<smem>>
      %broadcast_in_dim3A_288 = vector.broadcast %get3A_287 : i32 to vector<1x512xi32>
      %mul3A_289 = arith.constant 64 : i32
      %mul3A_290 = arith.muli %arg0, %mul3A_289 : i32
      %add3A_291 = arith.constant 16 : i32
      %add3A_292 = arith.addi %mul3A_290, %add3A_291 : i32
      %add3A_293 = arith.constant 6 : i32
      %add3A_294 = arith.addi %add3A_292, %add3A_293 : i32
      %get3A_295 = arith.index_cast %add3A_294 : i32 to index
      %get3A_296 = memref.load %arg2[%get3A_295] : memref<640xi32, #tpu.memory_space<smem>>
      %broadcast_in_dim3A_297 = vector.broadcast %get3A_296 : i32 to vector<1x512xi32>
      %mul3A_298 = arith.constant 64 : i32
      %mul3A_299 = arith.muli %arg0, %mul3A_298 : i32
      %add3A_300 = arith.constant 16 : i32
      %add3A_301 = arith.addi %mul3A_299, %add3A_300 : i32
      %add3A_302 = arith.constant 7 : i32
      %add3A_303 = arith.addi %add3A_301, %add3A_302 : i32
      %get3A_304 = arith.index_cast %add3A_303 : i32 to index
      %get3A_305 = memref.load %arg2[%get3A_304] : memref<640xi32, #tpu.memory_space<smem>>
      %broadcast_in_dim3A_306 = vector.broadcast %get3A_305 : i32 to vector<1x512xi32>
      %concatenate3A_307 = tpu.concatenate %broadcast_in_dim3A_243, %broadcast_in_dim3A_252, %broadcast_in_dim3A_261, %broadcast_in_dim3A_270, %broadcast_in_dim3A_279, %broadcast_in_dim3A_288, %broadcast_in_dim3A_297, %broadcast_in_dim3A_306 in 0 : vector<1x512xi32>, vector<1x512xi32>, vector<1x512xi32>, vector<1x512xi32>, vector<1x512xi32>, vector<1x512xi32>, vector<1x512xi32>, vector<1x512xi32> -> vector<8x512xi32>
      %lt3A_308 = arith.cmpi slt, %add3A_46, %concatenate3A_307 : vector<8x512xi32>
      %and3A_309 = arith.andi %eq3A_40, %lt3A_308 : vector<8x512xi1>
      %slice3A_310 = vector.extract_strided_slice %reshape3A_47 {offsets = [2, 0, 0], sizes = [1, 1, 512], strides = [1, 1, 1]} : vector<8x1x512xf32> to vector<1x1x512xf32>
      %squeeze3A_311 = vector.shape_cast %slice3A_310 : vector<1x1x512xf32> to vector<1x512xf32>
      %jit3A_312 = arith.constant 0.000000e+00 : f32
      %broadcast_in_dim3A_313 = vector.shape_cast %squeeze3A_311 : vector<1x512xf32> to vector<1x512xf32>
      %broadcast_in_dim3A_314 = vector.broadcast %broadcast_in_dim3A_313 : vector<1x512xf32> to vector<8x512xf32>
      %broadcast_in_dim3A_315 = vector.broadcast %jit3A_312 : f32 to vector<8x512xf32>
      %select_n3A_316 = arith.select %and3A_309, %broadcast_in_dim3A_314, %broadcast_in_dim3A_315 : vector<8x512xi1>, vector<8x512xf32>
      %get3A_317 = arith.constant 16 : index
      %get3A_318 = arith.constant 0 : index
      %get3A_319 = vector.load %arg6[%get3A_317, %get3A_318] : memref<64x256xf32, #tpu.memory_space<vmem>>, vector<8x256xf32>
      %get3A_320 = arith.constant 16 : index
      %get3A_321 = arith.constant 0 : index
      %get3A_322 = arith.constant 0 : index
      %get3A_323 = vector.load %arg4[%get3A_320, %get3A_321, %get3A_322] : memref<64x64x256xf32, #tpu.memory_space<vmem>>, vector<8x64x256xf32>
      %reshape3A_324 = vector.shape_cast %get3A_323 : vector<8x64x256xf32> to vector<512x256xf32>
      %dot_general3A_325 = arith.constant dense<0.000000e+00> : vector<8x256xf32>
      %dot_general3A_326 = tpu.matmul %select_n3A_316, %reshape3A_324, %dot_general3A_325 {dimension_numbers = #tpu.dot_dimension_numbers<[1], [0], [0], [1], [0, 0, 1, 1], [], []>, transpose_lhs_hint = false} : vector<8x512xf32>, vector<512x256xf32>, vector<8x256xf32> -> vector<8x256xf32>
      %add3A_327 = arith.addf %get3A_319, %dot_general3A_326 : vector<8x256xf32>
      %swap3A_328 = arith.constant 16 : index
      %swap3A_329 = arith.constant 0 : index
      %swap3A_330 = vector.load %arg6[%swap3A_328, %swap3A_329] : memref<64x256xf32, #tpu.memory_space<vmem>>, vector<8x256xf32>
      tpu.vector_store %arg6[%swap3A_328, %swap3A_329], %add3A_327 {strides = array<i32>} : memref<64x256xf32, #tpu.memory_space<vmem>>, vector<8x256xf32>,
      %mul3A_331 = arith.constant 64 : i32
      %mul3A_332 = arith.muli %arg0, %mul3A_331 : i32
      %add3A_333 = arith.constant 24 : i32
      %add3A_334 = arith.addi %mul3A_332, %add3A_333 : i32
      %add3A_335 = arith.constant 0 : i32
      %add3A_336 = arith.addi %add3A_334, %add3A_335 : i32
      %get3A_337 = arith.index_cast %add3A_336 : i32 to index
      %get3A_338 = memref.load %arg2[%get3A_337] : memref<640xi32, #tpu.memory_space<smem>>
      %broadcast_in_dim3A_339 = vector.broadcast %get3A_338 : i32 to vector<1x512xi32>
      %mul3A_340 = arith.constant 64 : i32
      %mul3A_341 = arith.muli %arg0, %mul3A_340 : i32
      %add3A_342 = arith.constant 24 : i32
      %add3A_343 = arith.addi %mul3A_341, %add3A_342 : i32
      %add3A_344 = arith.constant 1 : i32
      %add3A_345 = arith.addi %add3A_343, %add3A_344 : i32
      %get3A_346 = arith.index_cast %add3A_345 : i32 to index
      %get3A_347 = memref.load %arg2[%get3A_346] : memref<640xi32, #tpu.memory_space<smem>>
      %broadcast_in_dim3A_348 = vector.broadcast %get3A_347 : i32 to vector<1x512xi32>
      %mul3A_349 = arith.constant 64 : i32
      %mul3A_350 = arith.muli %arg0, %mul3A_349 : i32
      %add3A_351 = arith.constant 24 : i32
      %add3A_352 = arith.addi %mul3A_350, %add3A_351 : i32
      %add3A_353 = arith.constant 2 : i32
      %add3A_354 = arith.addi %add3A_352, %add3A_353 : i32
      %get3A_355 = arith.index_cast %add3A_354 : i32 to index
      %get3A_356 = memref.load %arg2[%get3A_355] : memref<640xi32, #tpu.memory_space<smem>>
      %broadcast_in_dim3A_357 = vector.broadcast %get3A_356 : i32 to vector<1x512xi32>
      %mul3A_358 = arith.constant 64 : i32
      %mul3A_359 = arith.muli %arg0, %mul3A_358 : i32
      %add3A_360 = arith.constant 24 : i32
      %add3A_361 = arith.addi %mul3A_359, %add3A_360 : i32
      %add3A_362 = arith.constant 3 : i32
      %add3A_363 = arith.addi %add3A_361, %add3A_362 : i32
      %get3A_364 = arith.index_cast %add3A_363 : i32 to index
      %get3A_365 = memref.load %arg2[%get3A_364] : memref<640xi32, #tpu.memory_space<smem>>
      %broadcast_in_dim3A_366 = vector.broadcast %get3A_365 : i32 to vector<1x512xi32>
      %mul3A_367 = arith.constant 64 : i32
      %mul3A_368 = arith.muli %arg0, %mul3A_367 : i32
      %add3A_369 = arith.constant 24 : i32
      %add3A_370 = arith.addi %mul3A_368, %add3A_369 : i32
      %add3A_371 = arith.constant 4 : i32
      %add3A_372 = arith.addi %add3A_370, %add3A_371 : i32
      %get3A_373 = arith.index_cast %add3A_372 : i32 to index
      %get3A_374 = memref.load %arg2[%get3A_373] : memref<640xi32, #tpu.memory_space<smem>>
      %broadcast_in_dim3A_375 = vector.broadcast %get3A_374 : i32 to vector<1x512xi32>
      %mul3A_376 = arith.constant 64 : i32
      %mul3A_377 = arith.muli %arg0, %mul3A_376 : i32
      %add3A_378 = arith.constant 24 : i32
      %add3A_379 = arith.addi %mul3A_377, %add3A_378 : i32
      %add3A_380 = arith.constant 5 : i32
      %add3A_381 = arith.addi %add3A_379, %add3A_380 : i32
      %get3A_382 = arith.index_cast %add3A_381 : i32 to index
      %get3A_383 = memref.load %arg2[%get3A_382] : memref<640xi32, #tpu.memory_space<smem>>
      %broadcast_in_dim3A_384 = vector.broadcast %get3A_383 : i32 to vector<1x512xi32>
      %mul3A_385 = arith.constant 64 : i32
      %mul3A_386 = arith.muli %arg0, %mul3A_385 : i32
      %add3A_387 = arith.constant 24 : i32
      %add3A_388 = arith.addi %mul3A_386, %add3A_387 : i32
      %add3A_389 = arith.constant 6 : i32
      %add3A_390 = arith.addi %add3A_388, %add3A_389 : i32
      %get3A_391 = arith.index_cast %add3A_390 : i32 to index
      %get3A_392 = memref.load %arg2[%get3A_391] : memref<640xi32, #tpu.memory_space<smem>>
      %broadcast_in_dim3A_393 = vector.broadcast %get3A_392 : i32 to vector<1x512xi32>
      %mul3A_394 = arith.constant 64 : i32
      %mul3A_395 = arith.muli %arg0, %mul3A_394 : i32
      %add3A_396 = arith.constant 24 : i32
      %add3A_397 = arith.addi %mul3A_395, %add3A_396 : i32
      %add3A_398 = arith.constant 7 : i32
      %add3A_399 = arith.addi %add3A_397, %add3A_398 : i32
      %get3A_400 = arith.index_cast %add3A_399 : i32 to index
      %get3A_401 = memref.load %arg2[%get3A_400] : memref<640xi32, #tpu.memory_space<smem>>
      %broadcast_in_dim3A_402 = vector.broadcast %get3A_401 : i32 to vector<1x512xi32>
      %concatenate3A_403 = tpu.concatenate %broadcast_in_dim3A_339, %broadcast_in_dim3A_348, %broadcast_in_dim3A_357, %broadcast_in_dim3A_366, %broadcast_in_dim3A_375, %broadcast_in_dim3A_384, %broadcast_in_dim3A_393, %broadcast_in_dim3A_402 in 0 : vector<1x512xi32>, vector<1x512xi32>, vector<1x512xi32>, vector<1x512xi32>, vector<1x512xi32>, vector<1x512xi32>, vector<1x512xi32>, vector<1x512xi32> -> vector<8x512xi32>
      %lt3A_404 = arith.cmpi slt, %add3A_46, %concatenate3A_403 : vector<8x512xi32>
      %and3A_405 = arith.andi %eq3A_40, %lt3A_404 : vector<8x512xi1>
      %slice3A_406 = vector.extract_strided_slice %reshape3A_47 {offsets = [3, 0, 0], sizes = [1, 1, 512], strides = [1, 1, 1]} : vector<8x1x512xf32> to vector<1x1x512xf32>
      %squeeze3A_407 = vector.shape_cast %slice3A_406 : vector<1x1x512xf32> to vector<1x512xf32>
      %jit3A_408 = arith.constant 0.000000e+00 : f32
      %broadcast_in_dim3A_409 = vector.shape_cast %squeeze3A_407 : vector<1x512xf32> to vector<1x512xf32>
      %broadcast_in_dim3A_410 = vector.broadcast %broadcast_in_dim3A_409 : vector<1x512xf32> to vector<8x512xf32>
      %broadcast_in_dim3A_411 = vector.broadcast %jit3A_408 : f32 to vector<8x512xf32>
      %select_n3A_412 = arith.select %and3A_405, %broadcast_in_dim3A_410, %broadcast_in_dim3A_411 : vector<8x512xi1>, vector<8x512xf32>
      %get3A_413 = arith.constant 24 : index
      %get3A_414 = arith.constant 0 : index
      %get3A_415 = vector.load %arg6[%get3A_413, %get3A_414] : memref<64x256xf32, #tpu.memory_space<vmem>>, vector<8x256xf32>
      %get3A_416 = arith.constant 24 : index
      %get3A_417 = arith.constant 0 : index
      %get3A_418 = arith.constant 0 : index
      %get3A_419 = vector.load %arg4[%get3A_416, %get3A_417, %get3A_418] : memref<64x64x256xf32, #tpu.memory_space<vmem>>, vector<8x64x256xf32>
      %reshape3A_420 = vector.shape_cast %get3A_419 : vector<8x64x256xf32> to vector<512x256xf32>
      %dot_general3A_421 = arith.constant dense<0.000000e+00> : vector<8x256xf32>
      %dot_general3A_422 = tpu.matmul %select_n3A_412, %reshape3A_420, %dot_general3A_421 {dimension_numbers = #tpu.dot_dimension_numbers<[1], [0], [0], [1], [0, 0, 1, 1], [], []>, transpose_lhs_hint = false} : vector<8x512xf32>, vector<512x256xf32>, vector<8x256xf32> -> vector<8x256xf32>
      %add3A_423 = arith.addf %get3A_415, %dot_general3A_422 : vector<8x256xf32>
      %swap3A_424 = arith.constant 24 : index
      %swap3A_425 = arith.constant 0 : index
      %swap3A_426 = vector.load %arg6[%swap3A_424, %swap3A_425] : memref<64x256xf32, #tpu.memory_space<vmem>>, vector<8x256xf32>
      tpu.vector_store %arg6[%swap3A_424, %swap3A_425], %add3A_423 {strides = array<i32>} : memref<64x256xf32, #tpu.memory_space<vmem>>, vector<8x256xf32>,
      %mul3A_427 = arith.constant 64 : i32
      %mul3A_428 = arith.muli %arg0, %mul3A_427 : i32
      %add3A_429 = arith.constant 32 : i32
      %add3A_430 = arith.addi %mul3A_428, %add3A_429 : i32
      %add3A_431 = arith.constant 0 : i32
      %add3A_432 = arith.addi %add3A_430, %add3A_431 : i32
      %get3A_433 = arith.index_cast %add3A_432 : i32 to index
      %get3A_434 = memref.load %arg2[%get3A_433] : memref<640xi32, #tpu.memory_space<smem>>
      %broadcast_in_dim3A_435 = vector.broadcast %get3A_434 : i32 to vector<1x512xi32>
      %mul3A_436 = arith.constant 64 : i32
      %mul3A_437 = arith.muli %arg0, %mul3A_436 : i32
      %add3A_438 = arith.constant 32 : i32
      %add3A_439 = arith.addi %mul3A_437, %add3A_438 : i32
      %add3A_440 = arith.constant 1 : i32
      %add3A_441 = arith.addi %add3A_439, %add3A_440 : i32
      %get3A_442 = arith.index_cast %add3A_441 : i32 to index
      %get3A_443 = memref.load %arg2[%get3A_442] : memref<640xi32, #tpu.memory_space<smem>>
      %broadcast_in_dim3A_444 = vector.broadcast %get3A_443 : i32 to vector<1x512xi32>
      %mul3A_445 = arith.constant 64 : i32
      %mul3A_446 = arith.muli %arg0, %mul3A_445 : i32
      %add3A_447 = arith.constant 32 : i32
      %add3A_448 = arith.addi %mul3A_446, %add3A_447 : i32
      %add3A_449 = arith.constant 2 : i32
      %add3A_450 = arith.addi %add3A_448, %add3A_449 : i32
      %get3A_451 = arith.index_cast %add3A_450 : i32 to index
      %get3A_452 = memref.load %arg2[%get3A_451] : memref<640xi32, #tpu.memory_space<smem>>
      %broadcast_in_dim3A_453 = vector.broadcast %get3A_452 : i32 to vector<1x512xi32>
      %mul3A_454 = arith.constant 64 : i32
      %mul3A_455 = arith.muli %arg0, %mul3A_454 : i32
      %add3A_456 = arith.constant 32 : i32
      %add3A_457 = arith.addi %mul3A_455, %add3A_456 : i32
      %add3A_458 = arith.constant 3 : i32
      %add3A_459 = arith.addi %add3A_457, %add3A_458 : i32
      %get3A_460 = arith.index_cast %add3A_459 : i32 to index
      %get3A_461 = memref.load %arg2[%get3A_460] : memref<640xi32, #tpu.memory_space<smem>>
      %broadcast_in_dim3A_462 = vector.broadcast %get3A_461 : i32 to vector<1x512xi32>
      %mul3A_463 = arith.constant 64 : i32
      %mul3A_464 = arith.muli %arg0, %mul3A_463 : i32
      %add3A_465 = arith.constant 32 : i32
      %add3A_466 = arith.addi %mul3A_464, %add3A_465 : i32
      %add3A_467 = arith.constant 4 : i32
      %add3A_468 = arith.addi %add3A_466, %add3A_467 : i32
      %get3A_469 = arith.index_cast %add3A_468 : i32 to index
      %get3A_470 = memref.load %arg2[%get3A_469] : memref<640xi32, #tpu.memory_space<smem>>
      %broadcast_in_dim3A_471 = vector.broadcast %get3A_470 : i32 to vector<1x512xi32>
      %mul3A_472 = arith.constant 64 : i32
      %mul3A_473 = arith.muli %arg0, %mul3A_472 : i32
      %add3A_474 = arith.constant 32 : i32
      %add3A_475 = arith.addi %mul3A_473, %add3A_474 : i32
      %add3A_476 = arith.constant 5 : i32
      %add3A_477 = arith.addi %add3A_475, %add3A_476 : i32
      %get3A_478 = arith.index_cast %add3A_477 : i32 to index
      %get3A_479 = memref.load %arg2[%get3A_478] : memref<640xi32, #tpu.memory_space<smem>>
      %broadcast_in_dim3A_480 = vector.broadcast %get3A_479 : i32 to vector<1x512xi32>
      %mul3A_481 = arith.constant 64 : i32
      %mul3A_482 = arith.muli %arg0, %mul3A_481 : i32
      %add3A_483 = arith.constant 32 : i32
      %add3A_484 = arith.addi %mul3A_482, %add3A_483 : i32
      %add3A_485 = arith.constant 6 : i32
      %add3A_486 = arith.addi %add3A_484, %add3A_485 : i32
      %get3A_487 = arith.index_cast %add3A_486 : i32 to index
      %get3A_488 = memref.load %arg2[%get3A_487] : memref<640xi32, #tpu.memory_space<smem>>
      %broadcast_in_dim3A_489 = vector.broadcast %get3A_488 : i32 to vector<1x512xi32>
      %mul3A_490 = arith.constant 64 : i32
      %mul3A_491 = arith.muli %arg0, %mul3A_490 : i32
      %add3A_492 = arith.constant 32 : i32
      %add3A_493 = arith.addi %mul3A_491, %add3A_492 : i32
      %add3A_494 = arith.constant 7 : i32
      %add3A_495 = arith.addi %add3A_493, %add3A_494 : i32
      %get3A_496 = arith.index_cast %add3A_495 : i32 to index
      %get3A_497 = memref.load %arg2[%get3A_496] : memref<640xi32, #tpu.memory_space<smem>>
      %broadcast_in_dim3A_498 = vector.broadcast %get3A_497 : i32 to vector<1x512xi32>
      %concatenate3A_499 = tpu.concatenate %broadcast_in_dim3A_435, %broadcast_in_dim3A_444, %broadcast_in_dim3A_453, %broadcast_in_dim3A_462, %broadcast_in_dim3A_471, %broadcast_in_dim3A_480, %broadcast_in_dim3A_489, %broadcast_in_dim3A_498 in 0 : vector<1x512xi32>, vector<1x512xi32>, vector<1x512xi32>, vector<1x512xi32>, vector<1x512xi32>, vector<1x512xi32>, vector<1x512xi32>, vector<1x512xi32> -> vector<8x512xi32>
      %lt3A_500 = arith.cmpi slt, %add3A_46, %concatenate3A_499 : vector<8x512xi32>
      %and3A_501 = arith.andi %eq3A_40, %lt3A_500 : vector<8x512xi1>
      %slice3A_502 = vector.extract_strided_slice %reshape3A_47 {offsets = [4, 0, 0], sizes = [1, 1, 512], strides = [1, 1, 1]} : vector<8x1x512xf32> to vector<1x1x512xf32>
      %squeeze3A_503 = vector.shape_cast %slice3A_502 : vector<1x1x512xf32> to vector<1x512xf32>
      %jit3A_504 = arith.constant 0.000000e+00 : f32
      %broadcast_in_dim3A_505 = vector.shape_cast %squeeze3A_503 : vector<1x512xf32> to vector<1x512xf32>
      %broadcast_in_dim3A_506 = vector.broadcast %broadcast_in_dim3A_505 : vector<1x512xf32> to vector<8x512xf32>
      %broadcast_in_dim3A_507 = vector.broadcast %jit3A_504 : f32 to vector<8x512xf32>
      %select_n3A_508 = arith.select %and3A_501, %broadcast_in_dim3A_506, %broadcast_in_dim3A_507 : vector<8x512xi1>, vector<8x512xf32>
      %get3A_509 = arith.constant 32 : index
      %get3A_510 = arith.constant 0 : index
      %get3A_511 = vector.load %arg6[%get3A_509, %get3A_510] : memref<64x256xf32, #tpu.memory_space<vmem>>, vector<8x256xf32>
      %get3A_512 = arith.constant 32 : index
      %get3A_513 = arith.constant 0 : index
      %get3A_514 = arith.constant 0 : index
      %get3A_515 = vector.load %arg4[%get3A_512, %get3A_513, %get3A_514] : memref<64x64x256xf32, #tpu.memory_space<vmem>>, vector<8x64x256xf32>
      %reshape3A_516 = vector.shape_cast %get3A_515 : vector<8x64x256xf32> to vector<512x256xf32>
      %dot_general3A_517 = arith.constant dense<0.000000e+00> : vector<8x256xf32>
      %dot_general3A_518 = tpu.matmul %select_n3A_508, %reshape3A_516, %dot_general3A_517 {dimension_numbers = #tpu.dot_dimension_numbers<[1], [0], [0], [1], [0, 0, 1, 1], [], []>, transpose_lhs_hint = false} : vector<8x512xf32>, vector<512x256xf32>, vector<8x256xf32> -> vector<8x256xf32>
      %add3A_519 = arith.addf %get3A_511, %dot_general3A_518 : vector<8x256xf32>
      %swap3A_520 = arith.constant 32 : index
      %swap3A_521 = arith.constant 0 : index
      %swap3A_522 = vector.load %arg6[%swap3A_520, %swap3A_521] : memref<64x256xf32, #tpu.memory_space<vmem>>, vector<8x256xf32>
      tpu.vector_store %arg6[%swap3A_520, %swap3A_521], %add3A_519 {strides = array<i32>} : memref<64x256xf32, #tpu.memory_space<vmem>>, vector<8x256xf32>,
      %mul3A_523 = arith.constant 64 : i32
      %mul3A_524 = arith.muli %arg0, %mul3A_523 : i32
      %add3A_525 = arith.constant 40 : i32
      %add3A_526 = arith.addi %mul3A_524, %add3A_525 : i32
      %add3A_527 = arith.constant 0 : i32
      %add3A_528 = arith.addi %add3A_526, %add3A_527 : i32
      %get3A_529 = arith.index_cast %add3A_528 : i32 to index
      %get3A_530 = memref.load %arg2[%get3A_529] : memref<640xi32, #tpu.memory_space<smem>>
      %broadcast_in_dim3A_531 = vector.broadcast %get3A_530 : i32 to vector<1x512xi32>
      %mul3A_532 = arith.constant 64 : i32
      %mul3A_533 = arith.muli %arg0, %mul3A_532 : i32
      %add3A_534 = arith.constant 40 : i32
      %add3A_535 = arith.addi %mul3A_533, %add3A_534 : i32
      %add3A_536 = arith.constant 1 : i32
      %add3A_537 = arith.addi %add3A_535, %add3A_536 : i32
      %get3A_538 = arith.index_cast %add3A_537 : i32 to index
      %get3A_539 = memref.load %arg2[%get3A_538] : memref<640xi32, #tpu.memory_space<smem>>
      %broadcast_in_dim3A_540 = vector.broadcast %get3A_539 : i32 to vector<1x512xi32>
      %mul3A_541 = arith.constant 64 : i32
      %mul3A_542 = arith.muli %arg0, %mul3A_541 : i32
      %add3A_543 = arith.constant 40 : i32
      %add3A_544 = arith.addi %mul3A_542, %add3A_543 : i32
      %add3A_545 = arith.constant 2 : i32
      %add3A_546 = arith.addi %add3A_544, %add3A_545 : i32
      %get3A_547 = arith.index_cast %add3A_546 : i32 to index
      %get3A_548 = memref.load %arg2[%get3A_547] : memref<640xi32, #tpu.memory_space<smem>>
      %broadcast_in_dim3A_549 = vector.broadcast %get3A_548 : i32 to vector<1x512xi32>
      %mul3A_550 = arith.constant 64 : i32
      %mul3A_551 = arith.muli %arg0, %mul3A_550 : i32
      %add3A_552 = arith.constant 40 : i32
      %add3A_553 = arith.addi %mul3A_551, %add3A_552 : i32
      %add3A_554 = arith.constant 3 : i32
      %add3A_555 = arith.addi %add3A_553, %add3A_554 : i32
      %get3A_556 = arith.index_cast %add3A_555 : i32 to index
      %get3A_557 = memref.load %arg2[%get3A_556] : memref<640xi32, #tpu.memory_space<smem>>
      %broadcast_in_dim3A_558 = vector.broadcast %get3A_557 : i32 to vector<1x512xi32>
      %mul3A_559 = arith.constant 64 : i32
      %mul3A_560 = arith.muli %arg0, %mul3A_559 : i32
      %add3A_561 = arith.constant 40 : i32
      %add3A_562 = arith.addi %mul3A_560, %add3A_561 : i32
      %add3A_563 = arith.constant 4 : i32
      %add3A_564 = arith.addi %add3A_562, %add3A_563 : i32
      %get3A_565 = arith.index_cast %add3A_564 : i32 to index
      %get3A_566 = memref.load %arg2[%get3A_565] : memref<640xi32, #tpu.memory_space<smem>>
      %broadcast_in_dim3A_567 = vector.broadcast %get3A_566 : i32 to vector<1x512xi32>
      %mul3A_568 = arith.constant 64 : i32
      %mul3A_569 = arith.muli %arg0, %mul3A_568 : i32
      %add3A_570 = arith.constant 40 : i32
      %add3A_571 = arith.addi %mul3A_569, %add3A_570 : i32
      %add3A_572 = arith.constant 5 : i32
      %add3A_573 = arith.addi %add3A_571, %add3A_572 : i32
      %get3A_574 = arith.index_cast %add3A_573 : i32 to index
      %get3A_575 = memref.load %arg2[%get3A_574] : memref<640xi32, #tpu.memory_space<smem>>
      %broadcast_in_dim3A_576 = vector.broadcast %get3A_575 : i32 to vector<1x512xi32>
      %mul3A_577 = arith.constant 64 : i32
      %mul3A_578 = arith.muli %arg0, %mul3A_577 : i32
      %add3A_579 = arith.constant 40 : i32
      %add3A_580 = arith.addi %mul3A_578, %add3A_579 : i32
      %add3A_581 = arith.constant 6 : i32
      %add3A_582 = arith.addi %add3A_580, %add3A_581 : i32
      %get3A_583 = arith.index_cast %add3A_582 : i32 to index
      %get3A_584 = memref.load %arg2[%get3A_583] : memref<640xi32, #tpu.memory_space<smem>>
      %broadcast_in_dim3A_585 = vector.broadcast %get3A_584 : i32 to vector<1x512xi32>
      %mul3A_586 = arith.constant 64 : i32
      %mul3A_587 = arith.muli %arg0, %mul3A_586 : i32
      %add3A_588 = arith.constant 40 : i32
      %add3A_589 = arith.addi %mul3A_587, %add3A_588 : i32
      %add3A_590 = arith.constant 7 : i32
      %add3A_591 = arith.addi %add3A_589, %add3A_590 : i32
      %get3A_592 = arith.index_cast %add3A_591 : i32 to index
      %get3A_593 = memref.load %arg2[%get3A_592] : memref<640xi32, #tpu.memory_space<smem>>
      %broadcast_in_dim3A_594 = vector.broadcast %get3A_593 : i32 to vector<1x512xi32>
      %concatenate3A_595 = tpu.concatenate %broadcast_in_dim3A_531, %broadcast_in_dim3A_540, %broadcast_in_dim3A_549, %broadcast_in_dim3A_558, %broadcast_in_dim3A_567, %broadcast_in_dim3A_576, %broadcast_in_dim3A_585, %broadcast_in_dim3A_594 in 0 : vector<1x512xi32>, vector<1x512xi32>, vector<1x512xi32>, vector<1x512xi32>, vector<1x512xi32>, vector<1x512xi32>, vector<1x512xi32>, vector<1x512xi32> -> vector<8x512xi32>
      %lt3A_596 = arith.cmpi slt, %add3A_46, %concatenate3A_595 : vector<8x512xi32>
      %and3A_597 = arith.andi %eq3A_40, %lt3A_596 : vector<8x512xi1>
      %slice3A_598 = vector.extract_strided_slice %reshape3A_47 {offsets = [5, 0, 0], sizes = [1, 1, 512], strides = [1, 1, 1]} : vector<8x1x512xf32> to vector<1x1x512xf32>
      %squeeze3A_599 = vector.shape_cast %slice3A_598 : vector<1x1x512xf32> to vector<1x512xf32>
      %jit3A_600 = arith.constant 0.000000e+00 : f32
      %broadcast_in_dim3A_601 = vector.shape_cast %squeeze3A_599 : vector<1x512xf32> to vector<1x512xf32>
      %broadcast_in_dim3A_602 = vector.broadcast %broadcast_in_dim3A_601 : vector<1x512xf32> to vector<8x512xf32>
      %broadcast_in_dim3A_603 = vector.broadcast %jit3A_600 : f32 to vector<8x512xf32>
      %select_n3A_604 = arith.select %and3A_597, %broadcast_in_dim3A_602, %broadcast_in_dim3A_603 : vector<8x512xi1>, vector<8x512xf32>
      %get3A_605 = arith.constant 40 : index
      %get3A_606 = arith.constant 0 : index
      %get3A_607 = vector.load %arg6[%get3A_605, %get3A_606] : memref<64x256xf32, #tpu.memory_space<vmem>>, vector<8x256xf32>
      %get3A_608 = arith.constant 40 : index
      %get3A_609 = arith.constant 0 : index
      %get3A_610 = arith.constant 0 : index
      %get3A_611 = vector.load %arg4[%get3A_608, %get3A_609, %get3A_610] : memref<64x64x256xf32, #tpu.memory_space<vmem>>, vector<8x64x256xf32>
      %reshape3A_612 = vector.shape_cast %get3A_611 : vector<8x64x256xf32> to vector<512x256xf32>
      %dot_general3A_613 = arith.constant dense<0.000000e+00> : vector<8x256xf32>
      %dot_general3A_614 = tpu.matmul %select_n3A_604, %reshape3A_612, %dot_general3A_613 {dimension_numbers = #tpu.dot_dimension_numbers<[1], [0], [0], [1], [0, 0, 1, 1], [], []>, transpose_lhs_hint = false} : vector<8x512xf32>, vector<512x256xf32>, vector<8x256xf32> -> vector<8x256xf32>
      %add3A_615 = arith.addf %get3A_607, %dot_general3A_614 : vector<8x256xf32>
      %swap3A_616 = arith.constant 40 : index
      %swap3A_617 = arith.constant 0 : index
      %swap3A_618 = vector.load %arg6[%swap3A_616, %swap3A_617] : memref<64x256xf32, #tpu.memory_space<vmem>>, vector<8x256xf32>
      tpu.vector_store %arg6[%swap3A_616, %swap3A_617], %add3A_615 {strides = array<i32>} : memref<64x256xf32, #tpu.memory_space<vmem>>, vector<8x256xf32>,
      %mul3A_619 = arith.constant 64 : i32
      %mul3A_620 = arith.muli %arg0, %mul3A_619 : i32
      %add3A_621 = arith.constant 48 : i32
      %add3A_622 = arith.addi %mul3A_620, %add3A_621 : i32
      %add3A_623 = arith.constant 0 : i32
      %add3A_624 = arith.addi %add3A_622, %add3A_623 : i32
      %get3A_625 = arith.index_cast %add3A_624 : i32 to index
      %get3A_626 = memref.load %arg2[%get3A_625] : memref<640xi32, #tpu.memory_space<smem>>
      %broadcast_in_dim3A_627 = vector.broadcast %get3A_626 : i32 to vector<1x512xi32>
      %mul3A_628 = arith.constant 64 : i32
      %mul3A_629 = arith.muli %arg0, %mul3A_628 : i32
      %add3A_630 = arith.constant 48 : i32
      %add3A_631 = arith.addi %mul3A_629, %add3A_630 : i32
      %add3A_632 = arith.constant 1 : i32
      %add3A_633 = arith.addi %add3A_631, %add3A_632 : i32
      %get3A_634 = arith.index_cast %add3A_633 : i32 to index
      %get3A_635 = memref.load %arg2[%get3A_634] : memref<640xi32, #tpu.memory_space<smem>>
      %broadcast_in_dim3A_636 = vector.broadcast %get3A_635 : i32 to vector<1x512xi32>
      %mul3A_637 = arith.constant 64 : i32
      %mul3A_638 = arith.muli %arg0, %mul3A_637 : i32
      %add3A_639 = arith.constant 48 : i32
      %add3A_640 = arith.addi %mul3A_638, %add3A_639 : i32
      %add3A_641 = arith.constant 2 : i32
      %add3A_642 = arith.addi %add3A_640, %add3A_641 : i32
      %get3A_643 = arith.index_cast %add3A_642 : i32 to index
      %get3A_644 = memref.load %arg2[%get3A_643] : memref<640xi32, #tpu.memory_space<smem>>
      %broadcast_in_dim3A_645 = vector.broadcast %get3A_644 : i32 to vector<1x512xi32>
      %mul3A_646 = arith.constant 64 : i32
      %mul3A_647 = arith.muli %arg0, %mul3A_646 : i32
      %add3A_648 = arith.constant 48 : i32
      %add3A_649 = arith.addi %mul3A_647, %add3A_648 : i32
      %add3A_650 = arith.constant 3 : i32
      %add3A_651 = arith.addi %add3A_649, %add3A_650 : i32
      %get3A_652 = arith.index_cast %add3A_651 : i32 to index
      %get3A_653 = memref.load %arg2[%get3A_652] : memref<640xi32, #tpu.memory_space<smem>>
      %broadcast_in_dim3A_654 = vector.broadcast %get3A_653 : i32 to vector<1x512xi32>
      %mul3A_655 = arith.constant 64 : i32
      %mul3A_656 = arith.muli %arg0, %mul3A_655 : i32
      %add3A_657 = arith.constant 48 : i32
      %add3A_658 = arith.addi %mul3A_656, %add3A_657 : i32
      %add3A_659 = arith.constant 4 : i32
      %add3A_660 = arith.addi %add3A_658, %add3A_659 : i32
      %get3A_661 = arith.index_cast %add3A_660 : i32 to index
      %get3A_662 = memref.load %arg2[%get3A_661] : memref<640xi32, #tpu.memory_space<smem>>
      %broadcast_in_dim3A_663 = vector.broadcast %get3A_662 : i32 to vector<1x512xi32>
      %mul3A_664 = arith.constant 64 : i32
      %mul3A_665 = arith.muli %arg0, %mul3A_664 : i32
      %add3A_666 = arith.constant 48 : i32
      %add3A_667 = arith.addi %mul3A_665, %add3A_666 : i32
      %add3A_668 = arith.constant 5 : i32
      %add3A_669 = arith.addi %add3A_667, %add3A_668 : i32
      %get3A_670 = arith.index_cast %add3A_669 : i32 to index
      %get3A_671 = memref.load %arg2[%get3A_670] : memref<640xi32, #tpu.memory_space<smem>>
      %broadcast_in_dim3A_672 = vector.broadcast %get3A_671 : i32 to vector<1x512xi32>
      %mul3A_673 = arith.constant 64 : i32
      %mul3A_674 = arith.muli %arg0, %mul3A_673 : i32
      %add3A_675 = arith.constant 48 : i32
      %add3A_676 = arith.addi %mul3A_674, %add3A_675 : i32
      %add3A_677 = arith.constant 6 : i32
      %add3A_678 = arith.addi %add3A_676, %add3A_677 : i32
      %get3A_679 = arith.index_cast %add3A_678 : i32 to index
      %get3A_680 = memref.load %arg2[%get3A_679] : memref<640xi32, #tpu.memory_space<smem>>
      %broadcast_in_dim3A_681 = vector.broadcast %get3A_680 : i32 to vector<1x512xi32>
      %mul3A_682 = arith.constant 64 : i32
      %mul3A_683 = arith.muli %arg0, %mul3A_682 : i32
      %add3A_684 = arith.constant 48 : i32
      %add3A_685 = arith.addi %mul3A_683, %add3A_684 : i32
      %add3A_686 = arith.constant 7 : i32
      %add3A_687 = arith.addi %add3A_685, %add3A_686 : i32
      %get3A_688 = arith.index_cast %add3A_687 : i32 to index
      %get3A_689 = memref.load %arg2[%get3A_688] : memref<640xi32, #tpu.memory_space<smem>>
      %broadcast_in_dim3A_690 = vector.broadcast %get3A_689 : i32 to vector<1x512xi32>
      %concatenate3A_691 = tpu.concatenate %broadcast_in_dim3A_627, %broadcast_in_dim3A_636, %broadcast_in_dim3A_645, %broadcast_in_dim3A_654, %broadcast_in_dim3A_663, %broadcast_in_dim3A_672, %broadcast_in_dim3A_681, %broadcast_in_dim3A_690 in 0 : vector<1x512xi32>, vector<1x512xi32>, vector<1x512xi32>, vector<1x512xi32>, vector<1x512xi32>, vector<1x512xi32>, vector<1x512xi32>, vector<1x512xi32> -> vector<8x512xi32>
      %lt3A_692 = arith.cmpi slt, %add3A_46, %concatenate3A_691 : vector<8x512xi32>
      %and3A_693 = arith.andi %eq3A_40, %lt3A_692 : vector<8x512xi1>
      %slice3A_694 = vector.extract_strided_slice %reshape3A_47 {offsets = [6, 0, 0], sizes = [1, 1, 512], strides = [1, 1, 1]} : vector<8x1x512xf32> to vector<1x1x512xf32>
      %squeeze3A_695 = vector.shape_cast %slice3A_694 : vector<1x1x512xf32> to vector<1x512xf32>
      %jit3A_696 = arith.constant 0.000000e+00 : f32
      %broadcast_in_dim3A_697 = vector.shape_cast %squeeze3A_695 : vector<1x512xf32> to vector<1x512xf32>
      %broadcast_in_dim3A_698 = vector.broadcast %broadcast_in_dim3A_697 : vector<1x512xf32> to vector<8x512xf32>
      %broadcast_in_dim3A_699 = vector.broadcast %jit3A_696 : f32 to vector<8x512xf32>
      %select_n3A_700 = arith.select %and3A_693, %broadcast_in_dim3A_698, %broadcast_in_dim3A_699 : vector<8x512xi1>, vector<8x512xf32>
      %get3A_701 = arith.constant 48 : index
      %get3A_702 = arith.constant 0 : index
      %get3A_703 = vector.load %arg6[%get3A_701, %get3A_702] : memref<64x256xf32, #tpu.memory_space<vmem>>, vector<8x256xf32>
      %get3A_704 = arith.constant 48 : index
      %get3A_705 = arith.constant 0 : index
      %get3A_706 = arith.constant 0 : index
      %get3A_707 = vector.load %arg4[%get3A_704, %get3A_705, %get3A_706] : memref<64x64x256xf32, #tpu.memory_space<vmem>>, vector<8x64x256xf32>
      %reshape3A_708 = vector.shape_cast %get3A_707 : vector<8x64x256xf32> to vector<512x256xf32>
      %dot_general3A_709 = arith.constant dense<0.000000e+00> : vector<8x256xf32>
      %dot_general3A_710 = tpu.matmul %select_n3A_700, %reshape3A_708, %dot_general3A_709 {dimension_numbers = #tpu.dot_dimension_numbers<[1], [0], [0], [1], [0, 0, 1, 1], [], []>, transpose_lhs_hint = false} : vector<8x512xf32>, vector<512x256xf32>, vector<8x256xf32> -> vector<8x256xf32>
      %add3A_711 = arith.addf %get3A_703, %dot_general3A_710 : vector<8x256xf32>
      %swap3A_712 = arith.constant 48 : index
      %swap3A_713 = arith.constant 0 : index
      %swap3A_714 = vector.load %arg6[%swap3A_712, %swap3A_713] : memref<64x256xf32, #tpu.memory_space<vmem>>, vector<8x256xf32>
      tpu.vector_store %arg6[%swap3A_712, %swap3A_713], %add3A_711 {strides = array<i32>} : memref<64x256xf32, #tpu.memory_space<vmem>>, vector<8x256xf32>,
      %mul3A_715 = arith.constant 64 : i32
      %mul3A_716 = arith.muli %arg0, %mul3A_715 : i32
      %add3A_717 = arith.constant 56 : i32
      %add3A_718 = arith.addi %mul3A_716, %add3A_717 : i32
      %add3A_719 = arith.constant 0 : i32
      %add3A_720 = arith.addi %add3A_718, %add3A_719 : i32
      %get3A_721 = arith.index_cast %add3A_720 : i32 to index
      %get3A_722 = memref.load %arg2[%get3A_721] : memref<640xi32, #tpu.memory_space<smem>>
      %broadcast_in_dim3A_723 = vector.broadcast %get3A_722 : i32 to vector<1x512xi32>
      %mul3A_724 = arith.constant 64 : i32
      %mul3A_725 = arith.muli %arg0, %mul3A_724 : i32
      %add3A_726 = arith.constant 56 : i32
      %add3A_727 = arith.addi %mul3A_725, %add3A_726 : i32
      %add3A_728 = arith.constant 1 : i32
      %add3A_729 = arith.addi %add3A_727, %add3A_728 : i32
      %get3A_730 = arith.index_cast %add3A_729 : i32 to index
      %get3A_731 = memref.load %arg2[%get3A_730] : memref<640xi32, #tpu.memory_space<smem>>
      %broadcast_in_dim3A_732 = vector.broadcast %get3A_731 : i32 to vector<1x512xi32>
      %mul3A_733 = arith.constant 64 : i32
      %mul3A_734 = arith.muli %arg0, %mul3A_733 : i32
      %add3A_735 = arith.constant 56 : i32
      %add3A_736 = arith.addi %mul3A_734, %add3A_735 : i32
      %add3A_737 = arith.constant 2 : i32
      %add3A_738 = arith.addi %add3A_736, %add3A_737 : i32
      %get3A_739 = arith.index_cast %add3A_738 : i32 to index
      %get3A_740 = memref.load %arg2[%get3A_739] : memref<640xi32, #tpu.memory_space<smem>>
      %broadcast_in_dim3A_741 = vector.broadcast %get3A_740 : i32 to vector<1x512xi32>
      %mul3A_742 = arith.constant 64 : i32
      %mul3A_743 = arith.muli %arg0, %mul3A_742 : i32
      %add3A_744 = arith.constant 56 : i32
      %add3A_745 = arith.addi %mul3A_743, %add3A_744 : i32
      %add3A_746 = arith.constant 3 : i32
      %add3A_747 = arith.addi %add3A_745, %add3A_746 : i32
      %get3A_748 = arith.index_cast %add3A_747 : i32 to index
      %get3A_749 = memref.load %arg2[%get3A_748] : memref<640xi32, #tpu.memory_space<smem>>
      %broadcast_in_dim3A_750 = vector.broadcast %get3A_749 : i32 to vector<1x512xi32>
      %mul3A_751 = arith.constant 64 : i32
      %mul3A_752 = arith.muli %arg0, %mul3A_751 : i32
      %add3A_753 = arith.constant 56 : i32
      %add3A_754 = arith.addi %mul3A_752, %add3A_753 : i32
      %add3A_755 = arith.constant 4 : i32
      %add3A_756 = arith.addi %add3A_754, %add3A_755 : i32
      %get3A_757 = arith.index_cast %add3A_756 : i32 to index
      %get3A_758 = memref.load %arg2[%get3A_757] : memref<640xi32, #tpu.memory_space<smem>>
      %broadcast_in_dim3A_759 = vector.broadcast %get3A_758 : i32 to vector<1x512xi32>
      %mul3A_760 = arith.constant 64 : i32
      %mul3A_761 = arith.muli %arg0, %mul3A_760 : i32
      %add3A_762 = arith.constant 56 : i32
      %add3A_763 = arith.addi %mul3A_761, %add3A_762 : i32
      %add3A_764 = arith.constant 5 : i32
      %add3A_765 = arith.addi %add3A_763, %add3A_764 : i32
      %get3A_766 = arith.index_cast %add3A_765 : i32 to index
      %get3A_767 = memref.load %arg2[%get3A_766] : memref<640xi32, #tpu.memory_space<smem>>
      %broadcast_in_dim3A_768 = vector.broadcast %get3A_767 : i32 to vector<1x512xi32>
      %mul3A_769 = arith.constant 64 : i32
      %mul3A_770 = arith.muli %arg0, %mul3A_769 : i32
      %add3A_771 = arith.constant 56 : i32
      %add3A_772 = arith.addi %mul3A_770, %add3A_771 : i32
      %add3A_773 = arith.constant 6 : i32
      %add3A_774 = arith.addi %add3A_772, %add3A_773 : i32
      %get3A_775 = arith.index_cast %add3A_774 : i32 to index
      %get3A_776 = memref.load %arg2[%get3A_775] : memref<640xi32, #tpu.memory_space<smem>>
      %broadcast_in_dim3A_777 = vector.broadcast %get3A_776 : i32 to vector<1x512xi32>
      %mul3A_778 = arith.constant 64 : i32
      %mul3A_779 = arith.muli %arg0, %mul3A_778 : i32
      %add3A_780 = arith.constant 56 : i32
      %add3A_781 = arith.addi %mul3A_779, %add3A_780 : i32
      %add3A_782 = arith.constant 7 : i32
      %add3A_783 = arith.addi %add3A_781, %add3A_782 : i32
      %get3A_784 = arith.index_cast %add3A_783 : i32 to index
      %get3A_785 = memref.load %arg2[%get3A_784] : memref<640xi32, #tpu.memory_space<smem>>
      %broadcast_in_dim3A_786 = vector.broadcast %get3A_785 : i32 to vector<1x512xi32>
      %concatenate3A_787 = tpu.concatenate %broadcast_in_dim3A_723, %broadcast_in_dim3A_732, %broadcast_in_dim3A_741, %broadcast_in_dim3A_750, %broadcast_in_dim3A_759, %broadcast_in_dim3A_768, %broadcast_in_dim3A_777, %broadcast_in_dim3A_786 in 0 : vector<1x512xi32>, vector<1x512xi32>, vector<1x512xi32>, vector<1x512xi32>, vector<1x512xi32>, vector<1x512xi32>, vector<1x512xi32>, vector<1x512xi32> -> vector<8x512xi32>
      %lt3A_788 = arith.cmpi slt, %add3A_46, %concatenate3A_787 : vector<8x512xi32>
      %and3A_789 = arith.andi %eq3A_40, %lt3A_788 : vector<8x512xi1>
      %slice3A_790 = vector.extract_strided_slice %reshape3A_47 {offsets = [7, 0, 0], sizes = [1, 1, 512], strides = [1, 1, 1]} : vector<8x1x512xf32> to vector<1x1x512xf32>
      %squeeze3A_791 = vector.shape_cast %slice3A_790 : vector<1x1x512xf32> to vector<1x512xf32>
      %jit3A_792 = arith.constant 0.000000e+00 : f32
      %broadcast_in_dim3A_793 = vector.shape_cast %squeeze3A_791 : vector<1x512xf32> to vector<1x512xf32>
      %broadcast_in_dim3A_794 = vector.broadcast %broadcast_in_dim3A_793 : vector<1x512xf32> to vector<8x512xf32>
      %broadcast_in_dim3A_795 = vector.broadcast %jit3A_792 : f32 to vector<8x512xf32>
      %select_n3A_796 = arith.select %and3A_789, %broadcast_in_dim3A_794, %broadcast_in_dim3A_795 : vector<8x512xi1>, vector<8x512xf32>
      %get3A_797 = arith.constant 56 : index
      %get3A_798 = arith.constant 0 : index
      %get3A_799 = vector.load %arg6[%get3A_797, %get3A_798] : memref<64x256xf32, #tpu.memory_space<vmem>>, vector<8x256xf32>
      %get3A_800 = arith.constant 56 : index
      %get3A_801 = arith.constant 0 : index
      %get3A_802 = arith.constant 0 : index
      %get3A_803 = vector.load %arg4[%get3A_800, %get3A_801, %get3A_802] : memref<64x64x256xf32, #tpu.memory_space<vmem>>, vector<8x64x256xf32>
      %reshape3A_804 = vector.shape_cast %get3A_803 : vector<8x64x256xf32> to vector<512x256xf32>
      %dot_general3A_805 = arith.constant dense<0.000000e+00> : vector<8x256xf32>
      %dot_general3A_806 = tpu.matmul %select_n3A_796, %reshape3A_804, %dot_general3A_805 {dimension_numbers = #tpu.dot_dimension_numbers<[1], [0], [0], [1], [0, 0, 1, 1], [], []>, transpose_lhs_hint = false} : vector<8x512xf32>, vector<512x256xf32>, vector<8x256xf32> -> vector<8x256xf32>
      %add3A_807 = arith.addf %get3A_799, %dot_general3A_806 : vector<8x256xf32>
      %swap3A_808 = arith.constant 56 : index
      %swap3A_809 = arith.constant 0 : index
      %swap3A_810 = vector.load %arg6[%swap3A_808, %swap3A_809] : memref<64x256xf32, #tpu.memory_space<vmem>>, vector<8x256xf32>
      tpu.vector_store %arg6[%swap3A_808, %swap3A_809], %add3A_807 {strides = array<i32>} : memref<64x256xf32, #tpu.memory_space<vmem>>, vector<8x256xf32>,
    } else {
    }
    return
  }
  func.func @transform_0(%arg0: i32, %arg1: i32, %arg2: memref<640xi32, #tpu.memory_space<smem>>, %arg3: memref<10xi32, #tpu.memory_space<smem>>) -> (i32, i32, i32) {
    %add3A = arith.constant 6 : i32
    %add3A_0 = arith.addi %arg0, %add3A : i32
    %get3A = arith.index_cast %arg0 : i32 to index
    %get3A_1 = memref.load %arg3[%get3A] : memref<10xi32, #tpu.memory_space<smem>>
    %sub3A = arith.constant 1 : i32
    %sub3A_2 = arith.subi %get3A_1, %sub3A : i32
    %min3A = arith.minsi %arg1, %sub3A_2 : i32
    %c0_i32 = arith.constant 0 : i32
    %c0_i32_3 = arith.constant 0 : i32
    return %add3A_0, %min3A, %c0_i32 : i32, i32, i32
  }
  func.func @transform_1(%arg0: i32, %arg1: i32, %arg2: memref<640xi32, #tpu.memory_space<smem>>, %arg3: memref<10xi32, #tpu.memory_space<smem>>) -> (i32, i32) {
    %c0_i32 = arith.constant 0 : i32
    %c0_i32_0 = arith.constant 0 : i32
    %c0_i32_1 = arith.constant 0 : i32
    return %c0_i32, %c0_i32_0 : i32, i32
  }
  func.func @transform_2(%arg0: i32, %arg1: i32, %arg2: memref<640xi32, #tpu.memory_space<smem>>, %arg3: memref<10xi32, #tpu.memory_space<smem>>) -> (i32, i32) {
    %c0_i32 = arith.constant 0 : i32
    %c0_i32_0 = arith.constant 0 : i32
    return %arg0, %c0_i32 : i32, i32
  }
}

</mosaic_0001>

<sc_bundles>
// kernel: kernel.4.cloned.1.call-start
scs
__scs_entry_jumppad:
0x0: {  	(pc) =	sbr.rel $0x88, $3  }
0x1: {  	(tag) =	ssettag $0x0;
	lr =	simm.s32 $0x1  }
0x2: {  	[smem:$0x3F9D] =	sst lr;
	_ =	strace $0xD0000000  }
0x3: {  	_ = 	snop  }
0x4: {  	_ = 	snop  }
0x5: {  	_ = 	snop  }
0x6: {  	_ = 	snop  }
0x7: {  	_ = 	snop  }
__scs_overlays_trampoline_lowered:
0x8: {  	[smem:$0x3FAC] =	sst s0  }
0x9: {  	[smem:$0x3FAD] =	sst s1  }
0xa: {  	[smem:$0x3FAE] =	sst s2  }
0xb: {  	[smem:$0x3FAF] =	sst s3  }
0xc: {  	[smem:$0x3FB0] =	sst s4  }
0xd: {  	[smem:$0x3FB1] =	sst s5  }
0xe: {  	[smem:$0x3FB2] =	sst s6  }
0xf: {  	[smem:$0x3FB3] =	sst s7  }
0x10: {  	[smem:$0x3FB4] =	sst s8  }
0x11: {  	[smem:$0x3FB5] =	sst s9;
	s0 =	simm.s32 @!p0 $0x0  }
0x12: {  	s1 =	sld [smem:$0x3F9B];
	s0 =	simm.s32 @p0 $0x1  }
0x13: {  	[smem:$0x3FB6] =	sst s0;
	s0 =	simm.s32 @!p1 $0x0  }
0x14: {  	s2 =	sld [smem:$0x3F9A];
	s0 =	simm.s32 @p1 $0x1  }
0x15: {  	[smem:$0x3FB7] =	sst s0;
	s0 =	simm.s32 @!p2 $0x0  }
0x16: {  	s3 =	sld [smem:$0x3FDB];
	s0 =	simm.s32 @p2 $0x1  }
0x17: {  	s4 =	simm.s32 $0x1BF5;
	[smem:$0x3FB9] =	sst s0  }
0x18: {  	s0 =	sld [smem:$0x3F9C];
	_ =	swait.ge [sflag:s4], $0x0  }
0x19: {  	s7 =	sld [smem:$0x3F9D]  }
0x1a: {  	s8 =	sadd.s32 $0xFFFFE003, lr  }
0x1b: {  	s9 =	sadd.s32 $0xFFFFFEF7, lr;
	s5 =	simm.s32 $0xFFFFFFFF;
	p2 =	slt.u32 s8, $0xFFFFF086  }
0x1c: {  	p1 =	slt.u32 s9, $0xF7A;
	s5 =	simm.s32 @!p2 $0x0  }
0x1d: {  	s5 =	simm.s32 @p1 $0x1;
	p0 =	seq.s32 s7, s2  }
0x1e: {  	s7 =	smul.u32 @!p0 $0xF7A, s2;
	p2 =	seq.s32 @!p0 s5, $0x0  }
0x1f: {  	s9 =	smul.u32 $0xF7A, s1;
	s8 =	simm.s32 @!p0 $0x1BF5;
	p2 =	por !p2, p0  }
0x20: {  	[sflag:s8] =	ssyncset.s32 @!p0 $0xFFFFF086;
	s6 =	sadd.s32 @!p0 s3, s7;
	s7 =	simm.s32 @!p0 $0x108  }
0x21: {  	s3 =	sadd.s32 s3, s9;
	s6 =	sadd.s32 @!p0 $0x88, s6;
	s7 =	simm.s32 @p2 $0x1082  }
0x22: {  	[simem:s7], [sflag:s8] =	dma.local @!p0 [hbm:s6], $0xF7A  }
0x23: {  	s9 =	sor.u32 $0xD0000000, s2;
	s6 =	simm.s32 $0x108;
	_ =	swait.ge @!p0 [sflag:s8], $0x0  }
0x24: {  	s3 =	sadd.s32 $0x88, s3;
	s6 =	simm.s32 @!p1 $0x1082;
	[sflag:s4] =	ssyncset.s32 $0xFFFFF086  }
0x25: {  	[simem:s6], [sflag:s4] =	dma.local [hbm:s3], $0xF7A  }
0x26: {  	[smem:$0x3F9D] =	sst s1;
	(tag) =	ssettag s2;
	_ =	strace s9  }
0x27: {  	s1 =	sld [smem:$0x3FAD]  }
0x28: {  	s2 =	sld [smem:$0x3FAE]  }
0x29: {  	s4 =	sld [smem:$0x3FB0]  }
0x2a: {  	p0 =	seq.s32 s5, $0x0;
	s5 =	sld [smem:$0x3FB1]  }
0x2b: {  	s6 =	sld [smem:$0x3FB2]  }
0x2c: {  	s7 =	sld [smem:$0x3FB3]  }
0x2d: {  	s3 =	simm.s32 $0x108;
	s8 =	sld [smem:$0x3FB4]  }
0x2e: {  	s3 =	simm.s32 @!p0 $0x1082;
	s9 =	sld [smem:$0x3FB5]  }
0x2f: {  	lr =	sadd.s32 s0, s3;
	s0 =	sld [smem:$0x3FAC]  }
0x30: {  	s3 =	sld [smem:$0x3FAF]  }
0x31: {  	[smem:$0x3FB8] =	sst s10  }
0x32: {  	s10 =	sld [smem:$0x3FB6];
	_ =	sdelay $0x3  }
0x33: {  	p0 =	seq.s32 s10, $0x1;
	s10 =	sld [smem:$0x3FB8];
	_ =	sdelay $0x3  }
0x34: {  	[smem:$0x3FB8] =	sst s10  }
0x35: {  	s10 =	sld [smem:$0x3FB7];
	_ =	sdelay $0x3  }
0x36: {  	p1 =	seq.s32 s10, $0x1;
	s10 =	sld [smem:$0x3FB8];
	_ =	sdelay $0x3  }
0x37: {  	[smem:$0x3FB8] =	sst s10  }
0x38: {  	s10 =	sld [smem:$0x3FB9]  }
0x39: {  	_ = 	snop;
	(pc) =	sbr.ind lr, $3  }
0x3a: {  	_ = 	snop  }
0x3b: {  	_ = 	snop  }
0x3c: {  	p2 =	seq.s32 s10, $0x1;
	s10 =	sld [smem:$0x3FB8]  }
0x3d: {  	_ =	shalt  }
0x3e: {  	_ =	shalt  }
0x3f: {  	_ =	shalt  }
0x40: {  	_ =	shalt  }
0x41: {  	_ =	shalt  }
0x42: {  	_ =	shalt  }
0x43: {  	_ =	shalt  }
0x44: {  	_ =	shalt  }
0x45: {  	_ =	shalt  }
0x46: {  	_ =	shalt  }
0x47: {  	_ =	shalt  }
0x48: {  	_ =	shalt  }
0x49: {  	_ =	shalt  }
0x4a: {  	_ =	shalt  }
0x4b: {  	_ =	shalt  }
0x4c: {  	_ =	shalt  }
0x4d: {  	_ =	shalt  }
0x4e: {  	_ =	shalt  }
0x4f: {  	_ =	shalt  }
0x50: {  	_ =	shalt  }
0x51: {  	_ =	shalt  }
0x52: {  	_ =	shalt  }
0x53: {  	_ =	shalt  }
0x54: {  	_ =	shalt  }
0x55: {  	_ =	shalt  }
0x56: {  	_ =	shalt  }
0x57: {  	_ =	shalt  }
0x58: {  	_ =	shalt  }
0x59: {  	_ =	shalt  }
0x5a: {  	_ =	shalt  }
0x5b: {  	_ =	shalt  }
0x5c: {  	_ =	shalt  }
0x5d: {  	_ =	shalt  }
0x5e: {  	_ =	shalt  }
0x5f: {  	_ =	shalt  }
0x60: {  	_ =	shalt  }
0x61: {  	_ =	shalt  }
0x62: {  	_ =	shalt  }
0x63: {  	_ =	shalt  }
0x64: {  	_ =	shalt  }
0x65: {  	_ =	shalt  }
0x66: {  	_ =	shalt  }
0x67: {  	_ =	shalt  }
0x68: {  	_ =	shalt  }
0x69: {  	_ =	shalt  }
0x6a: {  	_ =	shalt  }
0x6b: {  	_ =	shalt  }
0x6c: {  	_ =	shalt  }
0x6d: {  	_ =	shalt  }
0x6e: {  	_ =	shalt  }
0x6f: {  	_ =	shalt  }
0x70: {  	_ =	shalt  }
0x71: {  	_ =	shalt  }
0x72: {  	_ =	shalt  }
0x73: {  	_ =	shalt  }
0x74: {  	_ =	shalt  }
0x75: {  	_ =	shalt  }
0x76: {  	_ =	shalt  }
0x77: {  	_ =	shalt  }
0x78: {  	_ =	shalt  }
0x79: {  	_ =	shalt  }
0x7a: {  	_ =	shalt  }
0x7b: {  	_ =	shalt  }
0x7c: {  	_ =	shalt  }
0x7d: {  	_ =	shalt  }
0x7e: {  	_ =	shalt  }
0x7f: {  	_ =	shalt  }
0x80: {  	_ =	shalt  }
0x81: {  	_ =	shalt  }
0x82: {  	_ =	shalt  }
0x83: {  	_ =	shalt  }
0x84: {  	_ =	shalt  }
0x85: {  	_ =	shalt  }
0x86: {  	_ =	shalt  }
0x87: {  	_ =	shalt  }
.Lfunc_end0:
.L_simem_size_0:
called_computation_lowered:
.L_overlay_start_0:
0x88: {  	s2 =	sld [smem:$0x3FD9]  }
0x89: {  	s3 =	sld [smem:$0x3FFE];
	_ =	sdelay $0x1  }
0x8a: {  	s1 =	srdreg.scid  }
0x8b: {  	s0 =	sand.u32 $0x1, s1  }
0x8c: {  	s17 =	sshll.u32 s0, $0xA;
	s2 =	sadd.s32 s3, s2  }
0x8d: {  	s2 =	sadd.s32 s2, s17  }
0x8e: {  	[smem:$0x3FC4] =	sst s2  }
0x8f: {  	_ = 	snop  }
0x90: {  	s2 =	sld [smem:$0x3FC9]  }
0x91: {  	s18 =	sld [smem:$0x3FC6];
	(tm) =	ssettm $0x1  }
0x92: {  	s4 =	sld [smem:$0x3FFB];
	_ =	sdelay $0x3  }
0x93: {  	_ =	strace s4  }
0x94: {  	s4 =	sld [smem:$0x3FFC];
	_ =	sdelay $0x3  }
0x95: {  	_ =	strace s4  }
0x96: {  	s4 =	sld [smem:$0x3FFD];
	_ =	sdelay $0x3  }
0x97: {  	_ =	strace s4  }
0x98: {  	_ =	strace $0x8FFFFFFF  }
0x99: {  	s19 =	sld [smem:$0x3FDB];
	_ =	sdelay $0x1  }
0x9a: {  	s5 =	simm.s32 $_scs_section_size  }
0x9b: {  	s6 =	simm.s32 $_size__tile_overlayer_lowered;
	s7 =	simm.s32 $_tile_overlayer_lowered  }
0x9c: {  	s22 =	simm.s32 $0x1BFF;
	s21 =	sshll.u32 s7, $0x1;
	s4 =	sadd.s32 s5, s19  }
0x9d: {  	s8 =	simm.s32 $0x0;
	s20 =	sshll.u32 s6, $0x1;
	s6 =	sadd.s32 s21, s4  }
0x9e: {  	[timem:s8], [sflag:s22] =	dma.local [hbm:s6], s20  }
0x9f: {  	_ =	swait.ge [sflag:s22], s20  }
0xa0: {  	s5 =	ssub.s32 $0x0, s20;
	[sflag:s22] =	ssyncset.done $0x0  }
0xa1: {  	[sflag:s22] =	ssyncadd.s32 s5;
	_ =	sdelay $0x1  }
0xa2: {  	s23 =	simm.s32 $0x1B8B  }
0xa3: {  	_ =	swait.ge [sflag:s23], $0x1  }
0xa4: {  	[sflag:s23] =	ssyncset.done $0x0  }
0xa5: {  	s25 =	simm.s32 $0x1B8E;
	s24 =	sld [smem:$0x3FFE];
	[sflag:s23] =	ssyncadd.s32 $0xFFFFFFFF  }
0xa6: {  	s26 =	simm.s32 $execute0_lowered;
	[smem:$0x3FD2] =	sst s25  }
0xa7: {  	s6 =	sshll.u32 s26, $0x1;
	_ =	strace $0x80000046;
	[dreg:$0x1] =	wrdreg $0xFFFFFFFF  }
0xa8: {  	s28 =	simm.s32 $_size_execute0_lowered;
	s4 =	sadd.s32 s4, s6;
	[dreg:$0x0] =	wrdreg $0x0  }
0xa9: {  	s6 =	sshll.u32 s28, $0x1;
	[dreg:$0x2] =	wrdreg s4  }
0xaa: {  	[dreg:$0x3] =	wrdreg s6  }
0xab: {  	[dreg:$0x4] =	wrdreg $0xC0  }
0xac: {  	_ =	task [dreg:s8], $0x5FFFF  }
0xad: {  	[dreg:$0x1] =	wrdreg $0xFFFFFFFF  }
0xae: {  	[dreg:$0x0] =	wrdreg $0x60  }
0xaf: {  	[dreg:$0x2] =	wrdreg s2  }
0xb0: {  	[dreg:$0x3] =	wrdreg s24  }
0xb1: {  	[dreg:$0x4] =	wrdreg s18  }
0xb2: {  	[dreg:$0x5] =	wrdreg $0x9  }
0xb3: {  	_ =	task.clear_ibuf [dreg:s8], $0x6FFFF;
	_ =	strace $0x90000046  }
0xb4: {  	s29 =	simm.s32 $0x9;
	_ =	strace $0x80000048  }
0xb5: {  	_ =	swait.ge [sflag:s29], $0x1  }
0xb6: {  	[sflag:s29] =	ssyncadd.s32 $0xFFFFFFFF  }
0xb7: {  	_ =	strace $0x90000048  }
0xb8: {  	_ =	sfence  }
0xb9: {  	s30 =	sld [smem:$0x0];
	_ =	sdelay $0x2  }
0xba: {  	s31 =	sshll.u32 s1, $0xD;
	s1 =	sshrl.u32 s1, $0x2  }
0xbb: {  	s3 =	sand.u32 $0x4000, s31;
	s1 =	sadd.s32 s1, s30  }
0xbc: {  	s0 =	sor.u32 s3, s0;
	s1 =	sshll.u32 s1, $0x11  }
0xbd: {  	s0 =	sor.u32 s1, s0  }
0xbe: {  	s0 =	sadd.s32 $0x8F2B, s0  }
0xbf: {  	[sflag:s0] =	ssyncadd.remote.s32 $0x1  }
0xc0: {  	_ =	sfence.sel $0xFFFF  }
0xc1: {  	[dreg:$0x0] =	wrdreg $0xFFFFFFFF;
	(pc) =	sbr.abs _section_cstart, $3  }
0xc2: {  	[dreg:$0x1] =	wrdreg $0xFFFFFFFF  }
0xc3: {  	_ =	task.clear_ibuf [dreg:s8], $0x2FFFF;
	_ =	strace $0x9FFFFFFF  }
0xc4: {  	(tm) =	ssettm $0x7FFFFFFF  }
0xc5: {  	_ =	shalt  }
tec
execute0_lowered:
.L_overlay_start_1:
0x0: {  	(tag) =	ssettag $0x1  }
0x1: {  	v0 =	vimm.s32 $0xFEDCBA98  }
0x2: {  	s3 =	rddreg [dreg:$0x0];
	v1 =	vimm.s32 $0x76543210;
	v2 =	vimm.s32 $0xBA98FEDC;
	v3 =	vimm.s32 $0x32107654  }
0x3: {  	s4 =	rddreg [dreg:$0x1];
	v4 =	vimm.s32 $0xDCFE98BA;
	v5 =	vimm.s32 $0x54761032;
	v6 =	vimm.s32 $0xEFCDAB89  }
0x4: {  	s0 =	srdreg.scid;
	s1 =	stileid.u32;
	s2 =	simm.s32 $0x0;
	v7 =	vimm.s32 $0x67452301;
	v2 =	vunpack.c.l.s4.s8 v2;
	v3 =	vunpack.c.l.s4.s8 v3  }
0x5: {  	s5 =	simm.s32 $0x8100;
	s6 =	simm.s32 $0x8110;
	s7 =	simm.s32 $0x8120;
	v4 =	vunpack.c.l.s4.s8 v4;
	v5 =	vunpack.c.l.s4.s8 v5;
	v6 =	vunpack.c.l.s4.s8 v6  }
0x6: {  	s9 =	simm.s32 $0x8130;
	s10 =	simm.s32 $0x8140;
	s12 =	simm.s32 $0x8150;
	v7 =	vunpack.c.l.s4.s8 v7;
	v2 =	vunpack.c.0.s8.s32 v2;
	v3 =	vunpack.c.0.s8.s32 v3  }
0x7: {  	s13 =	simm.s32 $0x8160;
	s0 =	sand.u32 $0x1, s0;
	s1 =	sshll.u32 s1, $0x1;
	v0 =	vunpack.c.l.s4.s8 v0;
	v4 =	vunpack.c.0.s8.s32 v4;
	v5 =	vunpack.c.0.s8.s32 v5  }
0x8: {  	s14 =	simm.s32 $0x8170;
	[smem:$0x7FF] =	sst s2;
	s1 =	sor.u32 s0, s1;
	v6 =	vunpack.c.0.s8.s32 v6;
	v7 =	vunpack.c.0.s8.s32 v7;
	v31 =	vcombine.low v3, v2  }
0x9: {  	s15 =	simm.s32 $0x8180;
	s16 =	simm.s32 $0x8190;
	v1 =	vunpack.c.l.s4.s8 v1;
	[dreg:$0x4] =	wrdreg s1;
	v32 =	vcombine.low v5, v4  }
0xa: {  	s17 =	simm.s32 $0x81A0;
	s18 =	simm.s32 $0x81B0;
	v0 =	vunpack.c.0.s8.s32 v0;
	_ =	strace $0x80000047;
	v33 =	vcombine.low v7, v6;
	[tilespmem:$0x1FFB0] =	vst v31  }
0xb: {  	s25 =	simm.s32 $0x81C0;
	s26 =	simm.s32 $0x81D0;
	s0 =	ssub.s32 $0x2, s0;
	v1 =	vunpack.c.0.s8.s32 v1;
	[tilespmem:$0x1FFC0] =	vst v32  }
.Ltmp0:
0xc: {  	s1 =	sshll.u32 s1, $0x4;
	s30 =	sshrl.u32 s0, $0x1;
	v0 =	vand.u32 $0xF, v0;
	v61 =	vand.u32 $0xF, v31;
	[tilespmem:$0x1FFD0] =	vst v33;
	(pc) =	sbr.rel .LBB2_1-.Ltmp0, $4  }
0xd: {  	s31 =	sadd.s32 $0x800, s3;
	s1 =	sand.u32 $0x70, s1;
	s0 =	ssub.s32 s0, s30;
	v62 =	vcombine.low v0, v1;
	v63 =	vand.u32 $0xF, v32;
	[tilespmem:$0x1FF90] =	vst v61  }
0xe: {  	[dreg:$0x5] =	wrdreg s31;
	s1 =	sadd.s32 s1, s4;
	s0 =	smax.u32 s0, $0x1;
	[tilespmem:$0x1FFA0] =	vst v63  }
0xf: {  	s28 =	simm.s32 $0x81E0;
	s1 =	sadd.s32 $0x200, s1;
	[dreg:$0x7] =	wrdreg s0;
	v55 =	vand.u32 $0xF, v33;
	[tilespmem:$0x1FFE0] =	vst v62  }
0x10: {  	vm0 =	vcmask $0x1F04;
	s29 =	simm.s32 $0x81F0;
	[dreg:$0x6] =	wrdreg s1;
	s1 =	simm.s32 $0x0;
	[tilespmem:$0x1FFF0] =	vst v55  }
.LBB2_20:
0x11: {  	s1 =	rddreg [dreg:$0x8]  }
0x12: {  	s0 =	rddreg [dreg:$0x7];
	s1 =	sadd.s32 $0x1, s1  }
0x13: {  	p0 =	sne.s32 s1, s0  }
.Ltmp1:
0x14: {  	_ = 	snop;
	(pc) =	sbr.rel @!p0 .LBB2_21-.Ltmp1, $1  }
0x15: {  	_ =	sdelay $0x3  }
.LBB2_1:
0x16: {  	[dreg:$0x8] =	wrdreg s1  }
0x17: {  	s0 =	rddreg [dreg:$0x1]  }
0x18: {  	s24 =	simm.s32 $0x0;
	s2 =	simm.s32 $0x8200;
	s30 =	simm.s32 $0x3  }
0x19: {  	[tilespmem:s2], [sflag:$0x3] =	stream.linear.gather [hbm4b:s0+s24], $0x80, $0x38;
	[tilespmem:$0x8280] =	vst v63  }
0x1a: {  	_ =	swait.ge [sflag:s30], $0x80  }
0x1b: {  	[sflag:s30] =	ssyncset.done $0x0  }
0x1c: {  	[sflag:s30] =	ssyncadd.s32 $0xFFFFFF80  }
.Ltmp2:
0x1d: {  	s3 =	simm.s32 $0x8000;
	s31 =	rddreg [dreg:$0x2];
	(pc) =	sbr.rel .LBB2_2-.Ltmp2, $4  }
0x1e: {  	[tilespmem:s3], [sflag:$0x3] =	stream.linear.gather [hbm4b:s31+s24], $0x100, $0x38;
	[tilespmem:$0x8280] =	vst v63  }
0x1f: {  	_ =	swait.ge [sflag:s30], $0x100  }
0x20: {  	[sflag:s30] =	ssyncset.done $0x0  }
0x21: {  	s1 =	simm.s32 $0x0;
	[sflag:s30] =	ssyncadd.s32 $0xFFFFFF00  }
.LBB2_19:
0x22: {  	s0 =	rddreg [dreg:$0xa]  }
0x23: {  	s0 =	sshll.u32 s0, $0x5  }
0x24: {  	s1 =	rddreg [dreg:$0x6];
	s24 =	simm.s32 $0x80;
	s0 =	sand.u32 $0x3F00, s0  }
0x25: {  	s2 =	simm.s32 $0x400;
	s30 =	simm.s32 $0x3;
	s0 =	sadd.s32 s0, s1  }
0x26: {  	[hbm4b:s0+s24] =	stream.strided.scatter [tilespmem:s5], [sflag:$0x3], $0x100, s2, s24, $0x38;
	[tilespmem:$0x8280] =	vst v63  }
0x27: {  	_ =	swait.ge [sflag:s30], $0x100  }
0x28: {  	s31 =	rddreg [dreg:$0x9]  }
0x29: {  	s1 =	sadd.s32 $0x1, s31  }
0x2a: {  	p0 =	sne.s32 s1, $0xC  }
.Ltmp3:
0x2b: {  	_ = 	snop;
	(pc) =	sbr.rel @!p0 .LBB2_20-.Ltmp3, $3  }
0x2c: {  	_ =	sdelay $0x1  }
0x2d: {  	[sflag:s30] =	ssyncset.done $0x0  }
0x2e: {  	[sflag:s30] =	ssyncadd.s32 $0xFFFFFF00  }
.LBB2_2:
0x2f: {  	v0 =	vld [tilespmem:$0x8200];
	_ =	sdelay $0x2  }
0x30: {  	s0 =	sshll.u32 s1, $0x5;
	s11 =	rddreg [dreg:$0x4]  }
0x31: {  	s3 =	sor.u32 s11, s0  }
0x32: {  	vm1 =	vle.s32 v0, s3  }
0x33: {  	v60 =	vimm.s32 $0x0;
	vm1 =	vmand vm1, vm0  }
0x34: {  	v0 =	vsel vm1, $0x1, v60  }
0x35: {  	(xrf0) =	vadd.scan.msk.s32 $0xffff, v0;
	_ =	sdelay $0x4  }
0x36: {  	v61 =	vld [tilespmem:$0x8210]  }
0x37: {  	v1, _, _ =	vpop (xrf0)  }
0x38: {  	v1 =	vbroadcast v1, $0xF  }
0x39: {  	v2 =	vlaneseq.u32  }
0x3a: {  	vm1 =	veq.s32 v1, v2  }
0x3b: {  	v0 =	vnsel vm1, $0x0, v61  }
0x3c: {  	(xrf0) =	vadd.scan.msk.s32 $0xffff, v0;
	_ =	sdelay $0x5  }
0x3d: {  	v0, _, _ =	vpop (xrf0)  }
0x3e: {  	(v2sf) =	vpush v0, $0xF;
	_ =	sdelay $0xe  }
0x3f: {  	s19 =	spop (v2sf)  }
0x40: {  	s0 =	sadd.s32 $0x3F, s19  }
0x41: {  	[dreg:$0x9] =	wrdreg s1;
	s20 =	sand.u32 $0x3F, s0  }
0x42: {  	s2 =	sshra.s32 s0, $0x1F;
	p0 =	slt.s32 s0, $0x1;
	p1 =	sne.s32 s20, $0x0  }
0x43: {  	s1 =	simm.s32 $0x1;
	s21 =	sshrl.u32 s2, $0x1A;
	p0 =	por !p0, !p1  }
0x44: {  	s22 =	rddreg [dreg:$0x0];
	s0 =	sadd.s32 s21, s0;
	p0 =	por !p0, !p0  }
0x45: {  	s2 =	sshll.u32 s3, $0xE;
	s0 =	sshra.s32 s0, $0x6;
	s1 =	simm.s32 @!p0 $0x0  }
0x46: {  	s23 =	simm.s32 $0x0;
	s4 =	ssub.s32 s0, s1;
	s0 =	sadd.s32 s22, s2  }
0x47: {  	[tilespmem:s23], [sflag:$0x1] =	stream.linear.gather [hbm4b:s0+s23], $0x4000, $0x38;
	[tilespmem:$0x8280] =	vst v63  }
0x48: {  	p0 =	slt.s32 s4, $0x2;
	s0 =	rddreg [dreg:$0x5]  }
0x49: {  	s0 =	sadd.s32 @!p0 s2, s0;
	s1 =	simm.s32 @!p0 $0x0;
	s2 =	simm.s32 @!p0 $0x4000  }
0x4a: {  	v63 =	vimm.f32 $0.0e+00;
	[tilespmem:s2], [sflag:$0x2] =	stream.linear.gather @!p0 [hbm4b:s0+s1], $0x4000, $0x38;
	[tilespmem:$0x8280] =	vst v63  }
0x4b: {  	[tilespmem:$0x8100] =	vst v63  }
0x4c: {  	[tilespmem:$0x8110] =	vst v63  }
0x4d: {  	[tilespmem:$0x8120] =	vst v63  }
0x4e: {  	s24 =	sadd.s32 $0x1, s4;
	[tilespmem:$0x8130] =	vst v63  }
0x4f: {  	s30 =	sand.u32 $0x1, s24;
	[tilespmem:$0x8140] =	vst v63  }
0x50: {  	p5 =	slt.s32 s4, $0x0;
	p6 =	seq.s32 s30, $0x1;
	[tilespmem:$0x8150] =	vst v63  }
0x51: {  	s31 =	sshrl.u32 s24, $0x1F;
	[tilespmem:$0x8160] =	vst v63;
	p0 =	por !p5, !p6  }
0x52: {  	s0 =	sadd.s32 s31, s24;
	s1 =	simm.s32 $0x1;
	[tilespmem:$0x8170] =	vst v63;
	p0 =	por !p0, !p0  }
0x53: {  	[tilespmem:$0x8180] =	vst v63;
	s0 =	sshra.s32 s0, $0x1;
	s1 =	simm.s32 @!p0 $0x0  }
0x54: {  	[tilespmem:$0x8190] =	vst v63;
	s0 =	ssub.s32 s0, s1  }
0x55: {  	[tilespmem:$0x81A0] =	vst v63;
	p0 =	slt.s32 s0, $0x1  }
.Ltmp4:
0x56: {  	[tilespmem:$0x81B0] =	vst v63;
	(pc) =	sbr.rel @p0 .LBB2_19-.Ltmp4, $4  }
0x57: {  	[tilespmem:$0x81C0] =	vst v63  }
0x58: {  	[dreg:$0xa] =	wrdreg s3;
	[tilespmem:$0x81D0] =	vst v63  }
0x59: {  	[dreg:$0xb] =	wrdreg s19;
	[tilespmem:$0x81E0] =	vst v63  }
0x5a: {  	[tilespmem:$0x81F0] =	vst v63;
	[dreg:$0xd] =	wrdreg s0  }
0x5b: {  	v0 =	vld [tilespmem:$0x80F0]  }
0x5c: {  	v36 =	vld [tilespmem:$0x8060]  }
0x5d: {  	v34 =	vld [tilespmem:$0x8000]  }
0x5e: {  	v35 =	vld [tilespmem:$0x8090]  }
0x5f: {  	v38 =	vld [tilespmem:$0x80C0]  }
0x60: {  	v37 =	vld [tilespmem:$0x8010];
	[tilespmem:$0x1FE90] =	vst v0  }
0x61: {  	v51 =	vld [tilespmem:$0x8020];
	[tilespmem:$0x1FEA0] =	vst v36  }
0x62: {  	v52 =	vld [tilespmem:$0x8030];
	[tilespmem:$0x1FEB0] =	vst v34  }
0x63: {  	v53 =	vld [tilespmem:$0x8040];
	[tilespmem:$0x1FEC0] =	vst v35  }
0x64: {  	v54 =	vld [tilespmem:$0x80A0];
	[tilespmem:$0x1FED0] =	vst v38  }
0x65: {  	v57 =	vld [tilespmem:$0x80B0];
	[tilespmem:$0x1FEE0] =	vst v37  }
0x66: {  	v58 =	vld [tilespmem:$0x80D0];
	[tilespmem:$0x1FEF0] =	vst v51  }
0x67: {  	v56 =	vld [tilespmem:$0x8050];
	[tilespmem:$0x1FF00] =	vst v52  }
0x68: {  	v59 =	vld [tilespmem:$0x80E0];
	[tilespmem:$0x1FF10] =	vst v53  }
0x69: {  	v60 =	vld [tilespmem:$0x8070];
	[tilespmem:$0x1FF20] =	vst v54  }
0x6a: {  	v63 =	vld [tilespmem:$0x8080];
	[tilespmem:$0x1FF30] =	vst v57  }
.Ltmp5:
0x6b: {  	[tilespmem:$0x1FF40] =	vst v58;
	(pc) =	sbr.rel .LBB2_4-.Ltmp5, $4  }
0x6c: {  	s0 =	rddreg [dreg:$0xa];
	[tilespmem:$0x1FF50] =	vst v56  }
0x6d: {  	s31 =	rddreg [dreg:$0xb];
	[tilespmem:$0x1FF60] =	vst v59  }
0x6e: {  	s2 =	simm.s32 $0x0;
	[dreg:$0xc] =	wrdreg s4;
	s0 =	sshll.u32 s0, $0x11;
	[tilespmem:$0x1FF70] =	vst v60  }
0x6f: {  	s8 =	sadd.s32 $0xFFFFFFC0, s31;
	s11 =	smov.u32 s31;
	[dreg:$0xe] =	wrdreg s0;
	[tilespmem:$0x1FF80] =	vst v63  }
.LBB2_18:
0x70: {  	s0 =	sadd.s32 $0x3, s19  }
0x71: {  	p0 =	sge.s32 s0, s4  }
0x72: {  	s1 =	rddreg [dreg:$0xe];
	s0 =	sshll.u32 @!p0 s0, $0xE  }
0x73: {  	s30 =	rddreg [dreg:$0x10];
	s0 =	sadd.s32 @!p0 s1, s0  }
0x74: {  	s1 =	rddreg [dreg:$0x0];
	s0 =	sshrl.u32 @!p0 s0, $0x3  }
0x75: {  	s2 =	simm.s32 @!p0 $0x4000;
	s0 =	sadd.s32 @!p0 s1, s0;
	s1 =	simm.s32 @!p0 $0x0  }
0x76: {  	[tilespmem:s2], [sflag:$0x2] =	stream.linear.gather @!p0 [hbm4b:s0+s1], $0x4000, $0x38;
	[tilespmem:$0x8280] =	vst v63  }
0x77: {  	s31 =	rddreg [dreg:$0xd];
	s2 =	sadd.s32 $0x1, s30  }
0x78: {  	p0 =	sne.s32 s2, s31  }
.Ltmp6:
0x79: {  	_ = 	snop;
	(pc) =	sbr.rel @!p0 .LBB2_19-.Ltmp6, $2  }
0x7a: {  	_ =	sdelay $0x2  }
0x7b: {  	s11 =	sadd.s32 $0xFFFFFF80, s11;
	s8 =	sadd.s32 $0xFFFFFF80, s8  }
.LBB2_4:
0x7c: {  	s0 =	sshll.u32 s2, $0x7;
	s1 =	rddreg [dreg:$0xb]  }
0x7d: {  	s0 =	ssub.s32 s1, s0  }
0x7e: {  	p0 =	sgt.s32 s0, $0x0  }
0x7f: {  	s0 =	simm.s32 @!p0 $0x0  }
0x80: {  	s20 =	smin.u32 s0, $0x40  }
0x81: {  	s21 =	sand.u32 $0x7C, s20  }
0x82: {  	s19 =	sshll.u32 s2, $0x1;
	p0 =	seq.s32 s21, $0x0  }
.Ltmp7:
0x83: {  	p1 =	sge.s32 s19, s4;
	(pc) =	sbr.rel @p0 .LBB2_8-.Ltmp7, $4  }
0x84: {  	[dreg:$0x10] =	wrdreg s2;
	s1 =	simm.s32 @!p1 $0x1  }
0x85: {  	_ =	swait.ge @!p1 [sflag:s1], $0x4000;
	[dreg:$0xf] =	wrdreg s8  }
0x86: {  	[dreg:$0x11] =	wrdreg s11;
	[sflag:s1] =	ssyncset.done @!p1 $0x0  }
0x87: {  	[dreg:$0x12] =	wrdreg s19;
	[sflag:s1] =	ssyncadd.s32 @!p1 $0xFFFFC000  }
0x88: {  	s0 =	simm.s32 $0x0  }
0x89: {  	s1 =	sand.u32 $0x7FFFF800, s0;
	s0 =	sand.u32 $0x200, s0  }
0x8a: {  	[dreg:$0x13] =	wrdreg s20;
	s0 =	sor.u32 s0, s1  }
0x8b: {  	v15 =	vld [tilespmem:s0+$0x180]  }
0x8c: {  	v41 =	vld [tilespmem:s0+$0x190]  }
0x8d: {  	p0 =	por $0x0, $0x0;
	s1 =	simm.s32 $0x1;
	v50 =	vld [tilespmem:s0+$0x1A0]  }
0x8e: {  	s1 =	simm.s32 @!p0 $0x0;
	v49 =	vld [tilespmem:s0+$0x1B0]  }
0x8f: {  	v47 =	vld [tilespmem:s0+$0x1C0];
	s1 =	sshll.u32 s1, $0x9  }
0x90: {  	v45 =	vld [tilespmem:s0+$0x1D0];
	s1 =	sadd.s32 $0x0, s1  }
0x91: {  	v18 =	vld [tilespmem:s0+$0x1E0];
	s2 =	sadd.s32 $0x180, s1  }
0x92: {  	v13 =	vld [tilespmem:s0+$0x1F0];
	s23 =	sor.u32 $0x450, s2  }
0x93: {  	s3 =	sor.u32 $0x400, s2;
	v11 =	vld [tilespmem:s23+$0x0]  }
0x94: {  	s11 =	sor.u32 $0x410, s2;
	v26 =	vld [tilespmem:s3+$0x0]  }
0x95: {  	s19 =	sor.u32 $0x420, s2;
	v42 =	vld [tilespmem:s11+$0x0]  }
0x96: {  	s20 =	sor.u32 $0x430, s2;
	v44 =	vld [tilespmem:s19+$0x0]  }
0x97: {  	s22 =	sor.u32 $0x440, s2;
	v27 =	vld [tilespmem:s20+$0x0]  }
0x98: {  	s24 =	sor.u32 $0x460, s2;
	v43 =	vld [tilespmem:s22+$0x0];
	[tilespmem:$0x1FD60] =	vst v11  }
0x99: {  	v1 =	vld [tilespmem:s24+$0x0];
	_ =	sdelay $0x4  }
0x9a: {  	s2 =	sor.u32 $0x470, s2;
	[tilespmem:$0x1FDB0] =	vst v1  }
0x9b: {  	v10 =	vld [tilespmem:s2+$0x0];
	_ =	sdelay $0x3  }
0x9c: {  	s30 =	sadd.s32 $0x80, s1  }
0x9d: {  	s31 =	sor.u32 $0x400, s30;
	[tilespmem:$0x1FDC0] =	vst v10  }
0x9e: {  	v31 =	vld [tilespmem:s31+$0x0];
	_ =	sdelay $0x4  }
0x9f: {  	s4 =	sor.u32 $0x410, s30;
	[tilespmem:$0x1FE40] =	vst v31  }
0xa0: {  	v40 =	vld [tilespmem:s4+$0x0];
	_ =	sdelay $0x4  }
0xa1: {  	s8 =	sor.u32 $0x420, s30;
	[tilespmem:$0x1FE50] =	vst v40  }
0xa2: {  	v48 =	vld [tilespmem:s8+$0x0];
	_ =	sdelay $0x4  }
0xa3: {  	s19 =	sor.u32 $0x440, s30;
	[tilespmem:$0x1FD40] =	vst v48  }
0xa4: {  	v39 =	vld [tilespmem:s19+$0x0];
	_ =	sdelay $0x3  }
0xa5: {  	s11 =	sor.u32 $0x430, s30  }
0xa6: {  	s20 =	sor.u32 $0x450, s30;
	v32 =	vld [tilespmem:s11+$0x0];
	[tilespmem:$0x1FE60] =	vst v39  }
0xa7: {  	v33 =	vmul.f32 v1, v59;
	v1 =	vld [tilespmem:s20+$0x0]  }
0xa8: {  	v21 =	vld [tilespmem:$0x1FE90];
	_ =	sdelay $0x3  }
0xa9: {  	s22 =	sor.u32 $0x460, s30;
	[tilespmem:$0x1FD50] =	vst v1  }
0xaa: {  	v20 =	vmul.f32 v10, v21;
	v10 =	vld [tilespmem:s22+$0x0];
	_ =	sdelay $0x4  }
0xab: {  	s3 =	sor.u32 $0x470, s30;
	[tilespmem:$0x1FE70] =	vst v10  }
0xac: {  	v1 =	vld [tilespmem:s3+$0x0];
	_ =	sdelay $0x2  }
0xad: {  	v4 =	vmul.f32 v50, v51;
	v5 =	vmul.f32 v49, v52  }
0xae: {  	v61 =	vmul.f32 v43, v38;
	v19 =	vmul.f32 v11, v58;
	s2 =	sadd.s32 $0x100, s1  }
0xaf: {  	v2 =	vmul.f32 v15, v34;
	v3 =	vmul.f32 v41, v37;
	s30 =	sor.u32 $0x420, s2;
	[tilespmem:$0x1FE80] =	vst v1  }
0xb0: {  	v6 =	vmul.f32 v47, v53;
	v4 =	vadd.f32 v5, v4;
	v5 =	vadd.f32 v19, v61;
	v61 =	vld [tilespmem:s30+$0x0]  }
0xb1: {  	v7 =	vmul.f32 v45, v56;
	v8 =	vmul.f32 v18, v36  }
0xb2: {  	v14 =	vmul.f32 v26, v63;
	v16 =	vmul.f32 v42, v35  }
0xb3: {  	v2 =	vadd.f32 v3, v2;
	v3 =	vmul.f32 v44, v54;
	v17 =	vmul.f32 v27, v57;
	s23 =	sor.u32 $0x400, s2  }
0xb4: {  	v9 =	vmul.f32 v13, v60;
	v6 =	vadd.f32 v7, v6;
	s24 =	sor.u32 $0x410, s2;
	v7 =	vadd.f32 v20, v33;
	v33 =	vld [tilespmem:s23+$0x0]  }
0xb5: {  	v46 =	vadd.f32 v16, v14;
	v3 =	vadd.f32 v17, v3;
	s31 =	sor.u32 $0x430, s2;
	v36 =	vld [tilespmem:s24+$0x0];
	[tilespmem:$0x1FD70] =	vst v61  }
0xb6: {  	v8 =	vadd.f32 v9, v8;
	v2 =	vadd.f32 v4, v2;
	v4 =	vld [tilespmem:s31+$0x0]  }
0xb7: {  	v3 =	vadd.f32 v3, v46  }
0xb8: {  	v5 =	vadd.f32 v7, v5;
	v48 =	vadd.f32 v8, v6;
	_ =	sdelay $0x1  }
0xb9: {  	v3 =	vadd.f32 v5, v3;
	v2 =	vadd.f32 v48, v2  }
0xba: {  	s4 =	sor.u32 $0x440, s2;
	[tilespmem:$0x1FD80] =	vst v4  }
0xbb: {  	v2 =	vadd.f32 v3, v2;
	v3 =	vld [tilespmem:s4+$0x0];
	_ =	sdelay $0x4  }
0xbc: {  	s8 =	sor.u32 $0x450, s2;
	[tilespmem:$0x1FD90] =	vst v3  }
0xbd: {  	v3 =	vld [tilespmem:s8+$0x0];
	_ =	sdelay $0x4  }
0xbe: {  	s19 =	sor.u32 $0x410, s1;
	[tilespmem:$0x1FDA0] =	vst v3  }
0xbf: {  	v7 =	vld [tilespmem:s19+$0x0];
	_ =	sdelay $0x3  }
0xc0: {  	s11 =	sor.u32 $0x400, s1  }
0xc1: {  	v24 =	vmov v38;
	s20 =	sor.u32 $0x420, s1;
	v38 =	vld [tilespmem:s11+$0x0];
	[tilespmem:$0x1FDD0] =	vst v7  }
0xc2: {  	v11 =	vld [tilespmem:s20+$0x0];
	_ =	sdelay $0x4  }
0xc3: {  	s22 =	sor.u32 $0x430, s1;
	[tilespmem:$0x1FDE0] =	vst v11  }
0xc4: {  	v4 =	vld [tilespmem:s22+$0x0];
	_ =	sdelay $0x4  }
0xc5: {  	s23 =	sor.u32 $0x440, s1;
	[tilespmem:$0x1FDF0] =	vst v4  }
0xc6: {  	v20 =	vld [tilespmem:s23+$0x0];
	_ =	sdelay $0x3  }
0xc7: {  	v3 =	vperm.xlane v2, v62  }
0xc8: {  	s24 =	sor.u32 $0x450, s1;
	[tilespmem:$0x1FE00] =	vst v20  }
0xc9: {  	v3 =	vadd.f32 v2, v3;
	v2 =	vld [tilespmem:s24+$0x0];
	_ =	sdelay $0x4  }
0xca: {  	v29 =	vld [tilespmem:$0x1FF90];
	s30 =	sor.u32 $0x460, s1;
	[tilespmem:$0x1FE10] =	vst v2  }
0xcb: {  	v25 =	vmov v37;
	v37 =	vld [tilespmem:s30+$0x0];
	_ =	sdelay $0x3  }
0xcc: {  	v62 =	vperm.xlane v3, v29  }
0xcd: {  	v12 =	vld [tilespmem:$0x1FFA0];
	s1 =	sor.u32 $0x470, s1;
	[tilespmem:$0x1FE20] =	vst v37  }
0xce: {  	v5 =	vadd.f32 v3, v62;
	v62 =	vld [tilespmem:s1+$0x0];
	_ =	sdelay $0x3  }
0xcf: {  	v61 =	vperm.xlane v5, v12  }
0xd0: {  	[tilespmem:$0x1FE30] =	vst v62  }
0xd1: {  	v14 =	vadd.f32 v5, v61;
	v48 =	vld [tilespmem:s0+$0x0]  }
0xd2: {  	v46 =	vld [tilespmem:s0+$0x10]  }
0xd3: {  	v23 =	vmov v35;
	v30 =	vmov v55;
	v16 =	vperm.xlane v14, v55;
	v19 =	vld [tilespmem:s0+$0x20]  }
0xd4: {  	v9 =	vmovc v53;
	v6 =	vmovc v52;
	v8 =	vmov v58;
	v52 =	vmul.f32 v7, v23;
	v53 =	vmul.f32 v11, v54;
	v17 =	vld [tilespmem:s0+$0x30]  }
0xd5: {  	v7 =	vmovc v56;
	v55 =	vmul.f32 v20, v24;
	v56 =	vmul.f32 v2, v58;
	v58 =	vadd.f32 v14, v16;
	v20 =	vld [tilespmem:s0+$0x40]  }
0xd6: {  	v3 =	vmovc v54;
	v54 =	vmul.f32 v4, v57;
	v4 =	vmov v57;
	v57 =	vmul.f32 v37, v59;
	v16 =	vld [tilespmem:s0+$0x50]  }
0xd7: {  	v22 =	vmovc v34;
	v35 =	vmovc v12;
	v12 =	vmov v60;
	v37 =	vld [tilespmem:s0+$0x60];
	v60 =	vmul.f32 v48, v34;
	v34 =	vmul.f32 v58, v15  }
0xd8: {  	v5 =	vmov v51;
	v51 =	vmul.f32 v38, v63;
	v0 =	vmul.f32 v58, v41;
	v15 =	vld [tilespmem:s0+$0x70]  }
0xd9: {  	v50 =	vmul.f32 v58, v50;
	[tilespmem:s5+$0x0] =	vst.add.f32.msk $0xffff, v34  }
0xda: {  	v11 =	vmov v59;
	v51 =	vadd.f32 v52, v51;
	v49 =	vmul.f32 v58, v49;
	[tilespmem:s6+$0x0] =	vst.add.f32.msk $0xffff, v0  }
0xdb: {  	v53 =	vadd.f32 v54, v53;
	v47 =	vmul.f32 v58, v47;
	v59 =	vmul.f32 v62, v21;
	[tilespmem:s7+$0x0] =	vst.add.f32.msk $0xffff, v50  }
0xdc: {  	s31 =	sor.u32 $0x460, s2;
	v55 =	vadd.f32 v56, v55;
	v45 =	vmul.f32 v58, v45;
	v61 =	vmul.f32 v46, v25;
	v2 =	vld [tilespmem:$0x1FEA0]  }
0xdd: {  	v14 =	vld [tilespmem:s31+$0x0];
	v56 =	vadd.f32 v59, v57;
	v59 =	vmul.f32 v33, v63;
	v28 =	vmul.f32 v19, v5  }
0xde: {  	v34 =	vadd.f32 v61, v60;
	v60 =	vadd.f32 v53, v51;
	v51 =	vmul.f32 v31, v63;
	v31 =	vld [tilespmem:s0+$0x90]  }
0xdf: {  	v52 =	vmul.f32 v17, v6;
	v63 =	vmul.f32 v58, v42;
	v42 =	vld [tilespmem:s0+$0xE0]  }
0xe0: {  	v54 =	vmul.f32 v20, v9;
	v0 =	vmul.f32 v16, v7;
	[tilespmem:s9+$0x0] =	vst.add.f32.msk $0xffff, v49  }
0xe1: {  	v62 =	vmul.f32 v15, v12;
	v49 =	vld [tilespmem:s0+$0xC0];
	v50 =	vmul.f32 v37, v2  }
0xe2: {  	v18 =	vmul.f32 v58, v18;
	v52 =	vadd.f32 v52, v28;
	[tilespmem:s10+$0x0] =	vst.add.f32.msk $0xffff, v47  }
0xe3: {  	v13 =	vmul.f32 v58, v13;
	v0 =	vadd.f32 v0, v54;
	[tilespmem:s12+$0x0] =	vst.add.f32.msk $0xffff, v45;
	v57 =	vadd.f32 v62, v50  }
0xe4: {  	v61 =	vadd.f32 v56, v55;
	[tilespmem:s13+$0x0] =	vst.add.f32.msk $0xffff, v18  }
0xe5: {  	[tilespmem:s14+$0x0] =	vst.add.f32.msk $0xffff, v13;
	v62 =	vadd.f32 v52, v34;
	v0 =	vadd.f32 v57, v0  }
0xe6: {  	v57 =	vmul.f32 v1, v21;
	v1 =	vld [tilespmem:$0x1FFE0]  }
0xe7: {  	v56 =	vmul.f32 v10, v11;
	v47 =	vld [tilespmem:s0+$0xB0];
	v13 =	vadd.f32 v61, v60;
	v0 =	vadd.f32 v0, v62  }
0xe8: {  	v10 =	vmul.f32 v58, v26;
	v54 =	vmul.f32 v39, v24;
	v39 =	vld [tilespmem:$0x1FD50]  }
0xe9: {  	v52 =	vmul.f32 v40, v23;
	v40 =	vld [tilespmem:$0x1FD40];
	v0 =	vadd.f32 v13, v0  }
0xea: {  	[tilespmem:s15+$0x0] =	vst.add.f32.msk $0xffff, v10  }
0xeb: {  	v44 =	vmul.f32 v58, v44;
	v18 =	vperm.xlane v0, v1;
	v1 =	vld [tilespmem:$0x1FD60]  }
0xec: {  	v51 =	vadd.f32 v52, v51;
	v52 =	vmul.f32 v58, v27;
	[tilespmem:s16+$0x0] =	vst.add.f32.msk $0xffff, v63  }
0xed: {  	v43 =	vmul.f32 v58, v43;
	[tilespmem:s17+$0x0] =	vst.add.f32.msk $0xffff, v44  }
0xee: {  	[tilespmem:s18+$0x0] =	vst.add.f32.msk $0xffff, v52  }
0xef: {  	[tilespmem:s25+$0x0] =	vst.add.f32.msk $0xffff, v43  }
0xf0: {  	v10 =	vmul.f32 v58, v1;
	v1 =	vld [tilespmem:$0x1FEA0]  }
0xf1: {  	v45 =	vld [tilespmem:s0+$0xA0];
	v0 =	vadd.f32 v0, v18  }
0xf2: {  	v34 =	vld [tilespmem:s0+$0x80]  }
0xf3: {  	v13 =	vld [tilespmem:s0+$0xD0];
	v18 =	vperm.xlane v0, v29  }
0xf4: {  	v53 =	vmul.f32 v32, v4;
	v50 =	vmul.f32 v40, v3;
	[tilespmem:s26+$0x0] =	vst.add.f32.msk $0xffff, v10  }
0xf5: {  	v55 =	vmul.f32 v39, v8;
	v0 =	vadd.f32 v0, v18;
	v43 =	vmul.f32 v42, v1;
	v1 =	vld [tilespmem:$0x1FDB0]  }
0xf6: {  	v61 =	vmul.f32 v36, v23;
	v60 =	vmul.f32 v31, v25;
	v23 =	vld [tilespmem:s0+$0xF0];
	v50 =	vadd.f32 v53, v50  }
0xf7: {  	s2 =	sor.u32 $0x470, s2;
	v54 =	vadd.f32 v55, v54;
	v55 =	vmul.f32 v34, v22;
	v18 =	vperm.xlane v0, v35;
	v28 =	vld [tilespmem:$0x1FD80]  }
0xf8: {  	v41 =	vld [tilespmem:s2+$0x0];
	v50 =	vadd.f32 v50, v51;
	v44 =	vmul.f32 v45, v5;
	v51 =	vmul.f32 v47, v6  }
0xf9: {  	v52 =	vmul.f32 v49, v9;
	v53 =	vmul.f32 v13, v7;
	v0 =	vadd.f32 v0, v18;
	v18 =	vld [tilespmem:$0x1FD90]  }
0xfa: {  	v55 =	vadd.f32 v60, v55;
	v44 =	vadd.f32 v51, v44;
	v27 =	vmul.f32 v58, v1;
	v1 =	vld [tilespmem:$0x1FDC0]  }
0xfb: {  	v56 =	vadd.f32 v57, v56;
	v57 =	vmul.f32 v23, v12;
	v60 =	vld [tilespmem:s0+$0x120];
	v52 =	vadd.f32 v53, v52  }
0xfc: {  	v44 =	vadd.f32 v44, v55;
	v55 =	vld [tilespmem:s0+$0x130];
	v53 =	vmul.f32 v28, v4;
	v4 =	vperm.xlane v0, v30  }
0xfd: {  	v2 =	vmov v35;
	v35 =	vld [tilespmem:$0x1FD70]  }
0xfe: {  	v43 =	vadd.f32 v57, v43;
	v57 =	vmul.f32 v18, v24;
	v24 =	vld [tilespmem:$0x1FDA0];
	v0 =	vadd.f32 v0, v4  }
0xff: {  	v62 =	vmul.f32 v14, v11;
	[tilespmem:s28+$0x0] =	vst.add.f32.msk $0xffff, v27;
	v26 =	vmul.f32 v58, v1  }
0x100: {  	v11 =	vmovc v14;
	v54 =	vadd.f32 v56, v54;
	v43 =	vadd.f32 v43, v52;
	v27 =	vmul.f32 v0, v48;
	v14 =	vld [tilespmem:$0x1FFE0]  }
0x101: {  	[tilespmem:s29+$0x0] =	vst.add.f32.msk $0xffff, v26;
	v26 =	vmul.f32 v0, v46  }
0x102: {  	v50 =	vadd.f32 v54, v50;
	v43 =	vadd.f32 v43, v44;
	[tilespmem:s5+$0x0] =	vst.add.f32.msk $0xffff, v27  }
0x103: {  	v63 =	vmul.f32 v41, v21;
	v48 =	vmul.f32 v60, v5;
	[tilespmem:s6+$0x0] =	vst.add.f32.msk $0xffff, v26  }
0x104: {  	v19 =	vmul.f32 v0, v19;
	v17 =	vmul.f32 v0, v17;
	v43 =	vadd.f32 v50, v43;
	v5 =	vld [tilespmem:$0x1FEA0]  }
0x105: {  	v50 =	vadd.f32 v61, v59;
	v59 =	vmul.f32 v55, v6;
	v6 =	vadd.f32 v63, v62;
	v62 =	vld [tilespmem:$0x1FFE0]  }
0x106: {  	v20 =	vmul.f32 v0, v20;
	[tilespmem:s7+$0x0] =	vst.add.f32.msk $0xffff, v19  }
0x107: {  	v16 =	vmul.f32 v0, v16;
	[tilespmem:s9+$0x0] =	vst.add.f32.msk $0xffff, v17  }
0x108: {  	v37 =	vmul.f32 v0, v37;
	[tilespmem:s10+$0x0] =	vst.add.f32.msk $0xffff, v20  }
0x109: {  	v15 =	vmul.f32 v0, v15;
	[tilespmem:s12+$0x0] =	vst.add.f32.msk $0xffff, v16  }
0x10a: {  	[tilespmem:s13+$0x0] =	vst.add.f32.msk $0xffff, v37  }
0x10b: {  	[tilespmem:s14+$0x0] =	vst.add.f32.msk $0xffff, v15  }
0x10c: {  	v51 =	vmul.f32 v35, v3;
	v3 =	vld [tilespmem:$0x1FDD0];
	_ =	sdelay $0x1  }
0x10d: {  	v48 =	vadd.f32 v59, v48;
	v59 =	vmul.f32 v0, v38;
	_ =	sdelay $0x1  }
0x10e: {  	[tilespmem:s15+$0x0] =	vst.add.f32.msk $0xffff, v59  }
0x10f: {  	v63 =	vmul.f32 v0, v3;
	v3 =	vld [tilespmem:$0x1FDE0];
	_ =	sdelay $0x2  }
0x110: {  	v10 =	vld [tilespmem:s0+$0x100]  }
0x111: {  	[tilespmem:s16+$0x0] =	vst.add.f32.msk $0xffff, v63  }
0x112: {  	v20 =	vmul.f32 v0, v3;
	v3 =	vld [tilespmem:$0x1FDF0]  }
0x113: {  	v56 =	vld [tilespmem:s0+$0x110]  }
0x114: {  	v51 =	vadd.f32 v53, v51;
	v53 =	vld [tilespmem:s0+$0x170]  }
0x115: {  	v54 =	vmul.f32 v10, v22;
	v44 =	vld [tilespmem:s0+$0x150];
	v22 =	vperm.xlane v43, v14  }
0x116: {  	v52 =	vmul.f32 v24, v8;
	v8 =	vld [tilespmem:s0+$0x140]  }
0x117: {  	v27 =	vadd.f32 v43, v22;
	v22 =	vmul.f32 v0, v3;
	v3 =	vld [tilespmem:$0x1FE00]  }
0x118: {  	v58 =	vld [tilespmem:s0+$0x160];
	_ =	sdelay $0x1  }
0x119: {  	v1 =	vmul.f32 v56, v25;
	[tilespmem:s17+$0x0] =	vst.add.f32.msk $0xffff, v20  }
0x11a: {  	v4 =	vmul.f32 v44, v7;
	v52 =	vadd.f32 v52, v57;
	v57 =	vmul.f32 v8, v9;
	[tilespmem:s18+$0x0] =	vst.add.f32.msk $0xffff, v22  }
0x11b: {  	v7 =	vperm.xlane v27, v29;
	v37 =	vmul.f32 v0, v3;
	v3 =	vld [tilespmem:$0x1FE10]  }
0x11c: {  	v9 =	vmul.f32 v53, v12;
	v26 =	vmul.f32 v58, v5  }
0x11d: {  	v1 =	vadd.f32 v1, v54;
	v19 =	vadd.f32 v27, v7  }
0x11e: {  	v54 =	vadd.f32 v4, v57;
	v17 =	vadd.f32 v9, v26  }
0x11f: {  	v50 =	vadd.f32 v51, v50;
	v1 =	vadd.f32 v48, v1;
	v61 =	vperm.xlane v19, v2;
	[tilespmem:s25+$0x0] =	vst.add.f32.msk $0xffff, v37  }
0x120: {  	v57 =	vadd.f32 v6, v52;
	v17 =	vadd.f32 v17, v54;
	v43 =	vmul.f32 v0, v3;
	v3 =	vld [tilespmem:$0x1FE20]  }
0x121: {  	v19 =	vadd.f32 v19, v61;
	v48 =	vld [tilespmem:$0x1FE30]  }
0x122: {  	v21 =	vadd.f32 v57, v50;
	v1 =	vadd.f32 v17, v1  }
0x123: {  	v38 =	vperm.xlane v19, v30  }
0x124: {  	v1 =	vadd.f32 v21, v1  }
0x125: {  	v46 =	vadd.f32 v19, v38;
	v3 =	vmul.f32 v0, v3  }
0x126: {  	v50 =	vperm.xlane v1, v62;
	[tilespmem:s26+$0x0] =	vst.add.f32.msk $0xffff, v43;
	v0 =	vmul.f32 v0, v48  }
0x127: {  	[tilespmem:s28+$0x0] =	vst.add.f32.msk $0xffff, v3;
	v3 =	vmul.f32 v46, v34  }
0x128: {  	v1 =	vadd.f32 v1, v50;
	[tilespmem:s29+$0x0] =	vst.add.f32.msk $0xffff, v0;
	v0 =	vmul.f32 v46, v31  }
0x129: {  	[tilespmem:s5+$0x0] =	vst.add.f32.msk $0xffff, v3;
	v3 =	vmul.f32 v46, v45  }
0x12a: {  	v51 =	vmul.f32 v46, v47;
	[tilespmem:s6+$0x0] =	vst.add.f32.msk $0xffff, v0;
	v0 =	vperm.xlane v1, v29  }
0x12b: {  	[tilespmem:s7+$0x0] =	vst.add.f32.msk $0xffff, v3;
	v3 =	vmul.f32 v46, v49  }
0x12c: {  	v0 =	vadd.f32 v1, v0;
	[tilespmem:s9+$0x0] =	vst.add.f32.msk $0xffff, v51;
	v1 =	vmul.f32 v46, v13  }
0x12d: {  	[tilespmem:s10+$0x0] =	vst.add.f32.msk $0xffff, v3;
	v3 =	vmul.f32 v46, v42  }
0x12e: {  	[tilespmem:s12+$0x0] =	vst.add.f32.msk $0xffff, v1  }
0x12f: {  	v52 =	vmul.f32 v46, v23;
	[tilespmem:s13+$0x0] =	vst.add.f32.msk $0xffff, v3  }
0x130: {  	v1 =	vperm.xlane v0, v2;
	v2 =	vld [tilespmem:$0x1FE40]  }
0x131: {  	[tilespmem:s14+$0x0] =	vst.add.f32.msk $0xffff, v52  }
0x132: {  	v0 =	vadd.f32 v0, v1;
	v1 =	vld [tilespmem:$0x1FE50];
	_ =	sdelay $0x3  }
0x133: {  	v3 =	vmul.f32 v46, v2  }
0x134: {  	v1 =	vmul.f32 v46, v1  }
0x135: {  	[tilespmem:s15+$0x0] =	vst.add.f32.msk $0xffff, v3;
	v3 =	vmul.f32 v46, v40  }
0x136: {  	[tilespmem:s16+$0x0] =	vst.add.f32.msk $0xffff, v1  }
0x137: {  	v54 =	vmul.f32 v46, v32;
	[tilespmem:s17+$0x0] =	vst.add.f32.msk $0xffff, v3  }
0x138: {  	v1 =	vperm.xlane v0, v30;
	v2 =	vld [tilespmem:$0x1FE60]  }
0x139: {  	[tilespmem:s18+$0x0] =	vst.add.f32.msk $0xffff, v54  }
0x13a: {  	v57 =	vadd.f32 v0, v1;
	v1 =	vld [tilespmem:$0x1FE70];
	_ =	sdelay $0x2  }
0x13b: {  	v3 =	vmul.f32 v46, v2;
	v2 =	vld [tilespmem:$0x1FE80]  }
0x13c: {  	v0 =	vmul.f32 v46, v39  }
0x13d: {  	v1 =	vmul.f32 v46, v1;
	[tilespmem:s25+$0x0] =	vst.add.f32.msk $0xffff, v3  }
0x13e: {  	[tilespmem:s26+$0x0] =	vst.add.f32.msk $0xffff, v0;
	v0 =	vmul.f32 v57, v10  }
0x13f: {  	v61 =	vmul.f32 v57, v60;
	v3 =	vmul.f32 v57, v56;
	[tilespmem:s28+$0x0] =	vst.add.f32.msk $0xffff, v1  }
0x140: {  	v63 =	vmul.f32 v57, v55;
	v59 =	vmul.f32 v46, v2;
	[tilespmem:s5+$0x0] =	vst.add.f32.msk $0xffff, v0  }
0x141: {  	p1 =	sgt.u32 s21, $0x4;
	v34 =	vmul.f32 v57, v53;
	v33 =	vmul.f32 v57, v33;
	[tilespmem:s6+$0x0] =	vst.add.f32.msk $0xffff, v3  }
.Ltmp8:
0x142: {  	v32 =	vmul.f32 v57, v36;
	v31 =	vmul.f32 v57, v35;
	[tilespmem:s29+$0x0] =	vst.add.f32.msk $0xffff, v59;
	(pc) =	sbr.rel @!p1 .LBB2_7-.Ltmp8, $4  }
0x143: {  	v30 =	vmul.f32 v57, v28;
	v29 =	vmul.f32 v57, v18;
	[tilespmem:s7+$0x0] =	vst.add.f32.msk $0xffff, v61  }
0x144: {  	v28 =	vmul.f32 v57, v24;
	v2 =	vmul.f32 v57, v8;
	v36 =	vld [tilespmem:$0x1FEA0]  }
0x145: {  	v27 =	vmul.f32 v57, v11;
	v47 =	vmul.f32 v57, v41;
	[tilespmem:s9+$0x0] =	vst.add.f32.msk $0xffff, v63  }
0x146: {  	s4 =	simm.s32 $0x400;
	s8 =	simm.s32 $0x4;
	s11 =	simm.s32 $0x200;
	v1 =	vmul.f32 v57, v44;
	v0 =	vmul.f32 v57, v58;
	[tilespmem:s10+$0x0] =	vst.add.f32.msk $0xffff, v2  }
.LBB2_6:
0x147: {  	v37 =	vld [tilespmem:$0x1FEB0]  }
0x148: {  	v38 =	vld [tilespmem:$0x1FEE0]  }
0x149: {  	v39 =	vld [tilespmem:$0x1FEF0]  }
0x14a: {  	v40 =	vld [tilespmem:$0x1FF00]  }
0x14b: {  	v41 =	vld [tilespmem:$0x1FF10]  }
0x14c: {  	v42 =	vld [tilespmem:$0x1FF50]  }
0x14d: {  	v43 =	vld [tilespmem:$0x1FF70]  }
0x14e: {  	v21 =	vld [tilespmem:$0x1FF80]  }
0x14f: {  	v19 =	vld [tilespmem:$0x1FEC0]  }
0x150: {  	v20 =	vld [tilespmem:$0x1FF20]  }
0x151: {  	v22 =	vld [tilespmem:$0x1FF30]  }
0x152: {  	v24 =	vld [tilespmem:$0x1FED0]  }
0x153: {  	v25 =	vld [tilespmem:$0x1FF40]  }
0x154: {  	v35 =	vld [tilespmem:$0x1FF60]  }
0x155: {  	v26 =	vld [tilespmem:$0x1FE90]  }
0x156: {  	s0 =	sand.u32 $0x7FFFF800, s4;
	s1 =	sand.u32 $0x200, s11;
	[tilespmem:s12+$0x0] =	vst.add.f32.msk $0xffff, v1  }
0x157: {  	s0 =	sor.u32 s1, s0;
	[tilespmem:s13+$0x0] =	vst.add.f32.msk $0xffff, v0  }
0x158: {  	v2 =	vld [tilespmem:s0+$0x180]  }
0x159: {  	v0 =	vld [tilespmem:s0+$0x190]  }
0x15a: {  	p0 =	por !p0, !p0;
	s1 =	simm.s32 $0x1;
	v58 =	vld [tilespmem:s0+$0x1A0]  }
0x15b: {  	s1 =	simm.s32 @!p0 $0x0;
	v59 =	vld [tilespmem:s0+$0x1B0]  }
0x15c: {  	v56 =	vld [tilespmem:s0+$0x1C0];
	s1 =	sshll.u32 s1, $0x9  }
0x15d: {  	v52 =	vld [tilespmem:s0+$0x1D0];
	s1 =	sadd.s32 s1, s4  }
0x15e: {  	v51 =	vld [tilespmem:s0+$0x1E0];
	s5 =	sadd.s32 $0x180, s1  }
0x15f: {  	v53 =	vld [tilespmem:s0+$0x1F0];
	s6 =	sor.u32 $0x400, s5  }
0x160: {  	s30 =	sor.u32 $0x410, s5;
	v54 =	vld [tilespmem:s6+$0x0]  }
0x161: {  	s31 =	sor.u32 $0x420, s5;
	v57 =	vld [tilespmem:s30+$0x0]  }
0x162: {  	s7 =	sor.u32 $0x440, s5;
	v60 =	vld [tilespmem:s31+$0x0]  }
0x163: {  	s9 =	sor.u32 $0x450, s5;
	v4 =	vld [tilespmem:s7+$0x0]  }
0x164: {  	s12 =	sor.u32 $0x460, s5;
	v3 =	vld [tilespmem:s9+$0x0]  }
0x165: {  	s6 =	sor.u32 $0x430, s5;
	v1 =	vmul.f32 v2, v37;
	v5 =	vmul.f32 v0, v38;
	v7 =	vld [tilespmem:s12+$0x0]  }
0x166: {  	s2 =	sadd.s32 $0x80, s1;
	s31 =	sor.u32 $0x470, s5;
	v6 =	vmul.f32 v58, v39;
	v8 =	vmul.f32 v59, v40;
	v63 =	vld [tilespmem:s6+$0x0]  }
0x167: {  	s10 =	sor.u32 $0x400, s2;
	v9 =	vmul.f32 v56, v41;
	v11 =	vmul.f32 v52, v42;
	v10 =	vld [tilespmem:s31+$0x0]  }
0x168: {  	s22 =	sor.u32 $0x430, s2;
	v23 =	vld [tilespmem:s10+$0x0];
	v12 =	vmul.f32 v51, v36;
	v13 =	vmul.f32 v53, v43;
	v1 =	vadd.f32 v5, v1  }
0x169: {  	s20 =	sor.u32 $0x450, s2;
	v45 =	vld [tilespmem:s22+$0x0];
	v6 =	vadd.f32 v8, v6;
	v14 =	vmul.f32 v54, v21;
	v15 =	vmul.f32 v57, v19  }
0x16a: {  	s23 =	sor.u32 $0x410, s2;
	v48 =	vld [tilespmem:s20+$0x0];
	v9 =	vadd.f32 v11, v9;
	v5 =	vmul.f32 v60, v20;
	v55 =	vmul.f32 v4, v24  }
0x16b: {  	s24 =	sor.u32 $0x420, s2;
	v36 =	vld [tilespmem:s23+$0x0];
	v12 =	vadd.f32 v13, v12;
	v17 =	vmul.f32 v3, v25;
	v61 =	vmul.f32 v7, v35  }
0x16c: {  	s25 =	smov.u32 s21;
	s21 =	sor.u32 $0x440, s2;
	v44 =	vld [tilespmem:s24+$0x0];
	v1 =	vadd.f32 v6, v1;
	v16 =	vmul.f32 v63, v22;
	v18 =	vmul.f32 v10, v26  }
0x16d: {  	s3 =	sadd.s32 $0x100, s1;
	s19 =	sor.u32 $0x460, s2;
	v46 =	vld [tilespmem:s21+$0x0];
	[tilespmem:$0x1FC70] =	vst v23;
	v14 =	vadd.f32 v15, v14;
	v8 =	vadd.f32 v17, v55  }
0x16e: {  	s30 =	sor.u32 $0x450, s3;
	[tilespmem:$0x1FCA0] =	vst v45;
	v13 =	vmul.f32 v23, v21;
	v23 =	vld [tilespmem:s19+$0x0];
	v5 =	vadd.f32 v16, v5;
	v11 =	vadd.f32 v18, v61  }
0x16f: {  	s17 =	sor.u32 $0x400, s3;
	[tilespmem:$0x1FCC0] =	vst v48;
	v49 =	vmul.f32 v45, v22;
	v45 =	vmul.f32 v48, v25;
	v48 =	vld [tilespmem:s30+$0x0];
	v61 =	vadd.f32 v12, v9  }
0x170: {  	s15 =	sor.u32 $0x410, s3;
	v17 =	vld [tilespmem:s17+$0x0];
	v5 =	vadd.f32 v5, v14;
	v8 =	vadd.f32 v11, v8  }
0x171: {  	s18 =	sor.u32 $0x470, s2;
	[tilespmem:$0x1FC90] =	vst v44;
	v55 =	vmul.f32 v44, v20;
	v44 =	vld [tilespmem:s15+$0x0]  }
0x172: {  	s16 =	sor.u32 $0x420, s3;
	v18 =	vld [tilespmem:s18+$0x0];
	v1 =	vadd.f32 v61, v1;
	v5 =	vadd.f32 v8, v5  }
0x173: {  	s13 =	sor.u32 $0x430, s3;
	v15 =	vld [tilespmem:s16+$0x0]  }
0x174: {  	s7 =	sor.u32 $0x460, s3;
	[tilespmem:$0x1FC80] =	vst v36;
	v50 =	vmul.f32 v46, v24;
	v61 =	vld [tilespmem:s13+$0x0];
	v1 =	vadd.f32 v5, v1  }
0x175: {  	s9 =	sor.u32 $0x470, s3;
	[tilespmem:$0x1FCB0] =	vst v46;
	v55 =	vadd.f32 v49, v55;
	v49 =	vld [tilespmem:s7+$0x0]  }
0x176: {  	s14 =	sor.u32 $0x440, s3;
	v36 =	vmul.f32 v36, v19;
	[tilespmem:$0x1FCD0] =	vst v23;
	v11 =	vadd.f32 v45, v50;
	v50 =	vld [tilespmem:s9+$0x0];
	v45 =	vperm.xlane v1, v62  }
0x177: {  	v46 =	vmul.f32 v23, v35;
	[tilespmem:$0x1FCE0] =	vst v18;
	v23 =	vmul.f32 v18, v26;
	v18 =	vld [tilespmem:s14+$0x0]  }
0x178: {  	s5 =	sor.u32 $0x430, s1;
	v36 =	vadd.f32 v36, v13;
	v12 =	vadd.f32 v1, v45;
	v45 =	vld [tilespmem:$0x1FF90]  }
0x179: {  	s12 =	sor.u32 $0x420, s1;
	[tilespmem:$0x1FD00] =	vst v44;
	v5 =	vld [tilespmem:s5+$0x0];
	v6 =	vadd.f32 v23, v46;
	v46 =	vmul.f32 v15, v20;
	v23 =	vmul.f32 v61, v22  }
0x17a: {  	s6 =	sor.u32 $0x400, s1;
	v8 =	vadd.f32 v55, v36;
	v36 =	vmul.f32 v17, v21;
	v44 =	vmul.f32 v44, v19;
	[tilespmem:$0x1FD20] =	vst v61;
	v61 =	vld [tilespmem:s12+$0x0]  }
0x17b: {  	s3 =	sor.u32 $0x410, s1;
	v55 =	vld [tilespmem:s6+$0x0];
	v13 =	vadd.f32 v23, v46;
	v46 =	vmul.f32 v49, v35;
	v23 =	vmul.f32 v50, v26  }
0x17c: {  	v9 =	vadd.f32 v44, v36;
	v62 =	vld [tilespmem:s3+$0x0]  }
0x17d: {  	s10 =	sor.u32 $0x460, s1;
	v1 =	vadd.f32 v6, v11;
	v16 =	vadd.f32 v23, v46;
	v46 =	vld [tilespmem:$0x1FFA0];
	v44 =	vperm.xlane v12, v45  }
0x17e: {  	s31 =	sor.u32 $0x440, s1;
	[tilespmem:$0x1FD30] =	vst v18;
	v6 =	vmul.f32 v18, v24;
	v18 =	vadd.f32 v13, v9;
	v9 =	vld [tilespmem:s10+$0x0];
	v22 =	vmul.f32 v5, v22  }
0x17f: {  	s2 =	sor.u32 $0x450, s1;
	v11 =	vadd.f32 v1, v8;
	v1 =	vld [tilespmem:s31+$0x0];
	v12 =	vadd.f32 v12, v44;
	v44 =	vmul.f32 v61, v20  }
0x180: {  	v36 =	vmul.f32 v48, v25;
	v8 =	vld [tilespmem:s2+$0x0]  }
0x181: {  	s1 =	sor.u32 $0x470, s1;
	v14 =	vmul.f32 v55, v21;
	v21 =	vadd.f32 v22, v44;
	v44 =	vld [tilespmem:$0x1FFF0]  }
0x182: {  	[tilespmem:$0x1FD10] =	vst v15;
	v15 =	vadd.f32 v36, v6;
	v6 =	vld [tilespmem:s1+$0x0];
	v36 =	vperm.xlane v12, v46  }
0x183: {  	v13 =	vmul.f32 v62, v19;
	v19 =	vld [tilespmem:s0+$0x10]  }
0x184: {  	[tilespmem:$0x1FCF0] =	vst v17;
	v20 =	vld [tilespmem:s0+$0x0];
	v17 =	vadd.f32 v12, v36  }
0x185: {  	v23 =	vadd.f32 v13, v14;
	v13 =	vld [tilespmem:s0+$0x30]  }
0x186: {  	v24 =	vmul.f32 v1, v24;
	v36 =	vadd.f32 v16, v15;
	v15 =	vld [tilespmem:s0+$0x20];
	v22 =	vperm.xlane v17, v44  }
0x187: {  	v16 =	vmul.f32 v8, v25;
	v25 =	vmul.f32 v9, v35;
	v21 =	vadd.f32 v21, v23  }
0x188: {  	v14 =	vld [tilespmem:s0+$0x40];
	v12 =	vadd.f32 v36, v18;
	v36 =	vmul.f32 v6, v26;
	v22 =	vadd.f32 v17, v22  }
0x189: {  	v23 =	vmul.f32 v19, v38;
	v24 =	vadd.f32 v16, v24;
	v16 =	vld [tilespmem:s0+$0x50];
	v26 =	vmul.f32 v20, v37  }
0x18a: {  	v18 =	vld [tilespmem:s0+$0x70];
	v25 =	vadd.f32 v36, v25;
	v36 =	vmul.f32 v13, v40;
	v2 =	vmul.f32 v22, v2  }
0x18b: {  	s5 =	simm.s32 $0x8100;
	v17 =	vld [tilespmem:s0+$0x60];
	v35 =	vmul.f32 v15, v39;
	v0 =	vmul.f32 v22, v0  }
0x18c: {  	s6 =	simm.s32 $0x8110;
	[tilespmem:s5+$0x0] =	vst.add.f32.msk $0xffff, v2  }
0x18d: {  	v23 =	vadd.f32 v23, v26;
	v35 =	vadd.f32 v36, v35;
	[tilespmem:s6+$0x0] =	vst.add.f32.msk $0xffff, v0  }
0x18e: {  	v0 =	vmul.f32 v22, v59;
	v59 =	vld [tilespmem:$0x1FEA0]  }
0x18f: {  	v2 =	vmul.f32 v22, v58;
	v23 =	vadd.f32 v35, v23;
	v35 =	vld [tilespmem:$0x1FFE0]  }
0x190: {  	s7 =	simm.s32 $0x8120;
	v24 =	vadd.f32 v25, v24;
	v58 =	vld [tilespmem:s0+$0xD0]  }
0x191: {  	s9 =	simm.s32 $0x8130;
	v26 =	vmul.f32 v14, v41;
	v25 =	vmul.f32 v16, v42;
	[tilespmem:s7+$0x0] =	vst.add.f32.msk $0xffff, v2  }
0x192: {  	v21 =	vadd.f32 v24, v21;
	v24 =	vmul.f32 v18, v43;
	v2 =	vmul.f32 v22, v56;
	[tilespmem:s9+$0x0] =	vst.add.f32.msk $0xffff, v0  }
0x193: {  	s10 =	simm.s32 $0x8140;
	v0 =	vmul.f32 v22, v52;
	v52 =	vld [tilespmem:s0+$0x90];
	v36 =	vmul.f32 v17, v59  }
0x194: {  	s12 =	simm.s32 $0x8150;
	[tilespmem:s10+$0x0] =	vst.add.f32.msk $0xffff, v2;
	v2 =	vmul.f32 v22, v51  }
0x195: {  	s13 =	simm.s32 $0x8160;
	v25 =	vadd.f32 v25, v26;
	[tilespmem:s12+$0x0] =	vst.add.f32.msk $0xffff, v0;
	v0 =	vmul.f32 v22, v53;
	v24 =	vadd.f32 v24, v36  }
0x196: {  	s14 =	simm.s32 $0x8170;
	[tilespmem:s13+$0x0] =	vst.add.f32.msk $0xffff, v2;
	v2 =	vmul.f32 v22, v54  }
0x197: {  	s15 =	simm.s32 $0x8180;
	[tilespmem:s14+$0x0] =	vst.add.f32.msk $0xffff, v0;
	v0 =	vmul.f32 v22, v57;
	v24 =	vadd.f32 v24, v25  }
0x198: {  	s16 =	simm.s32 $0x8190;
	[tilespmem:s15+$0x0] =	vst.add.f32.msk $0xffff, v2;
	v2 =	vmul.f32 v22, v60  }
0x199: {  	s17 =	simm.s32 $0x81A0;
	[tilespmem:s16+$0x0] =	vst.add.f32.msk $0xffff, v0;
	v0 =	vmul.f32 v22, v63;
	v23 =	vadd.f32 v24, v23  }
0x19a: {  	s18 =	simm.s32 $0x81B0;
	[tilespmem:s17+$0x0] =	vst.add.f32.msk $0xffff, v2;
	v2 =	vmul.f32 v22, v4  }
0x19b: {  	s21 =	smov.u32 s25;
	s25 =	simm.s32 $0x81C0;
	[tilespmem:s18+$0x0] =	vst.add.f32.msk $0xffff, v0;
	v0 =	vmul.f32 v22, v3;
	v3 =	vadd.f32 v21, v23  }
0x19c: {  	[tilespmem:s25+$0x0] =	vst.add.f32.msk $0xffff, v2;
	v2 =	vmul.f32 v22, v7  }
0x19d: {  	[tilespmem:s26+$0x0] =	vst.add.f32.msk $0xffff, v0;
	v0 =	vmul.f32 v22, v10;
	v4 =	vperm.xlane v3, v35  }
0x19e: {  	[tilespmem:s28+$0x0] =	vst.add.f32.msk $0xffff, v2  }
0x19f: {  	[tilespmem:s29+$0x0] =	vst.add.f32.msk $0xffff, v0;
	v0 =	vadd.f32 v3, v4  }
0x1a0: {  	v51 =	vld [tilespmem:s0+$0x80]  }
0x1a1: {  	v53 =	vld [tilespmem:s0+$0xA0];
	v2 =	vperm.xlane v0, v45  }
0x1a2: {  	v57 =	vld [tilespmem:s0+$0xB0]  }
0x1a3: {  	v54 =	vld [tilespmem:s0+$0xC0];
	v0 =	vadd.f32 v0, v2  }
0x1a4: {  	v59 =	vld [tilespmem:s0+$0xF0];
	v36 =	vmul.f32 v52, v38  }
0x1a5: {  	v60 =	vld [tilespmem:s0+$0xE0];
	v2 =	vmul.f32 v51, v37;
	v3 =	vperm.xlane v0, v46  }
0x1a6: {  	v56 =	vmul.f32 v53, v39;
	v4 =	vld [tilespmem:s0+$0x130]  }
0x1a7: {  	v63 =	vadd.f32 v36, v2;
	v2 =	vld [tilespmem:s0+$0x110];
	v10 =	vadd.f32 v0, v3;
	v3 =	vmul.f32 v57, v40  }
0x1a8: {  	v0 =	vld [tilespmem:s0+$0x100]  }
0x1a9: {  	v7 =	vadd.f32 v3, v56;
	v3 =	vld [tilespmem:s0+$0x120]  }
0x1aa: {  	v36 =	vperm.xlane v10, v44;
	v56 =	vld [tilespmem:$0x1FEA0]  }
0x1ab: {  	v21 =	vadd.f32 v7, v63;
	v7 =	vld [tilespmem:s0+$0x140]  }
0x1ac: {  	v24 =	vmul.f32 v58, v42;
	v35 =	vmul.f32 v54, v41;
	v23 =	vadd.f32 v10, v36;
	v10 =	vld [tilespmem:s0+$0x150]  }
0x1ad: {  	v36 =	vld [tilespmem:$0x1FEA0]  }
0x1ae: {  	v22 =	vadd.f32 v24, v35;
	v35 =	vmul.f32 v23, v20;
	v20 =	vld [tilespmem:s0+$0x170]  }
0x1af: {  	v25 =	vmul.f32 v60, v56;
	v56 =	vld [tilespmem:s0+$0x160]  }
0x1b0: {  	[tilespmem:s14+$0x0] =	vst.add.f32.msk $0xffff, v34  }
0x1b1: {  	[tilespmem:s15+$0x0] =	vst.add.f32.msk $0xffff, v33  }
0x1b2: {  	v19 =	vmul.f32 v23, v19;
	[tilespmem:s5+$0x0] =	vst.add.f32.msk $0xffff, v35  }
0x1b3: {  	[tilespmem:s16+$0x0] =	vst.add.f32.msk $0xffff, v32  }
0x1b4: {  	v26 =	vmul.f32 v59, v43;
	v15 =	vmul.f32 v23, v15;
	[tilespmem:s6+$0x0] =	vst.add.f32.msk $0xffff, v19  }
0x1b5: {  	[tilespmem:s17+$0x0] =	vst.add.f32.msk $0xffff, v31  }
0x1b6: {  	v24 =	vmul.f32 v0, v37;
	v13 =	vmul.f32 v23, v13;
	v25 =	vadd.f32 v26, v25;
	[tilespmem:s7+$0x0] =	vst.add.f32.msk $0xffff, v15  }
0x1b7: {  	v14 =	vmul.f32 v23, v14;
	v26 =	vmul.f32 v2, v38;
	[tilespmem:s18+$0x0] =	vst.add.f32.msk $0xffff, v30  }
0x1b8: {  	v63 =	vmul.f32 v3, v39;
	v22 =	vadd.f32 v25, v22;
	v25 =	vmul.f32 v4, v40;
	[tilespmem:s9+$0x0] =	vst.add.f32.msk $0xffff, v13  }
0x1b9: {  	v24 =	vadd.f32 v26, v24;
	v26 =	vmul.f32 v7, v41;
	v41 =	vmul.f32 v10, v42;
	[tilespmem:s25+$0x0] =	vst.add.f32.msk $0xffff, v29  }
0x1ba: {  	v31 =	vmul.f32 v20, v43;
	v42 =	vmul.f32 v56, v36;
	[tilespmem:s10+$0x0] =	vst.add.f32.msk $0xffff, v14;
	v25 =	vadd.f32 v25, v63  }
0x1bb: {  	v16 =	vmul.f32 v23, v16;
	v21 =	vadd.f32 v22, v21;
	v22 =	vadd.f32 v41, v26;
	[tilespmem:s26+$0x0] =	vst.add.f32.msk $0xffff, v28  }
0x1bc: {  	v43 =	vadd.f32 v31, v42;
	v24 =	vadd.f32 v25, v24;
	v25 =	vld [tilespmem:$0x1FFE0]  }
0x1bd: {  	[tilespmem:s12+$0x0] =	vst.add.f32.msk $0xffff, v16  }
0x1be: {  	v17 =	vmul.f32 v23, v17;
	[tilespmem:s28+$0x0] =	vst.add.f32.msk $0xffff, v27;
	v11 =	vadd.f32 v11, v21;
	v21 =	vadd.f32 v43, v22  }
0x1bf: {  	v27 =	vmul.f32 v23, v62;
	v62 =	vld [tilespmem:$0x1FFE0]  }
0x1c0: {  	v18 =	vmul.f32 v23, v18;
	v61 =	vmul.f32 v23, v61;
	[tilespmem:s13+$0x0] =	vst.add.f32.msk $0xffff, v17;
	v63 =	vadd.f32 v21, v24  }
0x1c1: {  	v5 =	vmul.f32 v23, v5;
	[tilespmem:s29+$0x0] =	vst.add.f32.msk $0xffff, v47;
	v25 =	vperm.xlane v11, v25  }
0x1c2: {  	v1 =	vmul.f32 v23, v1;
	v26 =	vmul.f32 v23, v55;
	[tilespmem:s14+$0x0] =	vst.add.f32.msk $0xffff, v18;
	v12 =	vadd.f32 v12, v63  }
0x1c3: {  	v8 =	vmul.f32 v23, v8;
	v9 =	vmul.f32 v23, v9;
	v47 =	vld [tilespmem:$0x1FCA0];
	v11 =	vadd.f32 v11, v25  }
0x1c4: {  	v6 =	vmul.f32 v23, v6;
	[tilespmem:s15+$0x0] =	vst.add.f32.msk $0xffff, v26;
	v23 =	vperm.xlane v12, v62  }
0x1c5: {  	[tilespmem:s16+$0x0] =	vst.add.f32.msk $0xffff, v27;
	v21 =	vperm.xlane v11, v45  }
0x1c6: {  	[tilespmem:s17+$0x0] =	vst.add.f32.msk $0xffff, v61;
	v12 =	vadd.f32 v12, v23  }
0x1c7: {  	v61 =	vld [tilespmem:$0x1FD20];
	v11 =	vadd.f32 v11, v21  }
0x1c8: {  	[tilespmem:s18+$0x0] =	vst.add.f32.msk $0xffff, v5;
	v13 =	vperm.xlane v12, v45  }
0x1c9: {  	[tilespmem:s25+$0x0] =	vst.add.f32.msk $0xffff, v1;
	v32 =	vperm.xlane v11, v46  }
0x1ca: {  	v63 =	vld [tilespmem:$0x1FD30];
	v33 =	vadd.f32 v12, v13  }
0x1cb: {  	[tilespmem:s26+$0x0] =	vst.add.f32.msk $0xffff, v8;
	v11 =	vadd.f32 v11, v32  }
0x1cc: {  	[tilespmem:s28+$0x0] =	vst.add.f32.msk $0xffff, v9;
	v34 =	vperm.xlane v33, v46  }
0x1cd: {  	[tilespmem:s29+$0x0] =	vst.add.f32.msk $0xffff, v6;
	v14 =	vperm.xlane v11, v44  }
0x1ce: {  	v45 =	vld [tilespmem:$0x1FC80];
	v5 =	vadd.f32 v33, v34  }
0x1cf: {  	v46 =	vld [tilespmem:$0x1FC90];
	v1 =	vadd.f32 v11, v14  }
0x1d0: {  	v42 =	vperm.xlane v5, v44;
	v44 =	vld [tilespmem:$0x1FC70]  }
0x1d1: {  	v35 =	vmul.f32 v1, v51;
	v51 =	vld [tilespmem:$0x1FCB0]  }
0x1d2: {  	v11 =	vmul.f32 v1, v52;
	v52 =	vld [tilespmem:$0x1FCC0]  }
0x1d3: {  	v37 =	vmul.f32 v1, v53;
	v53 =	vld [tilespmem:$0x1FCD0]  }
0x1d4: {  	v39 =	vmul.f32 v1, v54;
	v54 =	vld [tilespmem:$0x1FCE0]  }
0x1d5: {  	v40 =	vmul.f32 v1, v58;
	v58 =	vld [tilespmem:$0x1FCF0]  }
0x1d6: {  	v43 =	vmul.f32 v1, v59;
	v59 =	vld [tilespmem:$0x1FD00]  }
0x1d7: {  	v41 =	vmul.f32 v1, v60;
	v5 =	vadd.f32 v5, v42;
	v60 =	vld [tilespmem:$0x1FD10]  }
0x1d8: {  	[tilespmem:s5+$0x0] =	vst.add.f32.msk $0xffff, v35  }
0x1d9: {  	v55 =	vmul.f32 v5, v0;
	[tilespmem:s6+$0x0] =	vst.add.f32.msk $0xffff, v11  }
0x1da: {  	v38 =	vmul.f32 v1, v57;
	[tilespmem:s7+$0x0] =	vst.add.f32.msk $0xffff, v37  }
0x1db: {  	v2 =	vmul.f32 v5, v2;
	[tilespmem:s5+$0x0] =	vst.add.f32.msk $0xffff, v55  }
0x1dc: {  	[tilespmem:s9+$0x0] =	vst.add.f32.msk $0xffff, v38  }
0x1dd: {  	v3 =	vmul.f32 v5, v3;
	[tilespmem:s6+$0x0] =	vst.add.f32.msk $0xffff, v2  }
0x1de: {  	[tilespmem:s10+$0x0] =	vst.add.f32.msk $0xffff, v39  }
0x1df: {  	v4 =	vmul.f32 v5, v4;
	[tilespmem:s7+$0x0] =	vst.add.f32.msk $0xffff, v3  }
0x1e0: {  	[tilespmem:s12+$0x0] =	vst.add.f32.msk $0xffff, v40  }
0x1e1: {  	v57 =	vmul.f32 v5, v7;
	[tilespmem:s9+$0x0] =	vst.add.f32.msk $0xffff, v4  }
0x1e2: {  	[tilespmem:s13+$0x0] =	vst.add.f32.msk $0xffff, v41  }
0x1e3: {  	v14 =	vmul.f32 v1, v44;
	[tilespmem:s10+$0x0] =	vst.add.f32.msk $0xffff, v57  }
0x1e4: {  	v12 =	vmul.f32 v1, v45;
	v15 =	vmul.f32 v1, v46;
	[tilespmem:s14+$0x0] =	vst.add.f32.msk $0xffff, v43  }
0x1e5: {  	v8 =	vmul.f32 v1, v47;
	v0 =	vmul.f32 v5, v56;
	[tilespmem:s15+$0x0] =	vst.add.f32.msk $0xffff, v14  }
0x1e6: {  	s8 =	sadd.s32 $0x4, s8;
	v34 =	vmul.f32 v5, v20;
	v30 =	vmul.f32 v5, v61;
	[tilespmem:s16+$0x0] =	vst.add.f32.msk $0xffff, v12  }
0x1e7: {  	p1 =	slt.u32 s8, s21;
	v29 =	vmul.f32 v5, v63;
	v13 =	vmul.f32 v1, v51;
	[tilespmem:s17+$0x0] =	vst.add.f32.msk $0xffff, v15  }
.Ltmp9:
0x1e8: {  	v28 =	vmul.f32 v5, v48;
	v9 =	vmul.f32 v1, v52;
	[tilespmem:s18+$0x0] =	vst.add.f32.msk $0xffff, v8;
	(pc) =	sbr.rel @p1 .LBB2_6-.Ltmp9, $4  }
0x1e9: {  	v27 =	vmul.f32 v5, v49;
	v16 =	vmul.f32 v1, v53;
	[tilespmem:s25+$0x0] =	vst.add.f32.msk $0xffff, v13  }
0x1ea: {  	v47 =	vmul.f32 v5, v50;
	v11 =	vmul.f32 v1, v54;
	[tilespmem:s26+$0x0] =	vst.add.f32.msk $0xffff, v9  }
0x1eb: {  	v1 =	vmul.f32 v5, v10;
	v33 =	vmul.f32 v5, v58;
	[tilespmem:s28+$0x0] =	vst.add.f32.msk $0xffff, v16  }
0x1ec: {  	s11 =	sadd.s32 $0x200, s11;
	s4 =	sadd.s32 $0x400, s4;
	v32 =	vmul.f32 v5, v59;
	v31 =	vmul.f32 v5, v60;
	[tilespmem:s29+$0x0] =	vst.add.f32.msk $0xffff, v11  }
.LBB2_7:
0x1ed: {  	_ = 	snop  }
0x1ee: {  	[tilespmem:s12+$0x0] =	vst.add.f32.msk $0xffff, v1  }
0x1ef: {  	[tilespmem:s13+$0x0] =	vst.add.f32.msk $0xffff, v0  }
0x1f0: {  	[tilespmem:s14+$0x0] =	vst.add.f32.msk $0xffff, v34  }
0x1f1: {  	[tilespmem:s15+$0x0] =	vst.add.f32.msk $0xffff, v33  }
0x1f2: {  	[tilespmem:s16+$0x0] =	vst.add.f32.msk $0xffff, v32  }
0x1f3: {  	[tilespmem:s17+$0x0] =	vst.add.f32.msk $0xffff, v31  }
0x1f4: {  	[tilespmem:s18+$0x0] =	vst.add.f32.msk $0xffff, v30  }
0x1f5: {  	[tilespmem:s25+$0x0] =	vst.add.f32.msk $0xffff, v29  }
0x1f6: {  	[tilespmem:s26+$0x0] =	vst.add.f32.msk $0xffff, v28  }
0x1f7: {  	[tilespmem:s28+$0x0] =	vst.add.f32.msk $0xffff, v27  }
0x1f8: {  	[tilespmem:s29+$0x0] =	vst.add.f32.msk $0xffff, v47  }
0x1f9: {  	v31 =	vld [tilespmem:$0x1FFB0]  }
0x1fa: {  	v32 =	vld [tilespmem:$0x1FFC0]  }
0x1fb: {  	v33 =	vld [tilespmem:$0x1FFD0]  }
0x1fc: {  	v55 =	vld [tilespmem:$0x1FFF0]  }
0x1fd: {  	v34 =	vld [tilespmem:$0x1FEB0]  }
0x1fe: {  	v37 =	vld [tilespmem:$0x1FEE0]  }
0x1ff: {  	v51 =	vld [tilespmem:$0x1FEF0]  }
0x200: {  	v52 =	vld [tilespmem:$0x1FF00]  }
0x201: {  	v53 =	vld [tilespmem:$0x1FF10]  }
0x202: {  	v56 =	vld [tilespmem:$0x1FF50]  }
0x203: {  	v60 =	vld [tilespmem:$0x1FF70]  }
0x204: {  	v63 =	vld [tilespmem:$0x1FF80]  }
0x205: {  	v35 =	vld [tilespmem:$0x1FEC0]  }
0x206: {  	s4 =	rddreg [dreg:$0xc];
	v54 =	vld [tilespmem:$0x1FF20]  }
0x207: {  	v57 =	vld [tilespmem:$0x1FF30];
	s8 =	rddreg [dreg:$0xf]  }
0x208: {  	v38 =	vld [tilespmem:$0x1FED0];
	s11 =	rddreg [dreg:$0x11]  }
0x209: {  	v58 =	vld [tilespmem:$0x1FF40];
	s19 =	rddreg [dreg:$0x12]  }
0x20a: {  	v59 =	vld [tilespmem:$0x1FF60];
	s20 =	rddreg [dreg:$0x13]  }
.LBB2_8:
0x20b: {  	p0 =	seq.s32 s21, s20  }
.Ltmp10:
0x20c: {  	_ = 	snop;
	(pc) =	sbr.rel @p0 .LBB2_11-.Ltmp10, $2  }
0x20d: {  	_ =	sdelay $0x2  }
0x20e: {  	v39 =	vld [tilespmem:$0x1FE90]  }
0x20f: {  	p0 =	sgt.s32 s11, $0x0;
	s0 =	smov.u32 s11  }
0x210: {  	s0 =	simm.s32 @!p0 $0x0  }
0x211: {  	s0 =	smin.u32 s0, $0x40  }
0x212: {  	s1 =	sshrl.u32 s0, $0x2  }
0x213: {  	s0 =	sshll.u32 s1, $0x9;
	s1 =	sshll.u32 s1, $0xA  }
.LBB2_10:
0x214: {  	s2 =	sand.u32 $0x7FFFF800, s1;
	s3 =	sand.u32 $0x380, s0  }
0x215: {  	s2 =	sor.u32 s3, s2  }
0x216: {  	v0 =	vld [tilespmem:s2+$0x0]  }
0x217: {  	v1 =	vld [tilespmem:s2+$0x10]  }
0x218: {  	v2 =	vld [tilespmem:s2+$0x20]  }
0x219: {  	v3 =	vld [tilespmem:s2+$0x30]  }
0x21a: {  	v4 =	vld [tilespmem:s2+$0x40]  }
0x21b: {  	v5 =	vld [tilespmem:s2+$0x50]  }
0x21c: {  	v6 =	vld [tilespmem:s2+$0x60]  }
0x21d: {  	v7 =	vld [tilespmem:s2+$0x70]  }
0x21e: {  	v8 =	vld [tilespmem:s2+$0x400]  }
0x21f: {  	v9 =	vld [tilespmem:s2+$0x410]  }
0x220: {  	v10 =	vld [tilespmem:s2+$0x420]  }
0x221: {  	v11 =	vld [tilespmem:s2+$0x430]  }
0x222: {  	v12 =	vld [tilespmem:s2+$0x440];
	v13 =	vmul.f32 v0, v34;
	v14 =	vmul.f32 v1, v37  }
0x223: {  	v15 =	vld [tilespmem:s2+$0x450];
	v16 =	vmul.f32 v2, v51;
	v17 =	vmul.f32 v3, v52  }
0x224: {  	v18 =	vld [tilespmem:s2+$0x460];
	v19 =	vmul.f32 v4, v53;
	v20 =	vmul.f32 v5, v56  }
0x225: {  	v21 =	vld [tilespmem:s2+$0x470];
	v22 =	vmul.f32 v6, v36;
	v23 =	vmul.f32 v7, v60  }
0x226: {  	v24 =	vmul.f32 v8, v63;
	v25 =	vmul.f32 v9, v35  }
0x227: {  	v26 =	vmul.f32 v10, v54;
	v27 =	vmul.f32 v11, v57  }
0x228: {  	v28 =	vmul.f32 v12, v38;
	v29 =	vmul.f32 v15, v58  }
0x229: {  	v30 =	vmul.f32 v18, v59;
	v13 =	vadd.f32 v14, v13;
	v44 =	vadd.f32 v17, v16  }
0x22a: {  	v45 =	vmul.f32 v21, v39;
	v46 =	vadd.f32 v20, v19;
	v47 =	vadd.f32 v23, v22  }
0x22b: {  	v48 =	vadd.f32 v25, v24;
	v49 =	vadd.f32 v27, v26  }
0x22c: {  	v50 =	vadd.f32 v29, v28;
	v16 =	vadd.f32 v45, v30  }
0x22d: {  	v13 =	vadd.f32 v44, v13;
	v61 =	vadd.f32 v47, v46  }
0x22e: {  	v24 =	vadd.f32 v49, v48;
	v16 =	vadd.f32 v16, v50;
	_ =	sdelay $0x1  }
0x22f: {  	v13 =	vadd.f32 v61, v13;
	v25 =	vadd.f32 v16, v24;
	_ =	sdelay $0x1  }
0x230: {  	v13 =	vadd.f32 v25, v13;
	_ =	sdelay $0x1  }
0x231: {  	v14 =	vperm.xlane v13, v62;
	_ =	sdelay $0x1  }
0x232: {  	v13 =	vadd.f32 v13, v14;
	_ =	sdelay $0x1  }
0x233: {  	v14 =	vperm.xlane v13, v31;
	_ =	sdelay $0x1  }
0x234: {  	v13 =	vadd.f32 v13, v14;
	_ =	sdelay $0x1  }
0x235: {  	v14 =	vperm.xlane v13, v32;
	_ =	sdelay $0x1  }
0x236: {  	v13 =	vadd.f32 v13, v14;
	_ =	sdelay $0x1  }
0x237: {  	v14 =	vperm.xlane v13, v33;
	_ =	sdelay $0x1  }
0x238: {  	v13 =	vadd.f32 v13, v14;
	_ =	sdelay $0x1  }
0x239: {  	v0 =	vmul.f32 v13, v0  }
0x23a: {  	v1 =	vmul.f32 v13, v1  }
0x23b: {  	v26 =	vmul.f32 v13, v2;
	[tilespmem:s5+$0x0] =	vst.add.f32.msk $0xffff, v0  }
0x23c: {  	v27 =	vmul.f32 v13, v3;
	[tilespmem:s6+$0x0] =	vst.add.f32.msk $0xffff, v1  }
0x23d: {  	v40 =	vmul.f32 v13, v4;
	[tilespmem:s7+$0x0] =	vst.add.f32.msk $0xffff, v26  }
0x23e: {  	v41 =	vmul.f32 v13, v5;
	[tilespmem:s9+$0x0] =	vst.add.f32.msk $0xffff, v27  }
0x23f: {  	v42 =	vmul.f32 v13, v6;
	[tilespmem:s10+$0x0] =	vst.add.f32.msk $0xffff, v40  }
0x240: {  	v43 =	vmul.f32 v13, v7;
	[tilespmem:s12+$0x0] =	vst.add.f32.msk $0xffff, v41  }
0x241: {  	v44 =	vmul.f32 v13, v8;
	[tilespmem:s13+$0x0] =	vst.add.f32.msk $0xffff, v42  }
0x242: {  	v45 =	vmul.f32 v13, v9;
	[tilespmem:s14+$0x0] =	vst.add.f32.msk $0xffff, v43  }
0x243: {  	v46 =	vmul.f32 v13, v10;
	[tilespmem:s15+$0x0] =	vst.add.f32.msk $0xffff, v44  }
0x244: {  	s21 =	sadd.s32 $0x1, s21;
	v47 =	vmul.f32 v13, v11;
	[tilespmem:s16+$0x0] =	vst.add.f32.msk $0xffff, v45  }
0x245: {  	p0 =	slt.u32 s21, s20;
	v48 =	vmul.f32 v13, v12;
	[tilespmem:s17+$0x0] =	vst.add.f32.msk $0xffff, v46  }
.Ltmp11:
0x246: {  	v49 =	vmul.f32 v13, v15;
	[tilespmem:s18+$0x0] =	vst.add.f32.msk $0xffff, v47;
	(pc) =	sbr.rel @p0 .LBB2_10-.Ltmp11, $4  }
0x247: {  	v50 =	vmul.f32 v13, v18;
	[tilespmem:s25+$0x0] =	vst.add.f32.msk $0xffff, v48  }
0x248: {  	v61 =	vmul.f32 v13, v21;
	[tilespmem:s26+$0x0] =	vst.add.f32.msk $0xffff, v49  }
0x249: {  	[tilespmem:s28+$0x0] =	vst.add.f32.msk $0xffff, v50  }
0x24a: {  	s0 =	sadd.s32 $0x80, s0;
	s1 =	sadd.s32 $0x100, s1;
	[tilespmem:s29+$0x0] =	vst.add.f32.msk $0xffff, v61  }
.LBB2_11:
0x24b: {  	s0 =	sadd.s32 $0x2, s19  }
0x24c: {  	p0 =	sge.s32 s0, s4  }
0x24d: {  	s1 =	rddreg [dreg:$0xe];
	s0 =	sshll.u32 @!p0 s0, $0xE  }
0x24e: {  	s2 =	rddreg [dreg:$0xb];
	s0 =	sadd.s32 @!p0 s1, s0  }
0x24f: {  	s30 =	sor.u32 $0x1, s19;
	s1 =	rddreg [dreg:$0x0];
	s0 =	sshrl.u32 @!p0 s0, $0x3  }
0x250: {  	s31 =	sshll.u32 s30, $0x6;
	s0 =	sadd.s32 @!p0 s1, s0;
	s1 =	simm.s32 @!p0 $0x0  }
0x251: {  	[tilespmem:s1], [sflag:$0x1] =	stream.linear.gather @!p0 [hbm4b:s0+s1], $0x4000, $0x38;
	[tilespmem:$0x8280] =	vst v63  }
0x252: {  	s1 =	ssub.s32 s2, s31  }
0x253: {  	p0 =	sgt.s32 s1, $0x0  }
0x254: {  	s1 =	simm.s32 @!p0 $0x0  }
0x255: {  	s20 =	smin.u32 s1, $0x40  }
0x256: {  	s21 =	sand.u32 $0x7C, s20  }
0x257: {  	p0 =	seq.s32 s21, $0x0  }
.Ltmp12:
0x258: {  	p1 =	sge.s32 s30, s4;
	(pc) =	sbr.rel @p0 .LBB2_15-.Ltmp12, $4  }
0x259: {  	s0 =	simm.s32 @!p1 $0x2  }
0x25a: {  	_ =	swait.ge @!p1 [sflag:s0], $0x4000  }
0x25b: {  	[sflag:s0] =	ssyncset.done @!p1 $0x0  }
0x25c: {  	[sflag:s0] =	ssyncadd.s32 @!p1 $0xFFFFC000  }
0x25d: {  	s0 =	simm.s32 $0x0  }
0x25e: {  	s1 =	sand.u32 $0x7FFFF800, s0;
	s0 =	sand.u32 $0x200, s0  }
0x25f: {  	p0 =	por $0x0, $0x0;
	s0 =	sor.u32 s0, s1;
	s1 =	simm.s32 $0x1  }
0x260: {  	s1 =	simm.s32 @!p0 $0x0  }
0x261: {  	[dreg:$0x14] =	wrdreg s20;
	s1 =	sshll.u32 s1, $0x9  }
0x262: {  	v13 =	vld [tilespmem:s0+$0x4180];
	s1 =	sadd.s32 $0x0, s1  }
0x263: {  	v41 =	vld [tilespmem:s0+$0x4190];
	s2 =	sadd.s32 $0x180, s1  }
0x264: {  	v50 =	vld [tilespmem:s0+$0x41A0];
	s3 =	sor.u32 $0x400, s2  }
0x265: {  	v12 =	vld [tilespmem:s3+$0x4000]  }
0x266: {  	v49 =	vld [tilespmem:s0+$0x41B0]  }
0x267: {  	v47 =	vld [tilespmem:s0+$0x41C0]  }
0x268: {  	v45 =	vld [tilespmem:s0+$0x41D0]  }
0x269: {  	v18 =	vld [tilespmem:s0+$0x41E0]  }
0x26a: {  	v40 =	vld [tilespmem:s0+$0x41F0];
	s20 =	sor.u32 $0x430, s2;
	[tilespmem:$0x1FB20] =	vst v12  }
0x26b: {  	v11 =	vld [tilespmem:s20+$0x4000];
	_ =	sdelay $0x2  }
0x26c: {  	s11 =	sor.u32 $0x410, s2  }
0x26d: {  	s19 =	sor.u32 $0x420, s2;
	v42 =	vld [tilespmem:s11+$0x4000]  }
0x26e: {  	s23 =	sor.u32 $0x450, s2;
	v44 =	vld [tilespmem:s19+$0x4000];
	[tilespmem:$0x1FB30] =	vst v11  }
0x26f: {  	v10 =	vld [tilespmem:s23+$0x4000];
	_ =	sdelay $0x3  }
0x270: {  	s22 =	sor.u32 $0x440, s2  }
0x271: {  	s24 =	sor.u32 $0x460, s2;
	v43 =	vld [tilespmem:s22+$0x4000];
	[tilespmem:$0x1FB40] =	vst v10  }
0x272: {  	v0 =	vld [tilespmem:s24+$0x4000];
	_ =	sdelay $0x4  }
0x273: {  	s2 =	sor.u32 $0x470, s2;
	[tilespmem:$0x1FB90] =	vst v0  }
0x274: {  	v1 =	vld [tilespmem:s2+$0x4000];
	_ =	sdelay $0x3  }
0x275: {  	s30 =	sadd.s32 $0x80, s1  }
0x276: {  	s31 =	sor.u32 $0x400, s30;
	[tilespmem:$0x1FBA0] =	vst v1  }
0x277: {  	v39 =	vld [tilespmem:s31+$0x4000];
	_ =	sdelay $0x4  }
0x278: {  	s4 =	sor.u32 $0x410, s30;
	[tilespmem:$0x1FC30] =	vst v39  }
0x279: {  	v8 =	vmul.f32 v18, v36;
	v36 =	vld [tilespmem:s4+$0x4000];
	_ =	sdelay $0x4  }
0x27a: {  	s8 =	sor.u32 $0x420, s30;
	[tilespmem:$0x1FC40] =	vst v36  }
0x27b: {  	v33 =	vld [tilespmem:s8+$0x4000];
	_ =	sdelay $0x4  }
0x27c: {  	s3 =	sor.u32 $0x470, s30;
	[tilespmem:$0x1FC50] =	vst v33  }
0x27d: {  	v19 =	vmul.f32 v10, v58;
	v10 =	vld [tilespmem:s3+$0x4000]  }
0x27e: {  	s11 =	sor.u32 $0x430, s30  }
0x27f: {  	s19 =	sor.u32 $0x440, s30;
	v31 =	vld [tilespmem:s11+$0x4000]  }
0x280: {  	s20 =	sor.u32 $0x450, s30;
	v30 =	vld [tilespmem:s19+$0x4000]  }
0x281: {  	s22 =	sor.u32 $0x460, s30;
	s2 =	sadd.s32 $0x100, s1;
	v15 =	vld [tilespmem:s20+$0x4000]  }
0x282: {  	s30 =	sor.u32 $0x420, s2;
	v32 =	vld [tilespmem:s22+$0x4000];
	[tilespmem:$0x1FC60] =	vst v10  }
0x283: {  	v46 =	vmul.f32 v0, v59;
	v0 =	vld [tilespmem:s30+$0x4000];
	_ =	sdelay $0x2  }
0x284: {  	s23 =	sor.u32 $0x400, s2  }
0x285: {  	s24 =	sor.u32 $0x410, s2;
	v28 =	vld [tilespmem:s23+$0x4000]  }
0x286: {  	s31 =	sor.u32 $0x430, s2;
	v29 =	vld [tilespmem:s24+$0x4000];
	[tilespmem:$0x1FB50] =	vst v0  }
0x287: {  	v0 =	vld [tilespmem:s31+$0x4000];
	_ =	sdelay $0x4  }
0x288: {  	s4 =	sor.u32 $0x440, s2;
	[tilespmem:$0x1FB60] =	vst v0  }
0x289: {  	v0 =	vld [tilespmem:s4+$0x4000];
	_ =	sdelay $0x4  }
0x28a: {  	s8 =	sor.u32 $0x450, s2;
	[tilespmem:$0x1FB70] =	vst v0  }
0x28b: {  	v0 =	vld [tilespmem:s8+$0x4000];
	_ =	sdelay $0x4  }
0x28c: {  	v2 =	vmul.f32 v13, v34;
	s11 =	sor.u32 $0x400, s1;
	[tilespmem:$0x1FB80] =	vst v0  }
0x28d: {  	v3 =	vmul.f32 v41, v37;
	v4 =	vmul.f32 v50, v51;
	v21 =	vld [tilespmem:s11+$0x4000]  }
0x28e: {  	v5 =	vmul.f32 v49, v52;
	v17 =	vmul.f32 v11, v57;
	v11 =	vld [tilespmem:$0x1FE90]  }
0x28f: {  	v6 =	vmul.f32 v47, v53;
	v7 =	vmul.f32 v45, v56  }
0x290: {  	v9 =	vmul.f32 v40, v60;
	v2 =	vadd.f32 v3, v2  }
0x291: {  	v4 =	vadd.f32 v5, v4;
	v6 =	vadd.f32 v7, v6;
	v14 =	vmul.f32 v12, v63  }
0x292: {  	v8 =	vadd.f32 v9, v8;
	v16 =	vmul.f32 v42, v35;
	v3 =	vmul.f32 v44, v54;
	s19 =	sor.u32 $0x410, s1;
	[tilespmem:$0x1FBB0] =	vst v21  }
0x293: {  	v2 =	vadd.f32 v4, v2;
	v61 =	vmul.f32 v43, v38;
	v20 =	vmul.f32 v1, v11;
	v4 =	vld [tilespmem:s19+$0x4000]  }
0x294: {  	v48 =	vadd.f32 v16, v14;
	v3 =	vadd.f32 v17, v3  }
0x295: {  	v5 =	vadd.f32 v19, v61;
	v7 =	vadd.f32 v20, v46  }
0x296: {  	v3 =	vadd.f32 v3, v48  }
0x297: {  	v20 =	vadd.f32 v8, v6;
	v5 =	vadd.f32 v7, v5  }
0x298: {  	s20 =	sor.u32 $0x420, s1;
	[tilespmem:$0x1FBC0] =	vst v4  }
0x299: {  	v2 =	vadd.f32 v20, v2;
	v3 =	vadd.f32 v5, v3;
	v6 =	vld [tilespmem:s20+$0x4000];
	_ =	sdelay $0x1  }
0x29a: {  	v2 =	vadd.f32 v3, v2;
	_ =	sdelay $0x1  }
0x29b: {  	v3 =	vperm.xlane v2, v62  }
0x29c: {  	s22 =	sor.u32 $0x430, s1;
	[tilespmem:$0x1FBD0] =	vst v6  }
0x29d: {  	v3 =	vadd.f32 v2, v3;
	v2 =	vld [tilespmem:s22+$0x4000];
	_ =	sdelay $0x4  }
0x29e: {  	s23 =	sor.u32 $0x440, s1;
	[tilespmem:$0x1FBE0] =	vst v2  }
0x29f: {  	v7 =	vld [tilespmem:s23+$0x4000];
	_ =	sdelay $0x4  }
0x2a0: {  	s24 =	sor.u32 $0x450, s1;
	[tilespmem:$0x1FBF0] =	vst v7  }
0x2a1: {  	v0 =	vld [tilespmem:s24+$0x4000];
	_ =	sdelay $0x4  }
0x2a2: {  	s30 =	sor.u32 $0x460, s1;
	[tilespmem:$0x1FC00] =	vst v0  }
0x2a3: {  	v1 =	vld [tilespmem:s30+$0x4000]  }
0x2a4: {  	v8 =	vld [tilespmem:$0x1FF90];
	_ =	sdelay $0x3  }
0x2a5: {  	v12 =	vld [tilespmem:$0x1FFA0];
	s1 =	sor.u32 $0x470, s1;
	[tilespmem:$0x1FC10] =	vst v1  }
0x2a6: {  	v22 =	vperm.xlane v3, v8;
	v5 =	vld [tilespmem:s1+$0x4000];
	_ =	sdelay $0x1  }
0x2a7: {  	v23 =	vadd.f32 v3, v22;
	_ =	sdelay $0x1  }
0x2a8: {  	v46 =	vperm.xlane v23, v12  }
0x2a9: {  	[tilespmem:$0x1FC20] =	vst v5  }
0x2aa: {  	v14 =	vadd.f32 v23, v46;
	v48 =	vld [tilespmem:s0+$0x4000]  }
0x2ab: {  	v46 =	vld [tilespmem:s0+$0x4010]  }
0x2ac: {  	v16 =	vperm.xlane v14, v55;
	v19 =	vld [tilespmem:s0+$0x4020]  }
0x2ad: {  	v17 =	vld [tilespmem:s0+$0x4030]  }
0x2ae: {  	v25 =	vmul.f32 v7, v38;
	v7 =	vmov v53;
	v53 =	vadd.f32 v14, v16;
	v20 =	vld [tilespmem:s0+$0x4040]  }
0x2af: {  	v16 =	vld [tilespmem:s0+$0x4050]  }
0x2b0: {  	v13 =	vmul.f32 v53, v13;
	v14 =	vld [tilespmem:s0+$0x4060]  }
0x2b1: {  	v26 =	vmovc v55;
	v61 =	vmov v34;
	v9 =	vld [tilespmem:s0+$0x4070];
	v55 =	vmul.f32 v48, v34;
	v34 =	vmul.f32 v53, v41  }
0x2b2: {  	v50 =	vmul.f32 v53, v50;
	[tilespmem:s5+$0x0] =	vst.add.f32.msk $0xffff, v13  }
0x2b3: {  	v21 =	vmul.f32 v21, v63;
	v22 =	vmul.f32 v4, v35;
	[tilespmem:s6+$0x0] =	vst.add.f32.msk $0xffff, v34  }
0x2b4: {  	v23 =	vmul.f32 v6, v54;
	v24 =	vmul.f32 v2, v57;
	[tilespmem:s7+$0x0] =	vst.add.f32.msk $0xffff, v50  }
0x2b5: {  	v3 =	vmov v51;
	v21 =	vadd.f32 v22, v21;
	v49 =	vmul.f32 v53, v49;
	v50 =	vld [tilespmem:$0x1FEA0]  }
0x2b6: {  	v4 =	vmovc v52;
	v23 =	vadd.f32 v24, v23;
	v51 =	vmul.f32 v0, v58;
	v52 =	vmul.f32 v1, v59  }
0x2b7: {  	v6 =	vmovc v56;
	v1 =	vmov v54;
	v54 =	vmul.f32 v5, v11;
	v56 =	vmul.f32 v46, v37  }
0x2b8: {  	v2 =	vmovc v58;
	v21 =	vadd.f32 v23, v21;
	v58 =	vmul.f32 v19, v3;
	v22 =	vmul.f32 v17, v4  }
0x2b9: {  	v25 =	vadd.f32 v51, v25;
	v24 =	vmul.f32 v20, v7;
	v13 =	vmul.f32 v16, v6  }
0x2ba: {  	v52 =	vadd.f32 v54, v52;
	v34 =	vmul.f32 v9, v60;
	v50 =	vmul.f32 v14, v50  }
0x2bb: {  	v47 =	vmul.f32 v53, v47;
	v55 =	vadd.f32 v56, v55;
	v22 =	vadd.f32 v22, v58  }
0x2bc: {  	v45 =	vmul.f32 v53, v45;
	v24 =	vadd.f32 v13, v24;
	[tilespmem:s9+$0x0] =	vst.add.f32.msk $0xffff, v49;
	v56 =	vadd.f32 v34, v50  }
0x2bd: {  	v18 =	vmul.f32 v53, v18;
	v0 =	vmovc v57;
	v5 =	vmov v59;
	v57 =	vadd.f32 v52, v25;
	[tilespmem:s10+$0x0] =	vst.add.f32.msk $0xffff, v47  }
0x2be: {  	v58 =	vmul.f32 v53, v40;
	v22 =	vadd.f32 v22, v55;
	[tilespmem:s12+$0x0] =	vst.add.f32.msk $0xffff, v45;
	v59 =	vadd.f32 v56, v24  }
0x2bf: {  	[tilespmem:s13+$0x0] =	vst.add.f32.msk $0xffff, v18  }
0x2c0: {  	v21 =	vadd.f32 v57, v21;
	[tilespmem:s14+$0x0] =	vst.add.f32.msk $0xffff, v58;
	v22 =	vadd.f32 v59, v22  }
0x2c1: {  	v25 =	vmul.f32 v36, v35;
	v52 =	vmul.f32 v15, v2;
	v36 =	vmov v15;
	v15 =	vld [tilespmem:$0x1FB20]  }
0x2c2: {  	v21 =	vadd.f32 v21, v22  }
0x2c3: {  	v57 =	vmul.f32 v29, v35;
	v35 =	vld [tilespmem:s0+$0x40F0];
	v55 =	vmul.f32 v28, v63  }
0x2c4: {  	v13 =	vld [tilespmem:s0+$0x40D0];
	v24 =	vmul.f32 v39, v63;
	v63 =	vperm.xlane v21, v62  }
0x2c5: {  	v47 =	vld [tilespmem:s0+$0x40B0]  }
0x2c6: {  	v18 =	vmul.f32 v53, v15;
	v21 =	vadd.f32 v21, v63;
	v63 =	vld [tilespmem:$0x1FB30]  }
0x2c7: {  	v45 =	vld [tilespmem:s0+$0x40A0]  }
0x2c8: {  	[tilespmem:s15+$0x0] =	vst.add.f32.msk $0xffff, v18  }
0x2c9: {  	v39 =	vmul.f32 v53, v42;
	v15 =	vld [tilespmem:$0x1FB40]  }
0x2ca: {  	v44 =	vmul.f32 v53, v44;
	v42 =	vld [tilespmem:s0+$0x40E0]  }
0x2cb: {  	v43 =	vmul.f32 v53, v43;
	v24 =	vadd.f32 v25, v24;
	[tilespmem:s16+$0x0] =	vst.add.f32.msk $0xffff, v39;
	v25 =	vmul.f32 v53, v63  }
0x2cc: {  	v23 =	vmul.f32 v33, v1;
	v50 =	vmul.f32 v31, v0;
	[tilespmem:s17+$0x0] =	vst.add.f32.msk $0xffff, v44  }
0x2cd: {  	[tilespmem:s18+$0x0] =	vst.add.f32.msk $0xffff, v25  }
0x2ce: {  	v54 =	vmul.f32 v10, v11;
	v23 =	vadd.f32 v50, v23;
	v10 =	vmul.f32 v53, v15;
	[tilespmem:s25+$0x0] =	vst.add.f32.msk $0xffff, v43  }
0x2cf: {  	v43 =	vld [tilespmem:$0x1FEA0]  }
0x2d0: {  	v23 =	vadd.f32 v23, v24;
	v24 =	vmul.f32 v45, v3;
	v39 =	vmul.f32 v47, v4;
	[tilespmem:s26+$0x0] =	vst.add.f32.msk $0xffff, v10  }
0x2d1: {  	v18 =	vperm.xlane v21, v8;
	v40 =	vld [tilespmem:$0x1FB60]  }
0x2d2: {  	v24 =	vadd.f32 v39, v24;
	v39 =	vld [tilespmem:$0x1FB50]  }
0x2d3: {  	v49 =	vld [tilespmem:s0+$0x40C0];
	v21 =	vadd.f32 v21, v18;
	_ =	sdelay $0x1  }
0x2d4: {  	v18 =	vmul.f32 v35, v60;
	v63 =	vperm.xlane v21, v12  }
0x2d5: {  	v43 =	vmul.f32 v42, v43;
	v50 =	vmul.f32 v40, v0;
	v0 =	vld [tilespmem:$0x1FB90]  }
0x2d6: {  	v15 =	vmul.f32 v13, v6;
	v44 =	vmul.f32 v39, v1;
	v1 =	vld [tilespmem:$0x1FBA0]  }
0x2d7: {  	v25 =	vmul.f32 v49, v7;
	v21 =	vadd.f32 v21, v63;
	v43 =	vadd.f32 v18, v43;
	v18 =	vld [tilespmem:$0x1FB70];
	_ =	sdelay $0x1  }
0x2d8: {  	v33 =	vld [tilespmem:s0+$0x4090];
	v25 =	vadd.f32 v15, v25;
	v15 =	vperm.xlane v21, v26  }
0x2d9: {  	v51 =	vmul.f32 v30, v38;
	v34 =	vld [tilespmem:s0+$0x4080];
	v22 =	vmul.f32 v32, v5  }
0x2da: {  	v21 =	vadd.f32 v21, v15;
	v44 =	vadd.f32 v50, v44;
	v50 =	vld [tilespmem:s0+$0x4170];
	v0 =	vmul.f32 v53, v0  }
0x2db: {  	v22 =	vadd.f32 v54, v22;
	v1 =	vmul.f32 v53, v1;
	v54 =	vmul.f32 v18, v38;
	v38 =	vld [tilespmem:$0x1FB80]  }
0x2dc: {  	[tilespmem:s28+$0x0] =	vst.add.f32.msk $0xffff, v0;
	v0 =	vmul.f32 v21, v48  }
0x2dd: {  	[tilespmem:s29+$0x0] =	vst.add.f32.msk $0xffff, v1;
	v1 =	vmul.f32 v21, v46  }
0x2de: {  	v56 =	vmul.f32 v33, v37;
	[tilespmem:s5+$0x0] =	vst.add.f32.msk $0xffff, v0  }
0x2df: {  	v51 =	vadd.f32 v52, v51;
	v52 =	vmul.f32 v34, v61;
	v19 =	vmul.f32 v21, v19;
	[tilespmem:s6+$0x0] =	vst.add.f32.msk $0xffff, v1  }
0x2e0: {  	v17 =	vmul.f32 v21, v17;
	v1 =	vld [tilespmem:$0x1FEA0]  }
0x2e1: {  	v52 =	vadd.f32 v56, v52;
	v20 =	vmul.f32 v21, v20;
	[tilespmem:s7+$0x0] =	vst.add.f32.msk $0xffff, v19  }
0x2e2: {  	v22 =	vadd.f32 v22, v51;
	v16 =	vmul.f32 v21, v16;
	[tilespmem:s9+$0x0] =	vst.add.f32.msk $0xffff, v17  }
0x2e3: {  	v24 =	vadd.f32 v24, v52;
	v25 =	vadd.f32 v43, v25;
	v43 =	vmul.f32 v38, v2;
	[tilespmem:s10+$0x0] =	vst.add.f32.msk $0xffff, v20  }
0x2e4: {  	v22 =	vadd.f32 v22, v23;
	v2 =	vmov v60;
	[tilespmem:s12+$0x0] =	vst.add.f32.msk $0xffff, v16  }
0x2e5: {  	v24 =	vadd.f32 v25, v24;
	v43 =	vadd.f32 v43, v54;
	v54 =	vmul.f32 v50, v2;
	v2 =	vld [tilespmem:$0x1FBB0]  }
0x2e6: {  	v14 =	vmul.f32 v21, v14  }
0x2e7: {  	v22 =	vadd.f32 v22, v24;
	v24 =	vadd.f32 v57, v55;
	v57 =	vmul.f32 v21, v9  }
0x2e8: {  	[tilespmem:s13+$0x0] =	vst.add.f32.msk $0xffff, v14  }
0x2e9: {  	[tilespmem:s14+$0x0] =	vst.add.f32.msk $0xffff, v57  }
0x2ea: {  	v59 =	vmul.f32 v21, v2;
	v2 =	vld [tilespmem:$0x1FBC0]  }
0x2eb: {  	s31 =	sor.u32 $0x460, s2  }
0x2ec: {  	v27 =	vld [tilespmem:s31+$0x4000]  }
0x2ed: {  	v52 =	vld [tilespmem:s0+$0x4130]  }
0x2ee: {  	[tilespmem:s15+$0x0] =	vst.add.f32.msk $0xffff, v59  }
0x2ef: {  	s2 =	sor.u32 $0x470, s2;
	v20 =	vmul.f32 v21, v2;
	v2 =	vld [tilespmem:$0x1FBD0]  }
0x2f0: {  	v41 =	vld [tilespmem:s2+$0x4000]  }
0x2f1: {  	v56 =	vld [tilespmem:s0+$0x4120]  }
0x2f2: {  	v51 =	vld [tilespmem:s0+$0x4110];
	v63 =	vmul.f32 v52, v4;
	v4 =	vperm.xlane v22, v62  }
0x2f3: {  	[tilespmem:s16+$0x0] =	vst.add.f32.msk $0xffff, v20  }
0x2f4: {  	v0 =	vadd.f32 v22, v4;
	v22 =	vmul.f32 v21, v2;
	v2 =	vld [tilespmem:$0x1FBE0]  }
0x2f5: {  	v11 =	vmul.f32 v41, v11;
	v58 =	vmul.f32 v27, v5;
	v10 =	vld [tilespmem:s0+$0x4100]  }
0x2f6: {  	v23 =	vld [tilespmem:s0+$0x4150]  }
0x2f7: {  	v11 =	vadd.f32 v11, v58;
	v60 =	vld [tilespmem:s0+$0x4140]  }
0x2f8: {  	v53 =	vld [tilespmem:s0+$0x4160]  }
0x2f9: {  	v58 =	vadd.f32 v11, v43;
	v43 =	vmul.f32 v21, v2;
	v2 =	vld [tilespmem:$0x1FBF0]  }
0x2fa: {  	v25 =	vmul.f32 v10, v61;
	v61 =	vmul.f32 v51, v37  }
0x2fb: {  	v48 =	vmul.f32 v56, v3  }
0x2fc: {  	v25 =	vadd.f32 v61, v25;
	v37 =	vperm.xlane v0, v8;
	v5 =	vmul.f32 v60, v7  }
0x2fd: {  	v24 =	vadd.f32 v44, v24;
	v7 =	vmul.f32 v23, v6;
	v1 =	vmul.f32 v53, v1;
	[tilespmem:s17+$0x0] =	vst.add.f32.msk $0xffff, v22  }
0x2fe: {  	v48 =	vadd.f32 v63, v48;
	v0 =	vadd.f32 v0, v37;
	[tilespmem:s18+$0x0] =	vst.add.f32.msk $0xffff, v43;
	v44 =	vmul.f32 v21, v2  }
0x2ff: {  	v55 =	vadd.f32 v7, v5;
	v1 =	vadd.f32 v54, v1;
	v2 =	vld [tilespmem:$0x1FC00]  }
0x300: {  	v61 =	vperm.xlane v0, v12;
	[tilespmem:s25+$0x0] =	vst.add.f32.msk $0xffff, v44  }
0x301: {  	v63 =	vadd.f32 v48, v25;
	v1 =	vadd.f32 v1, v55;
	v3 =	vld [tilespmem:$0x1FC10]  }
0x302: {  	v0 =	vadd.f32 v0, v61;
	v4 =	vld [tilespmem:$0x1FC20]  }
0x303: {  	v37 =	vadd.f32 v58, v24;
	v1 =	vadd.f32 v1, v63  }
0x304: {  	v46 =	vperm.xlane v0, v26  }
0x305: {  	v1 =	vadd.f32 v37, v1;
	v2 =	vmul.f32 v21, v2  }
0x306: {  	v0 =	vadd.f32 v0, v46;
	v3 =	vmul.f32 v21, v3  }
0x307: {  	[tilespmem:s26+$0x0] =	vst.add.f32.msk $0xffff, v2;
	v2 =	vperm.xlane v1, v62;
	v4 =	vmul.f32 v21, v4  }
0x308: {  	[tilespmem:s28+$0x0] =	vst.add.f32.msk $0xffff, v3;
	v3 =	vmul.f32 v0, v34  }
0x309: {  	v1 =	vadd.f32 v1, v2;
	v2 =	vmul.f32 v0, v33;
	[tilespmem:s29+$0x0] =	vst.add.f32.msk $0xffff, v4  }
0x30a: {  	[tilespmem:s5+$0x0] =	vst.add.f32.msk $0xffff, v3;
	v3 =	vmul.f32 v0, v45  }
0x30b: {  	v48 =	vmul.f32 v0, v47;
	[tilespmem:s6+$0x0] =	vst.add.f32.msk $0xffff, v2;
	v2 =	vperm.xlane v1, v8  }
0x30c: {  	[tilespmem:s7+$0x0] =	vst.add.f32.msk $0xffff, v3;
	v3 =	vmul.f32 v0, v49  }
0x30d: {  	v1 =	vadd.f32 v1, v2;
	[tilespmem:s9+$0x0] =	vst.add.f32.msk $0xffff, v48;
	v2 =	vmul.f32 v0, v13  }
0x30e: {  	[tilespmem:s10+$0x0] =	vst.add.f32.msk $0xffff, v3;
	v3 =	vmul.f32 v0, v42  }
0x30f: {  	[tilespmem:s12+$0x0] =	vst.add.f32.msk $0xffff, v2  }
0x310: {  	[tilespmem:s13+$0x0] =	vst.add.f32.msk $0xffff, v3  }
0x311: {  	v3 =	vld [tilespmem:$0x1FC30];
	_ =	sdelay $0x2  }
0x312: {  	v49 =	vmul.f32 v0, v35  }
0x313: {  	v2 =	vperm.xlane v1, v12  }
0x314: {  	[tilespmem:s14+$0x0] =	vst.add.f32.msk $0xffff, v49;
	v3 =	vmul.f32 v0, v3  }
0x315: {  	v1 =	vadd.f32 v1, v2;
	v2 =	vld [tilespmem:$0x1FC40]  }
0x316: {  	[tilespmem:s15+$0x0] =	vst.add.f32.msk $0xffff, v3  }
0x317: {  	v3 =	vld [tilespmem:$0x1FC50];
	_ =	sdelay $0x3  }
0x318: {  	v2 =	vmul.f32 v0, v2  }
0x319: {  	v3 =	vmul.f32 v0, v3  }
0x31a: {  	v54 =	vmul.f32 v0, v31;
	[tilespmem:s16+$0x0] =	vst.add.f32.msk $0xffff, v2  }
0x31b: {  	v2 =	vperm.xlane v1, v26;
	[tilespmem:s17+$0x0] =	vst.add.f32.msk $0xffff, v3  }
0x31c: {  	v3 =	vmul.f32 v0, v30;
	[tilespmem:s18+$0x0] =	vst.add.f32.msk $0xffff, v54  }
0x31d: {  	v2 =	vadd.f32 v1, v2;
	v1 =	vmul.f32 v0, v36;
	v57 =	vld [tilespmem:$0x1FC60]  }
0x31e: {  	v55 =	vmul.f32 v0, v32;
	[tilespmem:s25+$0x0] =	vst.add.f32.msk $0xffff, v3  }
0x31f: {  	v3 =	vmul.f32 v2, v10;
	[tilespmem:s26+$0x0] =	vst.add.f32.msk $0xffff, v1  }
0x320: {  	v58 =	vmul.f32 v2, v51;
	v59 =	vmul.f32 v2, v56;
	[tilespmem:s28+$0x0] =	vst.add.f32.msk $0xffff, v55  }
0x321: {  	v61 =	vmul.f32 v2, v52;
	v63 =	vmul.f32 v2, v60;
	[tilespmem:s5+$0x0] =	vst.add.f32.msk $0xffff, v3  }
0x322: {  	p1 =	sgt.u32 s21, $0x4;
	v34 =	vmul.f32 v2, v50;
	[tilespmem:s6+$0x0] =	vst.add.f32.msk $0xffff, v58;
	v0 =	vmul.f32 v0, v57  }
.Ltmp13:
0x323: {  	v33 =	vmul.f32 v2, v28;
	v32 =	vmul.f32 v2, v29;
	[tilespmem:s7+$0x0] =	vst.add.f32.msk $0xffff, v59;
	(pc) =	sbr.rel @!p1 .LBB2_14-.Ltmp13, $4  }
0x324: {  	v31 =	vmul.f32 v2, v39;
	v29 =	vmul.f32 v2, v18;
	[tilespmem:s29+$0x0] =	vst.add.f32.msk $0xffff, v0  }
0x325: {  	v28 =	vmul.f32 v2, v38;
	v27 =	vmul.f32 v2, v27;
	v36 =	vld [tilespmem:$0x1FEA0]  }
0x326: {  	v47 =	vmul.f32 v2, v41;
	v30 =	vmul.f32 v2, v40;
	[tilespmem:s9+$0x0] =	vst.add.f32.msk $0xffff, v61  }
0x327: {  	s4 =	simm.s32 $0x400;
	s8 =	simm.s32 $0x4;
	s11 =	simm.s32 $0x200;
	v1 =	vmul.f32 v2, v23;
	v0 =	vmul.f32 v2, v53;
	[tilespmem:s10+$0x0] =	vst.add.f32.msk $0xffff, v63  }
.LBB2_13:
0x328: {  	v37 =	vld [tilespmem:$0x1FEB0]  }
0x329: {  	v38 =	vld [tilespmem:$0x1FEE0]  }
0x32a: {  	v40 =	vld [tilespmem:$0x1FEF0]  }
0x32b: {  	v42 =	vld [tilespmem:$0x1FF00]  }
0x32c: {  	v43 =	vld [tilespmem:$0x1FF10]  }
0x32d: {  	v44 =	vld [tilespmem:$0x1FF50]  }
0x32e: {  	v46 =	vld [tilespmem:$0x1FF70]  }
0x32f: {  	v21 =	vld [tilespmem:$0x1FF80]  }
0x330: {  	v19 =	vld [tilespmem:$0x1FEC0]  }
0x331: {  	v20 =	vld [tilespmem:$0x1FF20]  }
0x332: {  	v22 =	vld [tilespmem:$0x1FF30]  }
0x333: {  	v24 =	vld [tilespmem:$0x1FED0]  }
0x334: {  	v25 =	vld [tilespmem:$0x1FF40]  }
0x335: {  	v35 =	vld [tilespmem:$0x1FF60]  }
0x336: {  	v26 =	vld [tilespmem:$0x1FE90]  }
0x337: {  	s0 =	sand.u32 $0x7FFFF800, s4;
	s1 =	sand.u32 $0x200, s11;
	[tilespmem:s12+$0x0] =	vst.add.f32.msk $0xffff, v1  }
0x338: {  	s0 =	sor.u32 s1, s0;
	[tilespmem:s13+$0x0] =	vst.add.f32.msk $0xffff, v0  }
0x339: {  	v3 =	vld [tilespmem:s0+$0x4180]  }
0x33a: {  	v0 =	vld [tilespmem:s0+$0x4190]  }
0x33b: {  	p0 =	por !p0, !p0;
	s1 =	simm.s32 $0x1;
	v58 =	vld [tilespmem:s0+$0x41A0]  }
0x33c: {  	s1 =	simm.s32 @!p0 $0x0;
	v59 =	vld [tilespmem:s0+$0x41B0]  }
0x33d: {  	v56 =	vld [tilespmem:s0+$0x41C0];
	s1 =	sshll.u32 s1, $0x9  }
0x33e: {  	v52 =	vld [tilespmem:s0+$0x41D0];
	s1 =	sadd.s32 s1, s4  }
0x33f: {  	v51 =	vld [tilespmem:s0+$0x41E0];
	s5 =	sadd.s32 $0x180, s1  }
0x340: {  	v53 =	vld [tilespmem:s0+$0x41F0];
	s6 =	sor.u32 $0x400, s5  }
0x341: {  	s30 =	sor.u32 $0x410, s5;
	v54 =	vld [tilespmem:s6+$0x4000]  }
0x342: {  	s31 =	sor.u32 $0x420, s5;
	v57 =	vld [tilespmem:s30+$0x4000]  }
0x343: {  	s7 =	sor.u32 $0x440, s5;
	v60 =	vld [tilespmem:s31+$0x4000]  }
0x344: {  	s9 =	sor.u32 $0x450, s5;
	v4 =	vld [tilespmem:s7+$0x4000]  }
0x345: {  	s2 =	sadd.s32 $0x80, s1;
	s12 =	sor.u32 $0x460, s5;
	v5 =	vld [tilespmem:s9+$0x4000]  }
0x346: {  	s10 =	sor.u32 $0x400, s2;
	v1 =	vmul.f32 v3, v37;
	v7 =	vld [tilespmem:s12+$0x4000]  }
0x347: {  	s24 =	sor.u32 $0x420, s2;
	v2 =	vmul.f32 v0, v38;
	v6 =	vmul.f32 v58, v40;
	v23 =	vld [tilespmem:s10+$0x4000]  }
0x348: {  	s6 =	sor.u32 $0x430, s5;
	v8 =	vmul.f32 v59, v42;
	v9 =	vmul.f32 v56, v43;
	v39 =	vld [tilespmem:s24+$0x4000]  }
0x349: {  	s31 =	sor.u32 $0x470, s5;
	v11 =	vmul.f32 v52, v44;
	v12 =	vmul.f32 v51, v36;
	v63 =	vld [tilespmem:s6+$0x4000]  }
0x34a: {  	s23 =	sor.u32 $0x410, s2;
	v13 =	vmul.f32 v53, v46;
	v10 =	vld [tilespmem:s31+$0x4000];
	v1 =	vadd.f32 v2, v1;
	v6 =	vadd.f32 v8, v6  }
0x34b: {  	v55 =	vld [tilespmem:s23+$0x4000];
	v9 =	vadd.f32 v11, v9;
	v14 =	vmul.f32 v54, v21;
	v15 =	vmul.f32 v57, v19  }
0x34c: {  	s22 =	sor.u32 $0x430, s2;
	v12 =	vadd.f32 v13, v12;
	v2 =	vmul.f32 v60, v20;
	v8 =	vmul.f32 v4, v24  }
0x34d: {  	s26 =	smov.u32 s21;
	s21 =	sor.u32 $0x440, s2;
	v41 =	vld [tilespmem:s22+$0x4000];
	v1 =	vadd.f32 v6, v1;
	v17 =	vmul.f32 v5, v25;
	v61 =	vmul.f32 v7, v35  }
0x34e: {  	s20 =	sor.u32 $0x450, s2;
	v45 =	vld [tilespmem:s21+$0x4000];
	[tilespmem:$0x1FA70] =	vst v39;
	v50 =	vmul.f32 v23, v21;
	v36 =	vmul.f32 v39, v20;
	v39 =	vadd.f32 v12, v9  }
0x34f: {  	s3 =	sadd.s32 $0x100, s1;
	s19 =	sor.u32 $0x460, s2;
	v48 =	vld [tilespmem:s20+$0x4000];
	[tilespmem:$0x1FA50] =	vst v23;
	v16 =	vmul.f32 v63, v22;
	v18 =	vmul.f32 v10, v26;
	v14 =	vadd.f32 v15, v14  }
0x350: {  	s13 =	sor.u32 $0x430, s3;
	[tilespmem:$0x1FA60] =	vst v55;
	v23 =	vld [tilespmem:s19+$0x4000];
	v55 =	vmul.f32 v55, v19;
	v8 =	vadd.f32 v17, v8;
	v1 =	vadd.f32 v39, v1  }
0x351: {  	s16 =	sor.u32 $0x420, s3;
	v39 =	vld [tilespmem:s13+$0x4000];
	v2 =	vadd.f32 v16, v2;
	v11 =	vadd.f32 v18, v61  }
0x352: {  	s18 =	sor.u32 $0x470, s2;
	v49 =	vadd.f32 v55, v50;
	v55 =	vld [tilespmem:s16+$0x4000]  }
0x353: {  	s17 =	sor.u32 $0x400, s3;
	[tilespmem:$0x1FA80] =	vst v41;
	v41 =	vmul.f32 v41, v22;
	v18 =	vld [tilespmem:s18+$0x4000];
	v2 =	vadd.f32 v2, v14;
	v8 =	vadd.f32 v11, v8  }
0x354: {  	s15 =	sor.u32 $0x410, s3;
	v61 =	vld [tilespmem:s17+$0x4000]  }
0x355: {  	[tilespmem:$0x1FA90] =	vst v45;
	v45 =	vmul.f32 v45, v24;
	v36 =	vadd.f32 v41, v36;
	v14 =	vld [tilespmem:s15+$0x4000];
	v2 =	vadd.f32 v8, v2  }
0x356: {  	s30 =	sor.u32 $0x450, s3;
	v50 =	vmul.f32 v48, v25;
	[tilespmem:$0x1FB00] =	vst v39;
	v39 =	vmul.f32 v39, v22  }
0x357: {  	s14 =	sor.u32 $0x440, s3;
	[tilespmem:$0x1FAA0] =	vst v48;
	v48 =	vld [tilespmem:s30+$0x4000];
	v1 =	vadd.f32 v2, v1;
	v2 =	vadd.f32 v36, v49;
	v36 =	vmul.f32 v55, v20  }
0x358: {  	[tilespmem:$0x1FAB0] =	vst v23;
	v23 =	vmul.f32 v23, v35;
	v11 =	vadd.f32 v50, v45;
	v45 =	vld [tilespmem:s14+$0x4000];
	v41 =	vmul.f32 v18, v26  }
0x359: {  	s9 =	sor.u32 $0x470, s3;
	[tilespmem:$0x1FAD0] =	vst v61;
	v61 =	vmul.f32 v61, v21;
	v13 =	vadd.f32 v39, v36;
	v39 =	vld [tilespmem:$0x1FF90]  }
0x35a: {  	s7 =	sor.u32 $0x460, s3;
	v50 =	vld [tilespmem:s9+$0x4000];
	v6 =	vadd.f32 v41, v23;
	v17 =	vmul.f32 v14, v19;
	v23 =	vperm.xlane v1, v62  }
0x35b: {  	s5 =	sor.u32 $0x420, s1;
	v49 =	vld [tilespmem:s7+$0x4000]  }
0x35c: {  	s12 =	sor.u32 $0x430, s1;
	v9 =	vadd.f32 v17, v61;
	v61 =	vld [tilespmem:s5+$0x4000];
	v8 =	vadd.f32 v1, v23  }
0x35d: {  	v1 =	vld [tilespmem:s12+$0x4000]  }
0x35e: {  	s6 =	sor.u32 $0x400, s1;
	[tilespmem:$0x1FAF0] =	vst v55;
	v41 =	vperm.xlane v8, v39  }
0x35f: {  	v55 =	vld [tilespmem:s6+$0x4000];
	[tilespmem:$0x1FAE0] =	vst v14;
	v12 =	vmul.f32 v45, v24;
	v6 =	vadd.f32 v6, v11  }
0x360: {  	s3 =	sor.u32 $0x410, s1;
	[tilespmem:$0x1FB10] =	vst v45;
	v23 =	vmul.f32 v50, v26;
	v45 =	vmul.f32 v49, v35;
	v14 =	vadd.f32 v8, v41;
	v41 =	vld [tilespmem:$0x1FFA0]  }
0x361: {  	s31 =	sor.u32 $0x440, s1;
	v15 =	vmul.f32 v48, v25;
	v62 =	vld [tilespmem:s3+$0x4000];
	v11 =	vadd.f32 v6, v2  }
0x362: {  	s10 =	sor.u32 $0x460, s1;
	v2 =	vld [tilespmem:s31+$0x4000];
	v16 =	vadd.f32 v23, v45;
	v45 =	vmul.f32 v61, v20;
	v22 =	vmul.f32 v1, v22  }
0x363: {  	v17 =	vadd.f32 v13, v9;
	v9 =	vld [tilespmem:s10+$0x4000]  }
0x364: {  	s2 =	sor.u32 $0x450, s1;
	s1 =	sor.u32 $0x470, s1;
	v12 =	vadd.f32 v15, v12;
	v15 =	vmul.f32 v55, v21;
	v21 =	vadd.f32 v22, v45;
	v45 =	vld [tilespmem:$0x1FFF0]  }
0x365: {  	v6 =	vld [tilespmem:s1+$0x4000];
	v36 =	vperm.xlane v14, v41  }
0x366: {  	v8 =	vld [tilespmem:s2+$0x4000]  }
0x367: {  	[tilespmem:$0x1FAC0] =	vst v18;
	v13 =	vmul.f32 v62, v19;
	v19 =	vld [tilespmem:s0+$0x4010];
	v18 =	vadd.f32 v14, v36  }
0x368: {  	v20 =	vld [tilespmem:s0+$0x4000]  }
0x369: {  	v23 =	vadd.f32 v13, v15;
	v12 =	vadd.f32 v16, v12;
	v15 =	vld [tilespmem:s0+$0x4020];
	v36 =	vperm.xlane v18, v45  }
0x36a: {  	v13 =	vld [tilespmem:s0+$0x4030];
	v24 =	vmul.f32 v2, v24  }
0x36b: {  	v12 =	vadd.f32 v12, v17;
	v17 =	vld [tilespmem:s0+$0x4060];
	v16 =	vmul.f32 v8, v25;
	v22 =	vadd.f32 v18, v36  }
0x36c: {  	v14 =	vld [tilespmem:s0+$0x4040]  }
0x36d: {  	v24 =	vadd.f32 v16, v24;
	v16 =	vld [tilespmem:s0+$0x4050];
	v3 =	vmul.f32 v22, v3  }
0x36e: {  	s5 =	simm.s32 $0x8100;
	v18 =	vld [tilespmem:s0+$0x4070];
	v0 =	vmul.f32 v22, v0  }
0x36f: {  	s6 =	simm.s32 $0x8110;
	[tilespmem:s5+$0x0] =	vst.add.f32.msk $0xffff, v3  }
0x370: {  	v26 =	vmul.f32 v6, v26;
	v3 =	vmul.f32 v22, v58;
	[tilespmem:s6+$0x0] =	vst.add.f32.msk $0xffff, v0  }
0x371: {  	s7 =	simm.s32 $0x8120;
	v21 =	vadd.f32 v21, v23;
	v23 =	vmul.f32 v19, v38;
	v0 =	vmul.f32 v22, v59;
	v59 =	vld [tilespmem:$0x1FEA0]  }
0x372: {  	s9 =	simm.s32 $0x8130;
	v25 =	vmul.f32 v9, v35;
	[tilespmem:s7+$0x0] =	vst.add.f32.msk $0xffff, v3;
	v3 =	vmul.f32 v22, v56  }
0x373: {  	s10 =	simm.s32 $0x8140;
	v35 =	vmul.f32 v20, v37;
	[tilespmem:s9+$0x0] =	vst.add.f32.msk $0xffff, v0;
	v0 =	vmul.f32 v22, v52  }
0x374: {  	s12 =	simm.s32 $0x8150;
	v25 =	vadd.f32 v26, v25;
	v26 =	vmul.f32 v15, v40;
	[tilespmem:s10+$0x0] =	vst.add.f32.msk $0xffff, v3;
	v3 =	vmul.f32 v22, v51  }
0x375: {  	s13 =	simm.s32 $0x8160;
	v36 =	vmul.f32 v13, v42;
	[tilespmem:s12+$0x0] =	vst.add.f32.msk $0xffff, v0;
	v0 =	vmul.f32 v22, v53  }
0x376: {  	s14 =	simm.s32 $0x8170;
	v24 =	vadd.f32 v25, v24;
	v25 =	vmul.f32 v16, v44;
	[tilespmem:s13+$0x0] =	vst.add.f32.msk $0xffff, v3;
	v3 =	vmul.f32 v22, v54  }
0x377: {  	s15 =	simm.s32 $0x8180;
	v58 =	vmul.f32 v14, v43;
	[tilespmem:s14+$0x0] =	vst.add.f32.msk $0xffff, v0;
	v0 =	vmul.f32 v22, v57  }
0x378: {  	s16 =	simm.s32 $0x8190;
	v21 =	vadd.f32 v24, v21;
	v24 =	vmul.f32 v18, v46;
	[tilespmem:s15+$0x0] =	vst.add.f32.msk $0xffff, v3;
	v3 =	vmul.f32 v22, v60  }
0x379: {  	s17 =	simm.s32 $0x81A0;
	v26 =	vadd.f32 v36, v26;
	v36 =	vmul.f32 v17, v59;
	[tilespmem:s16+$0x0] =	vst.add.f32.msk $0xffff, v0;
	v0 =	vmul.f32 v22, v63  }
0x37a: {  	s18 =	simm.s32 $0x81B0;
	v23 =	vadd.f32 v23, v35;
	[tilespmem:s17+$0x0] =	vst.add.f32.msk $0xffff, v3;
	v3 =	vmul.f32 v22, v4  }
0x37b: {  	v25 =	vadd.f32 v25, v58;
	v24 =	vadd.f32 v24, v36;
	[tilespmem:s18+$0x0] =	vst.add.f32.msk $0xffff, v0;
	v0 =	vmul.f32 v22, v5  }
0x37c: {  	s21 =	smov.u32 s26;
	s26 =	simm.s32 $0x81D0;
	[tilespmem:s25+$0x0] =	vst.add.f32.msk $0xffff, v3  }
0x37d: {  	v23 =	vadd.f32 v26, v23;
	v24 =	vadd.f32 v24, v25;
	[tilespmem:s26+$0x0] =	vst.add.f32.msk $0xffff, v0  }
0x37e: {  	v3 =	vmul.f32 v22, v7;
	v0 =	vmul.f32 v22, v10;
	v22 =	vld [tilespmem:$0x1FFE0]  }
0x37f: {  	v53 =	vld [tilespmem:s0+$0x40A0];
	v23 =	vadd.f32 v24, v23  }
0x380: {  	v57 =	vld [tilespmem:s0+$0x40B0]  }
0x381: {  	v21 =	vadd.f32 v21, v23  }
0x382: {  	v52 =	vld [tilespmem:s0+$0x4090]  }
0x383: {  	v51 =	vld [tilespmem:s0+$0x4080];
	v5 =	vperm.xlane v21, v22  }
0x384: {  	[tilespmem:s28+$0x0] =	vst.add.f32.msk $0xffff, v3  }
0x385: {  	v7 =	vmul.f32 v53, v40;
	v36 =	vmul.f32 v57, v42;
	[tilespmem:s29+$0x0] =	vst.add.f32.msk $0xffff, v0;
	v0 =	vadd.f32 v21, v5  }
0x386: {  	v60 =	vld [tilespmem:s0+$0x40E0]  }
0x387: {  	v7 =	vadd.f32 v36, v7;
	v36 =	vld [tilespmem:$0x1FEA0];
	v3 =	vperm.xlane v0, v39  }
0x388: {  	v58 =	vld [tilespmem:s0+$0x40D0]  }
0x389: {  	v54 =	vld [tilespmem:s0+$0x40C0];
	v0 =	vadd.f32 v0, v3  }
0x38a: {  	v59 =	vld [tilespmem:s0+$0x40F0]  }
0x38b: {  	v35 =	vmul.f32 v52, v38;
	v4 =	vld [tilespmem:s0+$0x4120];
	v23 =	vperm.xlane v0, v41  }
0x38c: {  	v25 =	vmul.f32 v60, v36;
	v36 =	vld [tilespmem:$0x1FEA0];
	v3 =	vmul.f32 v51, v37  }
0x38d: {  	v5 =	vld [tilespmem:s0+$0x4130];
	v10 =	vadd.f32 v0, v23  }
0x38e: {  	v56 =	vadd.f32 v35, v3;
	v3 =	vld [tilespmem:s0+$0x4110]  }
0x38f: {  	v0 =	vld [tilespmem:s0+$0x4100];
	v35 =	vperm.xlane v10, v45  }
0x390: {  	v63 =	vmul.f32 v54, v43;
	v21 =	vadd.f32 v7, v56;
	v7 =	vld [tilespmem:s0+$0x4140]  }
0x391: {  	v26 =	vmul.f32 v59, v46;
	v24 =	vmul.f32 v58, v44;
	v56 =	vld [tilespmem:s0+$0x4160];
	v23 =	vadd.f32 v10, v35  }
0x392: {  	v10 =	vld [tilespmem:s0+$0x4150]  }
0x393: {  	v22 =	vadd.f32 v24, v63;
	v25 =	vadd.f32 v26, v25;
	v35 =	vmul.f32 v23, v20;
	v20 =	vld [tilespmem:s0+$0x4170]  }
0x394: {  	v40 =	vmul.f32 v4, v40;
	[tilespmem:s14+$0x0] =	vst.add.f32.msk $0xffff, v34  }
0x395: {  	v22 =	vadd.f32 v25, v22;
	v25 =	vmul.f32 v5, v42;
	v63 =	vmul.f32 v23, v61;
	v61 =	vld [tilespmem:$0x1FB00]  }
0x396: {  	v26 =	vmul.f32 v3, v38;
	v24 =	vmul.f32 v0, v37;
	[tilespmem:s15+$0x0] =	vst.add.f32.msk $0xffff, v33  }
0x397: {  	[tilespmem:s16+$0x0] =	vst.add.f32.msk $0xffff, v32  }
0x398: {  	v25 =	vadd.f32 v25, v40;
	v24 =	vadd.f32 v26, v24;
	[tilespmem:s5+$0x0] =	vst.add.f32.msk $0xffff, v35  }
0x399: {  	v19 =	vmul.f32 v23, v19;
	[tilespmem:s17+$0x0] =	vst.add.f32.msk $0xffff, v31  }
0x39a: {  	v24 =	vadd.f32 v25, v24;
	v25 =	vld [tilespmem:$0x1FFE0]  }
0x39b: {  	v15 =	vmul.f32 v23, v15;
	v13 =	vmul.f32 v23, v13;
	[tilespmem:s6+$0x0] =	vst.add.f32.msk $0xffff, v19  }
0x39c: {  	v26 =	vmul.f32 v7, v43;
	v43 =	vmul.f32 v10, v44;
	[tilespmem:s18+$0x0] =	vst.add.f32.msk $0xffff, v30  }
0x39d: {  	v44 =	vmul.f32 v56, v36;
	[tilespmem:s7+$0x0] =	vst.add.f32.msk $0xffff, v15;
	v31 =	vmul.f32 v20, v46  }
0x39e: {  	v21 =	vadd.f32 v22, v21;
	[tilespmem:s25+$0x0] =	vst.add.f32.msk $0xffff, v29  }
0x39f: {  	v22 =	vadd.f32 v43, v26;
	[tilespmem:s9+$0x0] =	vst.add.f32.msk $0xffff, v13;
	v46 =	vadd.f32 v31, v44  }
0x3a0: {  	[tilespmem:s26+$0x0] =	vst.add.f32.msk $0xffff, v28  }
0x3a1: {  	v11 =	vadd.f32 v11, v21;
	v14 =	vmul.f32 v23, v14;
	[tilespmem:s28+$0x0] =	vst.add.f32.msk $0xffff, v27;
	v21 =	vadd.f32 v46, v22  }
0x3a2: {  	v16 =	vmul.f32 v23, v16;
	v27 =	vmul.f32 v23, v62;
	v62 =	vld [tilespmem:$0x1FFE0]  }
0x3a3: {  	[tilespmem:s10+$0x0] =	vst.add.f32.msk $0xffff, v14;
	v25 =	vperm.xlane v11, v25;
	v21 =	vadd.f32 v21, v24  }
0x3a4: {  	v17 =	vmul.f32 v23, v17;
	[tilespmem:s12+$0x0] =	vst.add.f32.msk $0xffff, v16  }
0x3a5: {  	[tilespmem:s29+$0x0] =	vst.add.f32.msk $0xffff, v47;
	v11 =	vadd.f32 v11, v25;
	v12 =	vadd.f32 v12, v21  }
0x3a6: {  	v18 =	vmul.f32 v23, v18;
	[tilespmem:s13+$0x0] =	vst.add.f32.msk $0xffff, v17  }
0x3a7: {  	v47 =	vld [tilespmem:$0x1FA70];
	v32 =	vperm.xlane v11, v39;
	v33 =	vperm.xlane v12, v62  }
0x3a8: {  	v26 =	vmul.f32 v23, v55;
	[tilespmem:s14+$0x0] =	vst.add.f32.msk $0xffff, v18  }
0x3a9: {  	v46 =	vld [tilespmem:$0x1FA60];
	v11 =	vadd.f32 v11, v32;
	v12 =	vadd.f32 v12, v33  }
0x3aa: {  	v1 =	vmul.f32 v23, v1;
	[tilespmem:s15+$0x0] =	vst.add.f32.msk $0xffff, v26  }
0x3ab: {  	[tilespmem:s16+$0x0] =	vst.add.f32.msk $0xffff, v27;
	v34 =	vperm.xlane v11, v41;
	v13 =	vperm.xlane v12, v39  }
0x3ac: {  	[tilespmem:s17+$0x0] =	vst.add.f32.msk $0xffff, v63  }
0x3ad: {  	v2 =	vmul.f32 v23, v2;
	[tilespmem:s18+$0x0] =	vst.add.f32.msk $0xffff, v1;
	v11 =	vadd.f32 v11, v34;
	v1 =	vadd.f32 v12, v13  }
0x3ae: {  	v8 =	vmul.f32 v23, v8;
	v9 =	vmul.f32 v23, v9;
	v63 =	vld [tilespmem:$0x1FB10]  }
0x3af: {  	[tilespmem:s25+$0x0] =	vst.add.f32.msk $0xffff, v2;
	v14 =	vperm.xlane v11, v45;
	v35 =	vperm.xlane v1, v41  }
0x3b0: {  	v6 =	vmul.f32 v23, v6;
	[tilespmem:s26+$0x0] =	vst.add.f32.msk $0xffff, v8  }
0x3b1: {  	[tilespmem:s28+$0x0] =	vst.add.f32.msk $0xffff, v9;
	v2 =	vadd.f32 v11, v14;
	v1 =	vadd.f32 v1, v35  }
0x3b2: {  	[tilespmem:s29+$0x0] =	vst.add.f32.msk $0xffff, v6  }
0x3b3: {  	v41 =	vmul.f32 v2, v58;
	v58 =	vld [tilespmem:$0x1FAD0];
	v43 =	vperm.xlane v1, v45  }
0x3b4: {  	v44 =	vmul.f32 v2, v59;
	v59 =	vld [tilespmem:$0x1FAE0]  }
0x3b5: {  	v37 =	vmul.f32 v2, v51;
	v13 =	vadd.f32 v1, v43;
	v1 =	vld [tilespmem:$0x1FA80]  }
0x3b6: {  	v11 =	vmul.f32 v2, v52;
	v42 =	vmul.f32 v2, v60;
	v60 =	vld [tilespmem:$0x1FAF0]  }
0x3b7: {  	[tilespmem:s5+$0x0] =	vst.add.f32.msk $0xffff, v37  }
0x3b8: {  	[tilespmem:s6+$0x0] =	vst.add.f32.msk $0xffff, v11  }
0x3b9: {  	v38 =	vmul.f32 v2, v53;
	v45 =	vld [tilespmem:$0x1FA50]  }
0x3ba: {  	v39 =	vmul.f32 v2, v57;
	v51 =	vmul.f32 v2, v1;
	v1 =	vld [tilespmem:$0x1FA90]  }
0x3bb: {  	v40 =	vmul.f32 v2, v54;
	[tilespmem:s7+$0x0] =	vst.add.f32.msk $0xffff, v38  }
0x3bc: {  	[tilespmem:s9+$0x0] =	vst.add.f32.msk $0xffff, v39  }
0x3bd: {  	[tilespmem:s10+$0x0] =	vst.add.f32.msk $0xffff, v40  }
0x3be: {  	[tilespmem:s12+$0x0] =	vst.add.f32.msk $0xffff, v41  }
0x3bf: {  	v52 =	vmul.f32 v2, v1;
	v1 =	vld [tilespmem:$0x1FAA0]  }
0x3c0: {  	v55 =	vmul.f32 v13, v0;
	[tilespmem:s13+$0x0] =	vst.add.f32.msk $0xffff, v42  }
0x3c1: {  	v14 =	vmul.f32 v2, v45;
	[tilespmem:s14+$0x0] =	vst.add.f32.msk $0xffff, v44  }
0x3c2: {  	[tilespmem:s5+$0x0] =	vst.add.f32.msk $0xffff, v55  }
0x3c3: {  	v3 =	vmul.f32 v13, v3;
	[tilespmem:s15+$0x0] =	vst.add.f32.msk $0xffff, v14  }
0x3c4: {  	v12 =	vmul.f32 v2, v46;
	v53 =	vmul.f32 v2, v1;
	v1 =	vld [tilespmem:$0x1FAB0]  }
0x3c5: {  	v4 =	vmul.f32 v13, v4;
	[tilespmem:s6+$0x0] =	vst.add.f32.msk $0xffff, v3  }
0x3c6: {  	v15 =	vmul.f32 v2, v47;
	[tilespmem:s16+$0x0] =	vst.add.f32.msk $0xffff, v12  }
0x3c7: {  	[tilespmem:s7+$0x0] =	vst.add.f32.msk $0xffff, v4  }
0x3c8: {  	v5 =	vmul.f32 v13, v5;
	[tilespmem:s17+$0x0] =	vst.add.f32.msk $0xffff, v15  }
0x3c9: {  	v54 =	vmul.f32 v2, v1;
	v1 =	vld [tilespmem:$0x1FAC0]  }
0x3ca: {  	s8 =	sadd.s32 $0x4, s8;
	v57 =	vmul.f32 v13, v7;
	[tilespmem:s9+$0x0] =	vst.add.f32.msk $0xffff, v5  }
0x3cb: {  	p1 =	slt.u32 s8, s21;
	v0 =	vmul.f32 v13, v56;
	v34 =	vmul.f32 v13, v20;
	[tilespmem:s18+$0x0] =	vst.add.f32.msk $0xffff, v51  }
.Ltmp14:
0x3cc: {  	v33 =	vmul.f32 v13, v58;
	v32 =	vmul.f32 v13, v59;
	[tilespmem:s10+$0x0] =	vst.add.f32.msk $0xffff, v57;
	(pc) =	sbr.rel @p1 .LBB2_13-.Ltmp14, $4  }
0x3cd: {  	v31 =	vmul.f32 v13, v60;
	v30 =	vmul.f32 v13, v61;
	[tilespmem:s25+$0x0] =	vst.add.f32.msk $0xffff, v52  }
0x3ce: {  	v29 =	vmul.f32 v13, v63;
	[tilespmem:s26+$0x0] =	vst.add.f32.msk $0xffff, v53;
	v2 =	vmul.f32 v2, v1  }
0x3cf: {  	v28 =	vmul.f32 v13, v48;
	v27 =	vmul.f32 v13, v49;
	[tilespmem:s28+$0x0] =	vst.add.f32.msk $0xffff, v54  }
0x3d0: {  	s11 =	sadd.s32 $0x200, s11;
	s4 =	sadd.s32 $0x400, s4;
	v47 =	vmul.f32 v13, v50;
	v1 =	vmul.f32 v13, v10;
	[tilespmem:s29+$0x0] =	vst.add.f32.msk $0xffff, v2  }
.LBB2_14:
0x3d1: {  	_ = 	snop  }
0x3d2: {  	[tilespmem:s12+$0x0] =	vst.add.f32.msk $0xffff, v1  }
0x3d3: {  	[tilespmem:s13+$0x0] =	vst.add.f32.msk $0xffff, v0  }
0x3d4: {  	[tilespmem:s14+$0x0] =	vst.add.f32.msk $0xffff, v34  }
0x3d5: {  	[tilespmem:s15+$0x0] =	vst.add.f32.msk $0xffff, v33  }
0x3d6: {  	[tilespmem:s16+$0x0] =	vst.add.f32.msk $0xffff, v32  }
0x3d7: {  	[tilespmem:s17+$0x0] =	vst.add.f32.msk $0xffff, v31  }
0x3d8: {  	[tilespmem:s18+$0x0] =	vst.add.f32.msk $0xffff, v30  }
0x3d9: {  	[tilespmem:s25+$0x0] =	vst.add.f32.msk $0xffff, v29  }
0x3da: {  	[tilespmem:s26+$0x0] =	vst.add.f32.msk $0xffff, v28  }
0x3db: {  	[tilespmem:s28+$0x0] =	vst.add.f32.msk $0xffff, v27  }
0x3dc: {  	[tilespmem:s29+$0x0] =	vst.add.f32.msk $0xffff, v47  }
0x3dd: {  	v31 =	vld [tilespmem:$0x1FFB0]  }
0x3de: {  	v32 =	vld [tilespmem:$0x1FFC0]  }
0x3df: {  	v33 =	vld [tilespmem:$0x1FFD0]  }
0x3e0: {  	v55 =	vld [tilespmem:$0x1FFF0]  }
0x3e1: {  	v34 =	vld [tilespmem:$0x1FEB0]  }
0x3e2: {  	v37 =	vld [tilespmem:$0x1FEE0]  }
0x3e3: {  	v51 =	vld [tilespmem:$0x1FEF0]  }
0x3e4: {  	v52 =	vld [tilespmem:$0x1FF00]  }
0x3e5: {  	v53 =	vld [tilespmem:$0x1FF10]  }
0x3e6: {  	v56 =	vld [tilespmem:$0x1FF50]  }
0x3e7: {  	v60 =	vld [tilespmem:$0x1FF70]  }
0x3e8: {  	v63 =	vld [tilespmem:$0x1FF80]  }
0x3e9: {  	v35 =	vld [tilespmem:$0x1FEC0]  }
0x3ea: {  	s4 =	rddreg [dreg:$0xc];
	v54 =	vld [tilespmem:$0x1FF20]  }
0x3eb: {  	v57 =	vld [tilespmem:$0x1FF30];
	s8 =	rddreg [dreg:$0xf]  }
0x3ec: {  	v38 =	vld [tilespmem:$0x1FED0];
	s11 =	rddreg [dreg:$0x11]  }
0x3ed: {  	v58 =	vld [tilespmem:$0x1FF40];
	s19 =	rddreg [dreg:$0x12]  }
0x3ee: {  	v59 =	vld [tilespmem:$0x1FF60];
	s20 =	rddreg [dreg:$0x14]  }
.LBB2_15:
0x3ef: {  	p0 =	seq.s32 s21, s20  }
.Ltmp15:
0x3f0: {  	_ = 	snop;
	(pc) =	sbr.rel @p0 .LBB2_18-.Ltmp15, $2  }
0x3f1: {  	_ =	sdelay $0x2  }
0x3f2: {  	v39 =	vld [tilespmem:$0x1FE90]  }
0x3f3: {  	p0 =	sgt.s32 s8, $0x0;
	s0 =	smov.u32 s8  }
0x3f4: {  	s0 =	simm.s32 @!p0 $0x0  }
0x3f5: {  	s0 =	smin.u32 s0, $0x40  }
0x3f6: {  	s1 =	sshrl.u32 s0, $0x2  }
0x3f7: {  	s0 =	sshll.u32 s1, $0x9;
	s1 =	sshll.u32 s1, $0xA  }
.LBB2_17:
0x3f8: {  	s2 =	sand.u32 $0x7FFFF800, s1;
	s3 =	sand.u32 $0x380, s0  }
0x3f9: {  	s2 =	sor.u32 s3, s2  }
0x3fa: {  	v0 =	vld [tilespmem:s2+$0x4000]  }
0x3fb: {  	v1 =	vld [tilespmem:s2+$0x4010]  }
0x3fc: {  	v2 =	vld [tilespmem:s2+$0x4020]  }
0x3fd: {  	v3 =	vld [tilespmem:s2+$0x4030]  }
0x3fe: {  	v4 =	vld [tilespmem:s2+$0x4040]  }
0x3ff: {  	v5 =	vld [tilespmem:s2+$0x4050]  }
0x400: {  	v6 =	vld [tilespmem:s2+$0x4060]  }
0x401: {  	v7 =	vld [tilespmem:s2+$0x4070]  }
0x402: {  	v8 =	vld [tilespmem:s2+$0x4400]  }
0x403: {  	v9 =	vld [tilespmem:s2+$0x4410]  }
0x404: {  	v10 =	vld [tilespmem:s2+$0x4420]  }
0x405: {  	v11 =	vld [tilespmem:s2+$0x4430]  }
0x406: {  	v12 =	vld [tilespmem:s2+$0x4440];
	v13 =	vmul.f32 v0, v34;
	v14 =	vmul.f32 v1, v37  }
0x407: {  	v15 =	vld [tilespmem:s2+$0x4450];
	v16 =	vmul.f32 v2, v51;
	v17 =	vmul.f32 v3, v52  }
0x408: {  	v18 =	vld [tilespmem:s2+$0x4460];
	v19 =	vmul.f32 v4, v53;
	v20 =	vmul.f32 v5, v56  }
0x409: {  	v21 =	vld [tilespmem:s2+$0x4470];
	v22 =	vmul.f32 v6, v36;
	v23 =	vmul.f32 v7, v60  }
0x40a: {  	v24 =	vmul.f32 v8, v63;
	v25 =	vmul.f32 v9, v35  }
0x40b: {  	v26 =	vmul.f32 v10, v54;
	v27 =	vmul.f32 v11, v57  }
0x40c: {  	v28 =	vmul.f32 v12, v38;
	v29 =	vmul.f32 v15, v58  }
0x40d: {  	v30 =	vmul.f32 v18, v59;
	v13 =	vadd.f32 v14, v13;
	v44 =	vadd.f32 v17, v16  }
0x40e: {  	v45 =	vmul.f32 v21, v39;
	v46 =	vadd.f32 v20, v19;
	v47 =	vadd.f32 v23, v22  }
0x40f: {  	v48 =	vadd.f32 v25, v24;
	v49 =	vadd.f32 v27, v26  }
0x410: {  	v50 =	vadd.f32 v29, v28;
	v16 =	vadd.f32 v45, v30  }
0x411: {  	v13 =	vadd.f32 v44, v13;
	v61 =	vadd.f32 v47, v46  }
0x412: {  	v24 =	vadd.f32 v49, v48;
	v16 =	vadd.f32 v16, v50;
	_ =	sdelay $0x1  }
0x413: {  	v13 =	vadd.f32 v61, v13;
	v25 =	vadd.f32 v16, v24;
	_ =	sdelay $0x1  }
0x414: {  	v13 =	vadd.f32 v25, v13;
	_ =	sdelay $0x1  }
0x415: {  	v14 =	vperm.xlane v13, v62;
	_ =	sdelay $0x1  }
0x416: {  	v13 =	vadd.f32 v13, v14;
	_ =	sdelay $0x1  }
0x417: {  	v14 =	vperm.xlane v13, v31;
	_ =	sdelay $0x1  }
0x418: {  	v13 =	vadd.f32 v13, v14;
	_ =	sdelay $0x1  }
0x419: {  	v14 =	vperm.xlane v13, v32;
	_ =	sdelay $0x1  }
0x41a: {  	v13 =	vadd.f32 v13, v14;
	_ =	sdelay $0x1  }
0x41b: {  	v14 =	vperm.xlane v13, v33;
	_ =	sdelay $0x1  }
0x41c: {  	v13 =	vadd.f32 v13, v14;
	_ =	sdelay $0x1  }
0x41d: {  	v0 =	vmul.f32 v13, v0  }
0x41e: {  	v1 =	vmul.f32 v13, v1  }
0x41f: {  	v26 =	vmul.f32 v13, v2;
	[tilespmem:s5+$0x0] =	vst.add.f32.msk $0xffff, v0  }
0x420: {  	v27 =	vmul.f32 v13, v3;
	[tilespmem:s6+$0x0] =	vst.add.f32.msk $0xffff, v1  }
0x421: {  	v40 =	vmul.f32 v13, v4;
	[tilespmem:s7+$0x0] =	vst.add.f32.msk $0xffff, v26  }
0x422: {  	v41 =	vmul.f32 v13, v5;
	[tilespmem:s9+$0x0] =	vst.add.f32.msk $0xffff, v27  }
0x423: {  	v42 =	vmul.f32 v13, v6;
	[tilespmem:s10+$0x0] =	vst.add.f32.msk $0xffff, v40  }
0x424: {  	v43 =	vmul.f32 v13, v7;
	[tilespmem:s12+$0x0] =	vst.add.f32.msk $0xffff, v41  }
0x425: {  	v44 =	vmul.f32 v13, v8;
	[tilespmem:s13+$0x0] =	vst.add.f32.msk $0xffff, v42  }
0x426: {  	v45 =	vmul.f32 v13, v9;
	[tilespmem:s14+$0x0] =	vst.add.f32.msk $0xffff, v43  }
0x427: {  	v46 =	vmul.f32 v13, v10;
	[tilespmem:s15+$0x0] =	vst.add.f32.msk $0xffff, v44  }
0x428: {  	s21 =	sadd.s32 $0x1, s21;
	v47 =	vmul.f32 v13, v11;
	[tilespmem:s16+$0x0] =	vst.add.f32.msk $0xffff, v45  }
0x429: {  	p0 =	slt.u32 s21, s20;
	v48 =	vmul.f32 v13, v12;
	[tilespmem:s17+$0x0] =	vst.add.f32.msk $0xffff, v46  }
.Ltmp16:
0x42a: {  	v49 =	vmul.f32 v13, v15;
	[tilespmem:s18+$0x0] =	vst.add.f32.msk $0xffff, v47;
	(pc) =	sbr.rel @p0 .LBB2_17-.Ltmp16, $4  }
0x42b: {  	v50 =	vmul.f32 v13, v18;
	[tilespmem:s25+$0x0] =	vst.add.f32.msk $0xffff, v48  }
0x42c: {  	v61 =	vmul.f32 v13, v21;
	[tilespmem:s26+$0x0] =	vst.add.f32.msk $0xffff, v49  }
0x42d: {  	[tilespmem:s28+$0x0] =	vst.add.f32.msk $0xffff, v50  }
0x42e: {  	s0 =	sadd.s32 $0x80, s0;
	s1 =	sadd.s32 $0x100, s1;
	[tilespmem:s29+$0x0] =	vst.add.f32.msk $0xffff, v61  }
.Ltmp17:
0x42f: {  	_ = 	snop;
	(pc) =	sbr.rel .LBB2_18-.Ltmp17, $1  }
0x430: {  	_ =	sdelay $0x3  }
.LBB2_21:
0x431: {  	_ =	sfence.sel $0x180000  }
0x432: {  	[bflag:$0x0] =	sbarrier.arrive $0xFFFF  }
0x433: {  	_ =	strace $0x90000047  }
0x434: {  	s0 =	stileid.u32;
	[bflag:$0x2] =	sbarrier.arrive $0xFFFF  }
0x435: {  	p0 =	sne.s32 s0, $0x0;
	s0 =	rddreg [dreg:$0x3]  }
0x436: {  	s0 =	sadd.s32 @!p0 $0x100000, s0  }
0x437: {  	[sflag:s0] =	ssyncadd.tile.s32 @!p0 $0x1;
	_ =	shalt  }
.Lfunc_end2:
_tile_overlayer_lowered:
.L_overlay_start_2:
0x438: {  	(tag) =	ssettag $0x2  }
0x439: {  	s0 =	rddreg [dreg:$0x0];
	s2 =	stileid.u32  }
0x43a: {  	s1 =	rddreg [dreg:$0x1];
	p0 =	sne.s32 s2, $0x0  }
0x43b: {  	s3 =	rddreg [dreg:$0x2];
	[bflag:$0x3] =	sbarrier.arrive $0xFFFF;
	s2 =	simm.s32 @!p0 $0x1C03  }
0x43c: {  	[timem:s3], [sflag:s2] =	dma.local @!p0 [hbm:s0], s1  }
0x43d: {  	s0 =	simm.s32 @!p0 $0x3  }
0x43e: {  	_ =	swait.ge @!p0 [sflag:s0], s1  }
0x43f: {  	s1 =	ssub.s32 @!p0 $0x0, s1;
	[sflag:s0] =	ssyncset.done @!p0 $0x0  }
0x440: {  	[sflag:s0] =	ssyncadd.s32 @!p0 s1  }
0x441: {  	[bflag:$0x3] =	sbarrier.arrive $0xFFFF  }
0x442: {  	_ =	shalt  }

</sc_bundles>
